<compile_context>
chip_gen: v7x
topology: tpu7x:2x2x1
jax: 0.10.2.dev20260603
libtpu: 0.0.44.dev20260713+nightly
codegen_flags: <defaults>
</compile_context>

<pallas_src>
import jax
import jax.numpy as jnp
from jax import lax
from jax.experimental import pallas as pl
from jax.experimental.pallas import tpu as pltpu
from jax.experimental.pallas import tpu_sc as plsc

_B, _T = 1024, 200
_N = _B * _T
_VOCAB = 100000
_EMB = 64
_OUT_D = 3 * _EMB + 32
_EPS = 1e-5

_NC, _NS = 2, 16
_NW = _NC * _NS
_IDXROW = 128


def _make_sc_body(start, nrows, ch_rows, two_tables):
    rows_per_w = nrows // _NW
    ch = ch_rows * _IDXROW
    nch = rows_per_w // ch
    assert nch % 2 == 0

    def body(*refs):
        if two_tables:
            (i0_hbm, i1_hbm, t0_hbm, t1_hbm, o_hbm,
             idx_v, rows_v, gsem, wsem0, wsem1) = refs
            work = ((i0_hbm, t0_hbm, o_hbm, 0),
                    (i1_hbm, t1_hbm, o_hbm, _EMB))
        else:
            (i2_hbm, t2_hbm, o_hbm,
             idx_v, rows_v, gsem, wsem0, wsem1) = refs
            work = ((i2_hbm, t2_hbm, o_hbm, 0),)
        wid = lax.axis_index("s") * _NC + lax.axis_index("c")
        gbase = start + wid * rows_per_w
        obase = wid * rows_per_w

        for ih, th, oh, col in work:
            pltpu.sync_copy(ih.at[pl.ds(gbase, rows_per_w)], idx_v)

            @pl.loop(0, nch // 2)
            def _(k):
                for p, wsem in ((0, wsem0), (1, wsem1)):
                    c = 2 * k + p
                    q0 = obase + c * ch

                    @pl.when(k > 0)
                    def _():
                        pltpu.make_async_copy(
                            rows_v.at[p],
                            oh.at[pl.ds(q0, ch), pl.ds(col, _EMB)],
                            wsem).wait()

                    cps = []
                    for j in range(ch_rows):
                        off = c * ch + j * _IDXROW
                        cps.append(pltpu.async_copy(
                            th.at[idx_v.at[pl.ds(off, _IDXROW)]],
                            rows_v.at[p, pl.ds(j * _IDXROW, _IDXROW)], gsem))
                    for cp in cps:
                        cp.wait()
                    pltpu.async_copy(
                        rows_v.at[p],
                        oh.at[pl.ds(q0, ch), pl.ds(col, _EMB)], wsem)

            for p, wsem in ((0, wsem0), (1, wsem1)):
                q0 = obase + (nch - 2 + p) * ch
                pltpu.make_async_copy(
                    rows_v.at[p],
                    oh.at[pl.ds(q0, ch), pl.ds(col, _EMB)], wsem).wait()
    return body


def _sc_gather(start, nrows, ch_rows, idxs, tabs):
    mesh = plsc.VectorSubcoreMesh(core_axis_name="c", subcore_axis_name="s",
                                  num_cores=_NC, num_subcores=_NS)
    ch = ch_rows * _IDXROW
    wide_ty = jax.ShapeDtypeStruct((nrows, 2 * _EMB), jnp.float32)
    k = pl.kernel(
        _make_sc_body(start, nrows, ch_rows, len(tabs) == 2),
        out_type=wide_ty,
        mesh=mesh,
        scratch_types=[
            pltpu.VMEM((nrows // _NW,), jnp.int32),
            pltpu.VMEM((2, ch, _EMB), jnp.float32),
            pltpu.SemaphoreType.DMA,
            pltpu.SemaphoreType.DMA,
            pltpu.SemaphoreType.DMA,
        ],
        compiler_params=pltpu.CompilerParams(use_tc_tiling_on_sc=False),
    )
    return k(*idxs, *tabs)


_TB = 8


def _make_fuse_body(t_base, aliased):
    def body(*refs):
        if aliased:
            refs = refs[1:]
        (c01_ref, c2_ref, nf0_ref, nf1_ref, seq_ref, wb_ref,
         scal_ref, out_ref, stat_ref) = refs
        i = pl.program_id(0)
        seq = seq_ref[...]

        @pl.when(i == 0)
        def _():
            iota_t = lax.broadcasted_iota(jnp.int32, (_T, _B), 0)
            mfull = (iota_t < seq).astype(jnp.float32)
            cnt = jnp.maximum(jnp.sum(mfull), 1.0)
            for f, ref in enumerate((nf0_ref, nf1_ref)):
                xf = ref[...]
                s1 = jnp.sum(xf * mfull)
                s2 = jnp.sum(xf * xf * mfull)
                mean = s1 / cnt
                var = jnp.maximum(s2 / cnt - mean * mean, 0.0)
                stat_ref[2 * f] = mean
                stat_ref[2 * f + 1] = lax.rsqrt(var + _EPS)

        t0 = i * _TB + t_base
        iota_b = lax.broadcasted_iota(jnp.int32, (_TB, _B), 0) + t0
        mask = iota_b < seq

        c01 = jnp.swapaxes(c01_ref[...], 1, 2)
        c2 = jnp.swapaxes(c2_ref[...], 1, 2)[:, :_EMB, :]
        pieces = [c01, c2]
        for f, ref in enumerate((nf0_ref, nf1_ref)):
            mean = stat_ref[2 * f]
            rstd = stat_ref[2 * f + 1]
            gamma = scal_ref[2 * f]
            beta = scal_ref[2 * f + 1]
            x = ref[pl.ds(t0, _TB), :]
            xn = (x - mean) * (rstd * gamma) + beta
            y = jnp.where(mask, xn, x)
            w = wb_ref[2 * f, :]
            b = wb_ref[2 * f + 1, :]
            pieces.append(y[:, None, :] * w[None, :, None]
                          + b[None, :, None])
        out_ref[...] = jnp.concatenate(pieces, axis=1)
    return body


def _tc_fuse(t_base, nsteps, c01, c2, nf0, nf1, seq2d, wb, scal, prev=None):
    blk_base = t_base // _TB
    cat_spec = pl.BlockSpec((_TB, _B, 2 * _EMB), lambda i: (i, 0, 0))
    in_specs = [
        cat_spec, cat_spec,
        pl.BlockSpec((_T, _B), lambda i: (0, 0)),
        pl.BlockSpec((_T, _B), lambda i: (0, 0)),
        pl.BlockSpec((1, _B), lambda i: (0, 0)),
        pl.BlockSpec((4, 16), lambda i: (0, 0)),
        pl.BlockSpec(memory_space=pltpu.SMEM),
    ]
    args = [c01, c2, nf0, nf1, seq2d, wb, scal]
    aliases = {}
    if prev is not None:
        in_specs = [pl.BlockSpec(memory_space=pl.ANY)] + in_specs
        args = [prev] + args
        aliases = {0: 0}
    return pl.pallas_call(
        _make_fuse_body(t_base, prev is not None),
        grid=(nsteps,),
        in_specs=in_specs,
        out_specs=pl.BlockSpec((_TB, _OUT_D, _B),
                               lambda i: (i + blk_base, 0, 0)),
        out_shape=jax.ShapeDtypeStruct((_T, _OUT_D, _B), jnp.float32),
        input_output_aliases=aliases,
        scratch_shapes=[pltpu.SMEM((4,), jnp.float32)],
    )(*args)


def kernel(emb_feat_0, emb_feat_1, emb_feat_2, num_feat_0, num_feat_1,
           event_time, seq_lens, emb_table_0, emb_table_1, emb_table_2,
           bn_gamma_0, bn_beta_0, bn_gamma_1, bn_beta_1,
           lin_w_0, lin_b_0, lin_w_1, lin_b_1):
    idx0 = jnp.transpose(emb_feat_0.astype(jnp.int32), (1, 0)).reshape(_N)
    idx1 = jnp.transpose(emb_feat_1.astype(jnp.int32), (1, 0)).reshape(_N)
    idx2 = jnp.transpose(emb_feat_2.astype(jnp.int32), (1, 0)).reshape(_N)

    c01 = _sc_gather(0, _N, 5, (idx0, idx1), (emb_table_0, emb_table_1))
    c2 = _sc_gather(0, _N, 5, (idx2,), (emb_table_2,))

    seq2d = seq_lens.astype(jnp.int32).reshape(1, _B)
    wb = jnp.stack([lin_w_0[0].astype(jnp.float32),
                    lin_b_0.astype(jnp.float32),
                    lin_w_1[0].astype(jnp.float32),
                    lin_b_1.astype(jnp.float32)], axis=0)
    scal = jnp.stack([bn_gamma_0.astype(jnp.float32),
                      bn_beta_0.astype(jnp.float32),
                      bn_gamma_1.astype(jnp.float32),
                      bn_beta_1.astype(jnp.float32)])

    nf0_t = jnp.transpose(num_feat_0.astype(jnp.float32), (1, 0))
    nf1_t = jnp.transpose(num_feat_1.astype(jnp.float32), (1, 0))

    out_t = _tc_fuse(0, _T // _TB, c01.reshape(_T, _B, 2 * _EMB),
                     c2.reshape(_T, _B, 2 * _EMB),
                     nf0_t, nf1_t, seq2d, wb, scal)
    out = jnp.transpose(out_t, (2, 0, 1))
    return out, event_time.astype(jnp.float32)

# --- scband reference (transcript-rebuilt; emitter-appended) ---
"""Pipeline reference for scband-feature-processor-12266426597510 (READ-ONLY COPY).

The authoritative reference and input builder live on the scoring server;
editing this copy changes nothing except your own understanding.
"""

import jax, jax.numpy as jnp
import numpy as np

B, T = 1024, 200
VOCAB, EMB = 100000, 64
NUM_EMB = 16
EPS = 1e-5


def setup_inputs(seed: int = 0) -> dict:
    key = jax.random.key(seed)
    ks = jax.random.split(key, 16)
    inp = {}
    inp['emb_feat_0'] = jax.random.randint(ks[0], (B, T), 0, VOCAB)
    inp['emb_feat_1'] = jax.random.randint(ks[1], (B, T), 0, VOCAB)
    inp['emb_feat_2'] = jax.random.randint(ks[2], (B, T), 0, VOCAB)
    inp['num_feat_0'] = jax.random.normal(ks[3], (B, T), dtype=jnp.float32)
    inp['num_feat_1'] = jax.random.normal(ks[4], (B, T), dtype=jnp.float32)
    inp['event_time'] = jax.random.uniform(ks[5], (B, T), dtype=jnp.float32)
    inp['seq_lens'] = jax.random.randint(ks[6], (B,), 0, T)
    inp['emb_table_0'] = jax.random.normal(ks[7], (VOCAB, EMB), dtype=jnp.float32) * 0.02
    inp['emb_table_1'] = jax.random.normal(ks[8], (VOCAB, EMB), dtype=jnp.float32) * 0.02
    inp['emb_table_2'] = jax.random.normal(ks[9], (VOCAB, EMB), dtype=jnp.float32) * 0.02
    inp['bn_gamma_0'] = jnp.ones(())
    inp['bn_beta_0'] = jnp.zeros(())
    inp['bn_gamma_1'] = jnp.ones(())
    inp['bn_beta_1'] = jnp.zeros(())
    inp['lin_w_0'] = jax.random.normal(ks[10], (1, NUM_EMB), dtype=jnp.float32) * 0.1
    inp['lin_b_0'] = jnp.zeros((NUM_EMB,))
    inp['lin_w_1'] = jax.random.normal(ks[11], (1, NUM_EMB), dtype=jnp.float32) * 0.1
    inp['lin_b_1'] = jnp.zeros((NUM_EMB,))
    return inp


def _rbn_with_lens(x, seq_lens, gamma, beta):
    # BatchNorm1d(1) in training mode applied only to non-padded positions;
    # padded positions pass through unchanged. Output shape [B, T, 1].
    mask = jnp.arange(T)[None, :] < seq_lens[:, None]
    m = mask.astype(x.dtype)
    cnt = jnp.maximum(m.sum(), 1.0)
    mean = (x * m).sum() / cnt
    var = (((x - mean) ** 2) * m).sum() / cnt  # biased var, as BN uses for normalization
    xn = (x - mean) / jnp.sqrt(var + EPS) * gamma + beta
    out = jnp.where(mask, xn, x)
    return out[..., None]


def reference(emb_feat_0, emb_feat_1, emb_feat_2, num_feat_0, num_feat_1,
              event_time, seq_lens, emb_table_0, emb_table_1, emb_table_2,
              bn_gamma_0, bn_beta_0, bn_gamma_1, bn_beta_1,
              lin_w_0, lin_b_0, lin_w_1, lin_b_1):
    time_steps = event_time.astype(jnp.float32)
    # categorical embeddings (gather)
    cat0 = jnp.take(emb_table_0, emb_feat_0, axis=0)
    cat1 = jnp.take(emb_table_1, emb_feat_1, axis=0)
    cat2 = jnp.take(emb_table_2, emb_feat_2, axis=0)
    categoric_tensor = jnp.concatenate([cat0, cat1, cat2], axis=-1)
    # numeric features: masked batchnorm then Linear(1 -> NUM_EMB)
    n0 = _rbn_with_lens(num_feat_0, seq_lens, bn_gamma_0, bn_beta_0)
    n0 = n0 @ lin_w_0 + lin_b_0
    n1 = _rbn_with_lens(num_feat_1, seq_lens, bn_gamma_1, bn_beta_1)
    n1 = n1 @ lin_w_1 + lin_b_1
    numeric_tensor = jnp.concatenate([n0, n1], axis=-1)
    out = jnp.concatenate([categoric_tensor, numeric_tensor], axis=-1)
    return (out, time_steps)

if __name__ == "__main__":
    import jax
    _d = setup_inputs()
    print(jax.jit(kernel)(*tuple(_d.values())))

</pallas_src>

<mosaic_0001>
#map = affine_map<(d0, d1) -> (0)>
#map1 = affine_map<(d0, d1) -> (0, 0)>
module attributes {stable_mosaic.version = 14 : i64} {
  func.func @body(%arg0: i32, %arg1: i32, %arg2: memref<204800xi32, #tpu.memory_space<hbm>>, %arg3: memref<204800xi32, #tpu.memory_space<hbm>>, %arg4: memref<100000x64xf32, #tpu.memory_space<hbm>>, %arg5: memref<100000x64xf32, #tpu.memory_space<hbm>>, %arg6: memref<204800x128xf32, #tpu.memory_space<hbm>>, %arg7: memref<6400xi32, #tpu.memory_space<vmem>>, %arg8: memref<2x640x64xf32, #tpu.memory_space<vmem>>, %arg9: memref<!tpu.dma_semaphore, #tpu.memory_space<semaphore_mem>>, %arg10: memref<!tpu.dma_semaphore, #tpu.memory_space<semaphore_mem>>, %arg11: memref<!tpu.dma_semaphore, #tpu.memory_space<semaphore_mem>>) attributes {dimension_semantics = [#tpu.dimension_semantics<core_parallel>, #tpu.dimension_semantics<subcore_parallel>], iteration_bounds = array<i64: 2, 16>, scalar_prefetch = 0 : i64, scratch_operands = 5 : i64, tpu.core_type = #tpu.core_type<sc_vector_subcore>, window_params = [{transform_indices = #map}, {transform_indices = #map}, {transform_indices = #map1}, {transform_indices = #map1}, {transform_indices = #map1}]} {
    %mul3A = arith.constant 2 : i32
    %mul3A_0 = arith.muli %arg1, %mul3A : i32
    %add3A = arith.addi %mul3A_0, %arg0 : i32
    %mul3A_1 = arith.constant 6400 : i32
    %mul3A_2 = arith.muli %add3A, %mul3A_1 : i32
    %add3A_3 = arith.constant 0 : i32
    %add3A_4 = arith.addi %add3A_3, %mul3A_2 : i32
    %mul3A_5 = arith.constant 6400 : i32
    %mul3A_6 = arith.muli %add3A, %mul3A_5 : i32
    "tpu.region"() ({
      %run_scoped3A = tpu.sem_alloc : memref<!tpu.dma_semaphore, #tpu.memory_space<semaphore_mem>>
      %dma_start3A = tpu.memref_slice %arg2[%add3A_4] : memref<204800xi32, #tpu.memory_space<hbm>> -> memref<6400xi32, #tpu.memory_space<hbm>>
      %dma_start3A_75 = tpu.memref_slice %arg2[%add3A_4] : memref<204800xi32, #tpu.memory_space<hbm>> -> memref<6400xi32, #tpu.memory_space<hbm>>
      tpu.enqueue_dma source(%dma_start3A_75 : memref<6400xi32, #tpu.memory_space<hbm>>) target(%arg7 : memref<6400xi32, #tpu.memory_space<vmem>>) target_semaphore(%run_scoped3A : memref<!tpu.dma_semaphore, #tpu.memory_space<semaphore_mem>>)
      %dma_wait3A_76 = tpu.memref_slice %arg2[%add3A_4] : memref<204800xi32, #tpu.memory_space<hbm>> -> memref<6400xi32, #tpu.memory_space<hbm>>
      %dma_wait3A_77 = tpu.memref_slice %arg2[%add3A_4] : memref<204800xi32, #tpu.memory_space<hbm>> -> memref<6400xi32, #tpu.memory_space<hbm>>
      tpu.wait_dma2 semaphore(%run_scoped3A : memref<!tpu.dma_semaphore, #tpu.memory_space<semaphore_mem>>) src(%dma_wait3A_77 : memref<6400xi32, #tpu.memory_space<hbm>>) dst(%arg7 : memref<6400xi32, #tpu.memory_space<vmem>>)
      tpu.yield
    }) : () -> ()
    %scan3A = arith.constant 0 : i32
    %scan3A_7 = arith.constant 5 : i32
    %scan3A_8 = arith.addi %scan3A, %scan3A_7 : i32
    %scan3A_9 = arith.constant 1 : i32
    scf.for %scan3A_75 = %scan3A to %scan3A_8 step %scan3A_9  : i32 {
      %mul3A_76 = arith.constant 1 : i32
      %mul3A_77 = arith.muli %scan3A_75, %mul3A_76 : i32
      %add3A_78 = arith.constant 0 : i32
      %add3A_79 = arith.addi %add3A_78, %mul3A_77 : i32
      %mul3A_80 = arith.constant 2 : i32
      %mul3A_81 = arith.muli %mul3A_80, %add3A_79 : i32
      %add3A_82 = arith.constant 0 : i32
      %add3A_83 = arith.addi %mul3A_81, %add3A_82 : i32
      %mul3A_84 = arith.constant 640 : i32
      %mul3A_85 = arith.muli %add3A_83, %mul3A_84 : i32
      %add3A_86 = arith.addi %mul3A_6, %mul3A_85 : i32
      %gt3A = arith.constant 0 : i32
      %gt3A_87 = arith.cmpi sgt, %add3A_79, %gt3A : i32
      %convert_element_type3A = arith.extui %gt3A_87 : i1 to i32
      %cond3A = arith.constant 0 : i32
      %cond3A_88 = arith.cmpi ne, %convert_element_type3A, %cond3A : i32
      scf.if %cond3A_88 {
        %dma_wait3A_346 = arith.constant 0 : i32
        %dma_wait3A_347 = arith.constant 0 : i32
        %dma_wait3A_348 = arith.constant 0 : i32
        %dma_wait3A_349 = tpu.memref_slice %arg8[%dma_wait3A_346, %dma_wait3A_347, %dma_wait3A_348] : memref<2x640x64xf32, #tpu.memory_space<vmem>> -> memref<1x640x64xf32, #tpu.memory_space<vmem>>
        %dma_wait3A_350 = tpu.memref_squeeze %dma_wait3A_349 : memref<1x640x64xf32, #tpu.memory_space<vmem>> -> memref<640x64xf32, #tpu.memory_space<vmem>>
        %dma_wait3A_351 = arith.constant 0 : i32
        %dma_wait3A_352 = tpu.memref_slice %arg6[%add3A_86, %dma_wait3A_351] : memref<204800x128xf32, #tpu.memory_space<hbm>> -> memref<640x64xf32, #tpu.memory_space<hbm>>
        %dma_wait3A_353 = arith.constant 0 : i32
        %dma_wait3A_354 = tpu.memref_slice %arg6[%add3A_86, %dma_wait3A_353] : memref<204800x128xf32, #tpu.memory_space<hbm>> -> memref<640x64xf32, #tpu.memory_space<hbm>>
        %dma_wait3A_355 = arith.constant 0 : i32
        %dma_wait3A_356 = arith.constant 0 : i32
        %dma_wait3A_357 = tpu.memref_slice %arg8[%dma_wait3A_346, %dma_wait3A_355, %dma_wait3A_356] : memref<2x640x64xf32, #tpu.memory_space<vmem>> -> memref<1x640x64xf32, #tpu.memory_space<vmem>>
        %dma_wait3A_358 = tpu.memref_squeeze %dma_wait3A_357 : memref<1x640x64xf32, #tpu.memory_space<vmem>> -> memref<640x64xf32, #tpu.memory_space<vmem>>
        tpu.wait_dma2 semaphore(%arg10 : memref<!tpu.dma_semaphore, #tpu.memory_space<semaphore_mem>>) src(%dma_wait3A_358 : memref<640x64xf32, #tpu.memory_space<vmem>>) dst(%dma_wait3A_354 : memref<640x64xf32, #tpu.memory_space<hbm>>)
      } else {
      }
      %mul3A_89 = arith.constant 640 : i32
      %mul3A_90 = arith.muli %add3A_83, %mul3A_89 : i32
      %add3A_91 = arith.constant 0 : i32
      %add3A_92 = arith.addi %mul3A_90, %add3A_91 : i32
      %dma_start3A = arith.constant 0 : i32
      %dma_start3A_93 = arith.constant 0 : i32
      %dma_start3A_94 = arith.constant 0 : i32
      %dma_start3A_95 = tpu.memref_slice %arg8[%dma_start3A, %dma_start3A_93, %dma_start3A_94] : memref<2x640x64xf32, #tpu.memory_space<vmem>> -> memref<1x128x64xf32, #tpu.memory_space<vmem>>
      %dma_start3A_96 = tpu.memref_squeeze %dma_start3A_95 : memref<1x128x64xf32, #tpu.memory_space<vmem>> -> memref<128x64xf32, #tpu.memory_space<vmem>>
      %dma_start3A_97 = tpu.memref_slice %arg7[%add3A_92] : memref<6400xi32, #tpu.memory_space<vmem>> -> memref<128xi32, #tpu.memory_space<vmem>>
      %dma_start3A_98 = arith.constant 0 : i32
      %dma_start3A_99 = arith.constant 0 : i32
      %dma_start3A_100 = tpu.memref_slice %arg4[%dma_start3A_98, %dma_start3A_99] : memref<100000x64xf32, #tpu.memory_space<hbm>> -> memref<100000x64xf32, #tpu.memory_space<hbm>>
      tpu.enqueue_indirect_dma source(%dma_start3A_100 : memref<100000x64xf32, #tpu.memory_space<hbm>>) target(%dma_start3A_96 : memref<128x64xf32, #tpu.memory_space<vmem>>) offsets(%dma_start3A_97 : memref<128xi32, #tpu.memory_space<vmem>>) semaphore(%arg9 : memref<!tpu.dma_semaphore, #tpu.memory_space<semaphore_mem>>)
      %mul3A_101 = arith.constant 640 : i32
      %mul3A_102 = arith.muli %add3A_83, %mul3A_101 : i32
      %add3A_103 = arith.constant 128 : i32
      %add3A_104 = arith.addi %mul3A_102, %add3A_103 : i32
      %dma_start3A_105 = arith.constant 0 : i32
      %dma_start3A_106 = arith.constant 128 : i32
      %dma_start3A_107 = arith.constant 0 : i32
      %dma_start3A_108 = tpu.memref_slice %arg8[%dma_start3A_105, %dma_start3A_106, %dma_start3A_107] : memref<2x640x64xf32, #tpu.memory_space<vmem>> -> memref<1x128x64xf32, #tpu.memory_space<vmem>>
      %dma_start3A_109 = tpu.memref_squeeze %dma_start3A_108 : memref<1x128x64xf32, #tpu.memory_space<vmem>> -> memref<128x64xf32, #tpu.memory_space<vmem>>
      %dma_start3A_110 = tpu.memref_slice %arg7[%add3A_104] : memref<6400xi32, #tpu.memory_space<vmem>> -> memref<128xi32, #tpu.memory_space<vmem>>
      %dma_start3A_111 = arith.constant 0 : i32
      %dma_start3A_112 = arith.constant 0 : i32
      %dma_start3A_113 = tpu.memref_slice %arg4[%dma_start3A_111, %dma_start3A_112] : memref<100000x64xf32, #tpu.memory_space<hbm>> -> memref<100000x64xf32, #tpu.memory_space<hbm>>
      tpu.enqueue_indirect_dma source(%dma_start3A_113 : memref<100000x64xf32, #tpu.memory_space<hbm>>) target(%dma_start3A_109 : memref<128x64xf32, #tpu.memory_space<vmem>>) offsets(%dma_start3A_110 : memref<128xi32, #tpu.memory_space<vmem>>) semaphore(%arg9 : memref<!tpu.dma_semaphore, #tpu.memory_space<semaphore_mem>>)
      %mul3A_114 = arith.constant 640 : i32
      %mul3A_115 = arith.muli %add3A_83, %mul3A_114 : i32
      %add3A_116 = arith.constant 256 : i32
      %add3A_117 = arith.addi %mul3A_115, %add3A_116 : i32
      %dma_start3A_118 = arith.constant 0 : i32
      %dma_start3A_119 = arith.constant 256 : i32
      %dma_start3A_120 = arith.constant 0 : i32
      %dma_start3A_121 = tpu.memref_slice %arg8[%dma_start3A_118, %dma_start3A_119, %dma_start3A_120] : memref<2x640x64xf32, #tpu.memory_space<vmem>> -> memref<1x128x64xf32, #tpu.memory_space<vmem>>
      %dma_start3A_122 = tpu.memref_squeeze %dma_start3A_121 : memref<1x128x64xf32, #tpu.memory_space<vmem>> -> memref<128x64xf32, #tpu.memory_space<vmem>>
      %dma_start3A_123 = tpu.memref_slice %arg7[%add3A_117] : memref<6400xi32, #tpu.memory_space<vmem>> -> memref<128xi32, #tpu.memory_space<vmem>>
      %dma_start3A_124 = arith.constant 0 : i32
      %dma_start3A_125 = arith.constant 0 : i32
      %dma_start3A_126 = tpu.memref_slice %arg4[%dma_start3A_124, %dma_start3A_125] : memref<100000x64xf32, #tpu.memory_space<hbm>> -> memref<100000x64xf32, #tpu.memory_space<hbm>>
      tpu.enqueue_indirect_dma source(%dma_start3A_126 : memref<100000x64xf32, #tpu.memory_space<hbm>>) target(%dma_start3A_122 : memref<128x64xf32, #tpu.memory_space<vmem>>) offsets(%dma_start3A_123 : memref<128xi32, #tpu.memory_space<vmem>>) semaphore(%arg9 : memref<!tpu.dma_semaphore, #tpu.memory_space<semaphore_mem>>)
      %mul3A_127 = arith.constant 640 : i32
      %mul3A_128 = arith.muli %add3A_83, %mul3A_127 : i32
      %add3A_129 = arith.constant 384 : i32
      %add3A_130 = arith.addi %mul3A_128, %add3A_129 : i32
      %dma_start3A_131 = arith.constant 0 : i32
      %dma_start3A_132 = arith.constant 384 : i32
      %dma_start3A_133 = arith.constant 0 : i32
      %dma_start3A_134 = tpu.memref_slice %arg8[%dma_start3A_131, %dma_start3A_132, %dma_start3A_133] : memref<2x640x64xf32, #tpu.memory_space<vmem>> -> memref<1x128x64xf32, #tpu.memory_space<vmem>>
      %dma_start3A_135 = tpu.memref_squeeze %dma_start3A_134 : memref<1x128x64xf32, #tpu.memory_space<vmem>> -> memref<128x64xf32, #tpu.memory_space<vmem>>
      %dma_start3A_136 = tpu.memref_slice %arg7[%add3A_130] : memref<6400xi32, #tpu.memory_space<vmem>> -> memref<128xi32, #tpu.memory_space<vmem>>
      %dma_start3A_137 = arith.constant 0 : i32
      %dma_start3A_138 = arith.constant 0 : i32
      %dma_start3A_139 = tpu.memref_slice %arg4[%dma_start3A_137, %dma_start3A_138] : memref<100000x64xf32, #tpu.memory_space<hbm>> -> memref<100000x64xf32, #tpu.memory_space<hbm>>
      tpu.enqueue_indirect_dma source(%dma_start3A_139 : memref<100000x64xf32, #tpu.memory_space<hbm>>) target(%dma_start3A_135 : memref<128x64xf32, #tpu.memory_space<vmem>>) offsets(%dma_start3A_136 : memref<128xi32, #tpu.memory_space<vmem>>) semaphore(%arg9 : memref<!tpu.dma_semaphore, #tpu.memory_space<semaphore_mem>>)
      %mul3A_140 = arith.constant 640 : i32
      %mul3A_141 = arith.muli %add3A_83, %mul3A_140 : i32
      %add3A_142 = arith.constant 512 : i32
      %add3A_143 = arith.addi %mul3A_141, %add3A_142 : i32
      %dma_start3A_144 = arith.constant 0 : i32
      %dma_start3A_145 = arith.constant 512 : i32
      %dma_start3A_146 = arith.constant 0 : i32
      %dma_start3A_147 = tpu.memref_slice %arg8[%dma_start3A_144, %dma_start3A_145, %dma_start3A_146] : memref<2x640x64xf32, #tpu.memory_space<vmem>> -> memref<1x128x64xf32, #tpu.memory_space<vmem>>
      %dma_start3A_148 = tpu.memref_squeeze %dma_start3A_147 : memref<1x128x64xf32, #tpu.memory_space<vmem>> -> memref<128x64xf32, #tpu.memory_space<vmem>>
      %dma_start3A_149 = tpu.memref_slice %arg7[%add3A_143] : memref<6400xi32, #tpu.memory_space<vmem>> -> memref<128xi32, #tpu.memory_space<vmem>>
      %dma_start3A_150 = arith.constant 0 : i32
      %dma_start3A_151 = arith.constant 0 : i32
      %dma_start3A_152 = tpu.memref_slice %arg4[%dma_start3A_150, %dma_start3A_151] : memref<100000x64xf32, #tpu.memory_space<hbm>> -> memref<100000x64xf32, #tpu.memory_space<hbm>>
      tpu.enqueue_indirect_dma source(%dma_start3A_152 : memref<100000x64xf32, #tpu.memory_space<hbm>>) target(%dma_start3A_148 : memref<128x64xf32, #tpu.memory_space<vmem>>) offsets(%dma_start3A_149 : memref<128xi32, #tpu.memory_space<vmem>>) semaphore(%arg9 : memref<!tpu.dma_semaphore, #tpu.memory_space<semaphore_mem>>)
      %dma_wait3A_153 = arith.constant 0 : i32
      %dma_wait3A_154 = arith.constant 0 : i32
      %dma_wait3A_155 = arith.constant 0 : i32
      %dma_wait3A_156 = tpu.memref_slice %arg8[%dma_wait3A_153, %dma_wait3A_154, %dma_wait3A_155] : memref<2x640x64xf32, #tpu.memory_space<vmem>> -> memref<1x128x64xf32, #tpu.memory_space<vmem>>
      %dma_wait3A_157 = tpu.memref_squeeze %dma_wait3A_156 : memref<1x128x64xf32, #tpu.memory_space<vmem>> -> memref<128x64xf32, #tpu.memory_space<vmem>>
      %dma_wait3A_158 = tpu.memref_slice %arg7[%add3A_92] : memref<6400xi32, #tpu.memory_space<vmem>> -> memref<128xi32, #tpu.memory_space<vmem>>
      %dma_wait3A_159 = arith.constant 0 : i32
      %dma_wait3A_160 = arith.constant 0 : i32
      %dma_wait3A_161 = tpu.memref_slice %arg4[%dma_wait3A_159, %dma_wait3A_160] : memref<100000x64xf32, #tpu.memory_space<hbm>> -> memref<100000x64xf32, #tpu.memory_space<hbm>>
      tpu.wait_indirect_dma semaphore(%arg9 : memref<!tpu.dma_semaphore, #tpu.memory_space<semaphore_mem>>) src(%dma_wait3A_161 : memref<100000x64xf32, #tpu.memory_space<hbm>>) dst(%dma_wait3A_157 : memref<128x64xf32, #tpu.memory_space<vmem>>)
      %dma_wait3A_162 = arith.constant 0 : i32
      %dma_wait3A_163 = arith.constant 128 : i32
      %dma_wait3A_164 = arith.constant 0 : i32
      %dma_wait3A_165 = tpu.memref_slice %arg8[%dma_wait3A_162, %dma_wait3A_163, %dma_wait3A_164] : memref<2x640x64xf32, #tpu.memory_space<vmem>> -> memref<1x128x64xf32, #tpu.memory_space<vmem>>
      %dma_wait3A_166 = tpu.memref_squeeze %dma_wait3A_165 : memref<1x128x64xf32, #tpu.memory_space<vmem>> -> memref<128x64xf32, #tpu.memory_space<vmem>>
      %dma_wait3A_167 = tpu.memref_slice %arg7[%add3A_104] : memref<6400xi32, #tpu.memory_space<vmem>> -> memref<128xi32, #tpu.memory_space<vmem>>
      %dma_wait3A_168 = arith.constant 0 : i32
      %dma_wait3A_169 = arith.constant 0 : i32
      %dma_wait3A_170 = tpu.memref_slice %arg4[%dma_wait3A_168, %dma_wait3A_169] : memref<100000x64xf32, #tpu.memory_space<hbm>> -> memref<100000x64xf32, #tpu.memory_space<hbm>>
      tpu.wait_indirect_dma semaphore(%arg9 : memref<!tpu.dma_semaphore, #tpu.memory_space<semaphore_mem>>) src(%dma_wait3A_170 : memref<100000x64xf32, #tpu.memory_space<hbm>>) dst(%dma_wait3A_166 : memref<128x64xf32, #tpu.memory_space<vmem>>)
      %dma_wait3A_171 = arith.constant 0 : i32
      %dma_wait3A_172 = arith.constant 256 : i32
      %dma_wait3A_173 = arith.constant 0 : i32
      %dma_wait3A_174 = tpu.memref_slice %arg8[%dma_wait3A_171, %dma_wait3A_172, %dma_wait3A_173] : memref<2x640x64xf32, #tpu.memory_space<vmem>> -> memref<1x128x64xf32, #tpu.memory_space<vmem>>
      %dma_wait3A_175 = tpu.memref_squeeze %dma_wait3A_174 : memref<1x128x64xf32, #tpu.memory_space<vmem>> -> memref<128x64xf32, #tpu.memory_space<vmem>>
      %dma_wait3A_176 = tpu.memref_slice %arg7[%add3A_117] : memref<6400xi32, #tpu.memory_space<vmem>> -> memref<128xi32, #tpu.memory_space<vmem>>
      %dma_wait3A_177 = arith.constant 0 : i32
      %dma_wait3A_178 = arith.constant 0 : i32
      %dma_wait3A_179 = tpu.memref_slice %arg4[%dma_wait3A_177, %dma_wait3A_178] : memref<100000x64xf32, #tpu.memory_space<hbm>> -> memref<100000x64xf32, #tpu.memory_space<hbm>>
      tpu.wait_indirect_dma semaphore(%arg9 : memref<!tpu.dma_semaphore, #tpu.memory_space<semaphore_mem>>) src(%dma_wait3A_179 : memref<100000x64xf32, #tpu.memory_space<hbm>>) dst(%dma_wait3A_175 : memref<128x64xf32, #tpu.memory_space<vmem>>)
      %dma_wait3A_180 = arith.constant 0 : i32
      %dma_wait3A_181 = arith.constant 384 : i32
      %dma_wait3A_182 = arith.constant 0 : i32
      %dma_wait3A_183 = tpu.memref_slice %arg8[%dma_wait3A_180, %dma_wait3A_181, %dma_wait3A_182] : memref<2x640x64xf32, #tpu.memory_space<vmem>> -> memref<1x128x64xf32, #tpu.memory_space<vmem>>
      %dma_wait3A_184 = tpu.memref_squeeze %dma_wait3A_183 : memref<1x128x64xf32, #tpu.memory_space<vmem>> -> memref<128x64xf32, #tpu.memory_space<vmem>>
      %dma_wait3A_185 = tpu.memref_slice %arg7[%add3A_130] : memref<6400xi32, #tpu.memory_space<vmem>> -> memref<128xi32, #tpu.memory_space<vmem>>
      %dma_wait3A_186 = arith.constant 0 : i32
      %dma_wait3A_187 = arith.constant 0 : i32
      %dma_wait3A_188 = tpu.memref_slice %arg4[%dma_wait3A_186, %dma_wait3A_187] : memref<100000x64xf32, #tpu.memory_space<hbm>> -> memref<100000x64xf32, #tpu.memory_space<hbm>>
      tpu.wait_indirect_dma semaphore(%arg9 : memref<!tpu.dma_semaphore, #tpu.memory_space<semaphore_mem>>) src(%dma_wait3A_188 : memref<100000x64xf32, #tpu.memory_space<hbm>>) dst(%dma_wait3A_184 : memref<128x64xf32, #tpu.memory_space<vmem>>)
      %dma_wait3A_189 = arith.constant 0 : i32
      %dma_wait3A_190 = arith.constant 512 : i32
      %dma_wait3A_191 = arith.constant 0 : i32
      %dma_wait3A_192 = tpu.memref_slice %arg8[%dma_wait3A_189, %dma_wait3A_190, %dma_wait3A_191] : memref<2x640x64xf32, #tpu.memory_space<vmem>> -> memref<1x128x64xf32, #tpu.memory_space<vmem>>
      %dma_wait3A_193 = tpu.memref_squeeze %dma_wait3A_192 : memref<1x128x64xf32, #tpu.memory_space<vmem>> -> memref<128x64xf32, #tpu.memory_space<vmem>>
      %dma_wait3A_194 = tpu.memref_slice %arg7[%add3A_143] : memref<6400xi32, #tpu.memory_space<vmem>> -> memref<128xi32, #tpu.memory_space<vmem>>
      %dma_wait3A_195 = arith.constant 0 : i32
      %dma_wait3A_196 = arith.constant 0 : i32
      %dma_wait3A_197 = tpu.memref_slice %arg4[%dma_wait3A_195, %dma_wait3A_196] : memref<100000x64xf32, #tpu.memory_space<hbm>> -> memref<100000x64xf32, #tpu.memory_space<hbm>>
      tpu.wait_indirect_dma semaphore(%arg9 : memref<!tpu.dma_semaphore, #tpu.memory_space<semaphore_mem>>) src(%dma_wait3A_197 : memref<100000x64xf32, #tpu.memory_space<hbm>>) dst(%dma_wait3A_193 : memref<128x64xf32, #tpu.memory_space<vmem>>)
      %dma_start3A_198 = arith.constant 0 : i32
      %dma_start3A_199 = arith.constant 0 : i32
      %dma_start3A_200 = arith.constant 0 : i32
      %dma_start3A_201 = tpu.memref_slice %arg8[%dma_start3A_198, %dma_start3A_199, %dma_start3A_200] : memref<2x640x64xf32, #tpu.memory_space<vmem>> -> memref<1x640x64xf32, #tpu.memory_space<vmem>>
      %dma_start3A_202 = tpu.memref_squeeze %dma_start3A_201 : memref<1x640x64xf32, #tpu.memory_space<vmem>> -> memref<640x64xf32, #tpu.memory_space<vmem>>
      %dma_start3A_203 = arith.constant 0 : i32
      %dma_start3A_204 = tpu.memref_slice %arg6[%add3A_86, %dma_start3A_203] : memref<204800x128xf32, #tpu.memory_space<hbm>> -> memref<640x64xf32, #tpu.memory_space<hbm>>
      %dma_start3A_205 = arith.constant 0 : i32
      %dma_start3A_206 = tpu.memref_slice %arg6[%add3A_86, %dma_start3A_205] : memref<204800x128xf32, #tpu.memory_space<hbm>> -> memref<640x64xf32, #tpu.memory_space<hbm>>
      %dma_start3A_207 = arith.constant 0 : i32
      %dma_start3A_208 = arith.constant 0 : i32
      %dma_start3A_209 = tpu.memref_slice %arg8[%dma_start3A_198, %dma_start3A_207, %dma_start3A_208] : memref<2x640x64xf32, #tpu.memory_space<vmem>> -> memref<1x640x64xf32, #tpu.memory_space<vmem>>
      %dma_start3A_210 = tpu.memref_squeeze %dma_start3A_209 : memref<1x640x64xf32, #tpu.memory_space<vmem>> -> memref<640x64xf32, #tpu.memory_space<vmem>>
      tpu.enqueue_dma source(%dma_start3A_210 : memref<640x64xf32, #tpu.memory_space<vmem>>) target(%dma_start3A_206 : memref<640x64xf32, #tpu.memory_space<hbm>>) target_semaphore(%arg10 : memref<!tpu.dma_semaphore, #tpu.memory_space<semaphore_mem>>)
      %mul3A_211 = arith.constant 2 : i32
      %mul3A_212 = arith.muli %mul3A_211, %add3A_79 : i32
      %add3A_213 = arith.constant 1 : i32
      %add3A_214 = arith.addi %mul3A_212, %add3A_213 : i32
      %mul3A_215 = arith.constant 640 : i32
      %mul3A_216 = arith.muli %add3A_214, %mul3A_215 : i32
      %add3A_217 = arith.addi %mul3A_6, %mul3A_216 : i32
      %gt3A_218 = arith.constant 0 : i32
      %gt3A_219 = arith.cmpi sgt, %add3A_79, %gt3A_218 : i32
      %convert_element_type3A_220 = arith.extui %gt3A_219 : i1 to i32
      %cond3A_221 = arith.constant 0 : i32
      %cond3A_222 = arith.cmpi ne, %convert_element_type3A_220, %cond3A_221 : i32
      scf.if %cond3A_222 {
        %dma_wait3A_346 = arith.constant 1 : i32
        %dma_wait3A_347 = arith.constant 0 : i32
        %dma_wait3A_348 = arith.constant 0 : i32
        %dma_wait3A_349 = tpu.memref_slice %arg8[%dma_wait3A_346, %dma_wait3A_347, %dma_wait3A_348] : memref<2x640x64xf32, #tpu.memory_space<vmem>> -> memref<1x640x64xf32, #tpu.memory_space<vmem>>
        %dma_wait3A_350 = tpu.memref_squeeze %dma_wait3A_349 : memref<1x640x64xf32, #tpu.memory_space<vmem>> -> memref<640x64xf32, #tpu.memory_space<vmem>>
        %dma_wait3A_351 = arith.constant 0 : i32
        %dma_wait3A_352 = tpu.memref_slice %arg6[%add3A_217, %dma_wait3A_351] : memref<204800x128xf32, #tpu.memory_space<hbm>> -> memref<640x64xf32, #tpu.memory_space<hbm>>
        %dma_wait3A_353 = arith.constant 0 : i32
        %dma_wait3A_354 = tpu.memref_slice %arg6[%add3A_217, %dma_wait3A_353] : memref<204800x128xf32, #tpu.memory_space<hbm>> -> memref<640x64xf32, #tpu.memory_space<hbm>>
        %dma_wait3A_355 = arith.constant 0 : i32
        %dma_wait3A_356 = arith.constant 0 : i32
        %dma_wait3A_357 = tpu.memref_slice %arg8[%dma_wait3A_346, %dma_wait3A_355, %dma_wait3A_356] : memref<2x640x64xf32, #tpu.memory_space<vmem>> -> memref<1x640x64xf32, #tpu.memory_space<vmem>>
        %dma_wait3A_358 = tpu.memref_squeeze %dma_wait3A_357 : memref<1x640x64xf32, #tpu.memory_space<vmem>> -> memref<640x64xf32, #tpu.memory_space<vmem>>
        tpu.wait_dma2 semaphore(%arg11 : memref<!tpu.dma_semaphore, #tpu.memory_space<semaphore_mem>>) src(%dma_wait3A_358 : memref<640x64xf32, #tpu.memory_space<vmem>>) dst(%dma_wait3A_354 : memref<640x64xf32, #tpu.memory_space<hbm>>)
      } else {
      }
      %mul3A_223 = arith.constant 640 : i32
      %mul3A_224 = arith.muli %add3A_214, %mul3A_223 : i32
      %add3A_225 = arith.constant 0 : i32
      %add3A_226 = arith.addi %mul3A_224, %add3A_225 : i32
      %dma_start3A_227 = arith.constant 1 : i32
      %dma_start3A_228 = arith.constant 0 : i32
      %dma_start3A_229 = arith.constant 0 : i32
      %dma_start3A_230 = tpu.memref_slice %arg8[%dma_start3A_227, %dma_start3A_228, %dma_start3A_229] : memref<2x640x64xf32, #tpu.memory_space<vmem>> -> memref<1x128x64xf32, #tpu.memory_space<vmem>>
      %dma_start3A_231 = tpu.memref_squeeze %dma_start3A_230 : memref<1x128x64xf32, #tpu.memory_space<vmem>> -> memref<128x64xf32, #tpu.memory_space<vmem>>
      %dma_start3A_232 = tpu.memref_slice %arg7[%add3A_226] : memref<6400xi32, #tpu.memory_space<vmem>> -> memref<128xi32, #tpu.memory_space<vmem>>
      %dma_start3A_233 = arith.constant 0 : i32
      %dma_start3A_234 = arith.constant 0 : i32
      %dma_start3A_235 = tpu.memref_slice %arg4[%dma_start3A_233, %dma_start3A_234] : memref<100000x64xf32, #tpu.memory_space<hbm>> -> memref<100000x64xf32, #tpu.memory_space<hbm>>
      tpu.enqueue_indirect_dma source(%dma_start3A_235 : memref<100000x64xf32, #tpu.memory_space<hbm>>) target(%dma_start3A_231 : memref<128x64xf32, #tpu.memory_space<vmem>>) offsets(%dma_start3A_232 : memref<128xi32, #tpu.memory_space<vmem>>) semaphore(%arg9 : memref<!tpu.dma_semaphore, #tpu.memory_space<semaphore_mem>>)
      %mul3A_236 = arith.constant 640 : i32
      %mul3A_237 = arith.muli %add3A_214, %mul3A_236 : i32
      %add3A_238 = arith.constant 128 : i32
      %add3A_239 = arith.addi %mul3A_237, %add3A_238 : i32
      %dma_start3A_240 = arith.constant 1 : i32
      %dma_start3A_241 = arith.constant 128 : i32
      %dma_start3A_242 = arith.constant 0 : i32
      %dma_start3A_243 = tpu.memref_slice %arg8[%dma_start3A_240, %dma_start3A_241, %dma_start3A_242] : memref<2x640x64xf32, #tpu.memory_space<vmem>> -> memref<1x128x64xf32, #tpu.memory_space<vmem>>
      %dma_start3A_244 = tpu.memref_squeeze %dma_start3A_243 : memref<1x128x64xf32, #tpu.memory_space<vmem>> -> memref<128x64xf32, #tpu.memory_space<vmem>>
      %dma_start3A_245 = tpu.memref_slice %arg7[%add3A_239] : memref<6400xi32, #tpu.memory_space<vmem>> -> memref<128xi32, #tpu.memory_space<vmem>>
      %dma_start3A_246 = arith.constant 0 : i32
      %dma_start3A_247 = arith.constant 0 : i32
      %dma_start3A_248 = tpu.memref_slice %arg4[%dma_start3A_246, %dma_start3A_247] : memref<100000x64xf32, #tpu.memory_space<hbm>> -> memref<100000x64xf32, #tpu.memory_space<hbm>>
      tpu.enqueue_indirect_dma source(%dma_start3A_248 : memref<100000x64xf32, #tpu.memory_space<hbm>>) target(%dma_start3A_244 : memref<128x64xf32, #tpu.memory_space<vmem>>) offsets(%dma_start3A_245 : memref<128xi32, #tpu.memory_space<vmem>>) semaphore(%arg9 : memref<!tpu.dma_semaphore, #tpu.memory_space<semaphore_mem>>)
      %mul3A_249 = arith.constant 640 : i32
      %mul3A_250 = arith.muli %add3A_214, %mul3A_249 : i32
      %add3A_251 = arith.constant 256 : i32
      %add3A_252 = arith.addi %mul3A_250, %add3A_251 : i32
      %dma_start3A_253 = arith.constant 1 : i32
      %dma_start3A_254 = arith.constant 256 : i32
      %dma_start3A_255 = arith.constant 0 : i32
      %dma_start3A_256 = tpu.memref_slice %arg8[%dma_start3A_253, %dma_start3A_254, %dma_start3A_255] : memref<2x640x64xf32, #tpu.memory_space<vmem>> -> memref<1x128x64xf32, #tpu.memory_space<vmem>>
      %dma_start3A_257 = tpu.memref_squeeze %dma_start3A_256 : memref<1x128x64xf32, #tpu.memory_space<vmem>> -> memref<128x64xf32, #tpu.memory_space<vmem>>
      %dma_start3A_258 = tpu.memref_slice %arg7[%add3A_252] : memref<6400xi32, #tpu.memory_space<vmem>> -> memref<128xi32, #tpu.memory_space<vmem>>
      %dma_start3A_259 = arith.constant 0 : i32
      %dma_start3A_260 = arith.constant 0 : i32
      %dma_start3A_261 = tpu.memref_slice %arg4[%dma_start3A_259, %dma_start3A_260] : memref<100000x64xf32, #tpu.memory_space<hbm>> -> memref<100000x64xf32, #tpu.memory_space<hbm>>
      tpu.enqueue_indirect_dma source(%dma_start3A_261 : memref<100000x64xf32, #tpu.memory_space<hbm>>) target(%dma_start3A_257 : memref<128x64xf32, #tpu.memory_space<vmem>>) offsets(%dma_start3A_258 : memref<128xi32, #tpu.memory_space<vmem>>) semaphore(%arg9 : memref<!tpu.dma_semaphore, #tpu.memory_space<semaphore_mem>>)
      %mul3A_262 = arith.constant 640 : i32
      %mul3A_263 = arith.muli %add3A_214, %mul3A_262 : i32
      %add3A_264 = arith.constant 384 : i32
      %add3A_265 = arith.addi %mul3A_263, %add3A_264 : i32
      %dma_start3A_266 = arith.constant 1 : i32
      %dma_start3A_267 = arith.constant 384 : i32
      %dma_start3A_268 = arith.constant 0 : i32
      %dma_start3A_269 = tpu.memref_slice %arg8[%dma_start3A_266, %dma_start3A_267, %dma_start3A_268] : memref<2x640x64xf32, #tpu.memory_space<vmem>> -> memref<1x128x64xf32, #tpu.memory_space<vmem>>
      %dma_start3A_270 = tpu.memref_squeeze %dma_start3A_269 : memref<1x128x64xf32, #tpu.memory_space<vmem>> -> memref<128x64xf32, #tpu.memory_space<vmem>>
      %dma_start3A_271 = tpu.memref_slice %arg7[%add3A_265] : memref<6400xi32, #tpu.memory_space<vmem>> -> memref<128xi32, #tpu.memory_space<vmem>>
      %dma_start3A_272 = arith.constant 0 : i32
      %dma_start3A_273 = arith.constant 0 : i32
      %dma_start3A_274 = tpu.memref_slice %arg4[%dma_start3A_272, %dma_start3A_273] : memref<100000x64xf32, #tpu.memory_space<hbm>> -> memref<100000x64xf32, #tpu.memory_space<hbm>>
      tpu.enqueue_indirect_dma source(%dma_start3A_274 : memref<100000x64xf32, #tpu.memory_space<hbm>>) target(%dma_start3A_270 : memref<128x64xf32, #tpu.memory_space<vmem>>) offsets(%dma_start3A_271 : memref<128xi32, #tpu.memory_space<vmem>>) semaphore(%arg9 : memref<!tpu.dma_semaphore, #tpu.memory_space<semaphore_mem>>)
      %mul3A_275 = arith.constant 640 : i32
      %mul3A_276 = arith.muli %add3A_214, %mul3A_275 : i32
      %add3A_277 = arith.constant 512 : i32
      %add3A_278 = arith.addi %mul3A_276, %add3A_277 : i32
      %dma_start3A_279 = arith.constant 1 : i32
      %dma_start3A_280 = arith.constant 512 : i32
      %dma_start3A_281 = arith.constant 0 : i32
      %dma_start3A_282 = tpu.memref_slice %arg8[%dma_start3A_279, %dma_start3A_280, %dma_start3A_281] : memref<2x640x64xf32, #tpu.memory_space<vmem>> -> memref<1x128x64xf32, #tpu.memory_space<vmem>>
      %dma_start3A_283 = tpu.memref_squeeze %dma_start3A_282 : memref<1x128x64xf32, #tpu.memory_space<vmem>> -> memref<128x64xf32, #tpu.memory_space<vmem>>
      %dma_start3A_284 = tpu.memref_slice %arg7[%add3A_278] : memref<6400xi32, #tpu.memory_space<vmem>> -> memref<128xi32, #tpu.memory_space<vmem>>
      %dma_start3A_285 = arith.constant 0 : i32
      %dma_start3A_286 = arith.constant 0 : i32
      %dma_start3A_287 = tpu.memref_slice %arg4[%dma_start3A_285, %dma_start3A_286] : memref<100000x64xf32, #tpu.memory_space<hbm>> -> memref<100000x64xf32, #tpu.memory_space<hbm>>
      tpu.enqueue_indirect_dma source(%dma_start3A_287 : memref<100000x64xf32, #tpu.memory_space<hbm>>) target(%dma_start3A_283 : memref<128x64xf32, #tpu.memory_space<vmem>>) offsets(%dma_start3A_284 : memref<128xi32, #tpu.memory_space<vmem>>) semaphore(%arg9 : memref<!tpu.dma_semaphore, #tpu.memory_space<semaphore_mem>>)
      %dma_wait3A_288 = arith.constant 1 : i32
      %dma_wait3A_289 = arith.constant 0 : i32
      %dma_wait3A_290 = arith.constant 0 : i32
      %dma_wait3A_291 = tpu.memref_slice %arg8[%dma_wait3A_288, %dma_wait3A_289, %dma_wait3A_290] : memref<2x640x64xf32, #tpu.memory_space<vmem>> -> memref<1x128x64xf32, #tpu.memory_space<vmem>>
      %dma_wait3A_292 = tpu.memref_squeeze %dma_wait3A_291 : memref<1x128x64xf32, #tpu.memory_space<vmem>> -> memref<128x64xf32, #tpu.memory_space<vmem>>
      %dma_wait3A_293 = tpu.memref_slice %arg7[%add3A_226] : memref<6400xi32, #tpu.memory_space<vmem>> -> memref<128xi32, #tpu.memory_space<vmem>>
      %dma_wait3A_294 = arith.constant 0 : i32
      %dma_wait3A_295 = arith.constant 0 : i32
      %dma_wait3A_296 = tpu.memref_slice %arg4[%dma_wait3A_294, %dma_wait3A_295] : memref<100000x64xf32, #tpu.memory_space<hbm>> -> memref<100000x64xf32, #tpu.memory_space<hbm>>
      tpu.wait_indirect_dma semaphore(%arg9 : memref<!tpu.dma_semaphore, #tpu.memory_space<semaphore_mem>>) src(%dma_wait3A_296 : memref<100000x64xf32, #tpu.memory_space<hbm>>) dst(%dma_wait3A_292 : memref<128x64xf32, #tpu.memory_space<vmem>>)
      %dma_wait3A_297 = arith.constant 1 : i32
      %dma_wait3A_298 = arith.constant 128 : i32
      %dma_wait3A_299 = arith.constant 0 : i32
      %dma_wait3A_300 = tpu.memref_slice %arg8[%dma_wait3A_297, %dma_wait3A_298, %dma_wait3A_299] : memref<2x640x64xf32, #tpu.memory_space<vmem>> -> memref<1x128x64xf32, #tpu.memory_space<vmem>>
      %dma_wait3A_301 = tpu.memref_squeeze %dma_wait3A_300 : memref<1x128x64xf32, #tpu.memory_space<vmem>> -> memref<128x64xf32, #tpu.memory_space<vmem>>
      %dma_wait3A_302 = tpu.memref_slice %arg7[%add3A_239] : memref<6400xi32, #tpu.memory_space<vmem>> -> memref<128xi32, #tpu.memory_space<vmem>>
      %dma_wait3A_303 = arith.constant 0 : i32
      %dma_wait3A_304 = arith.constant 0 : i32
      %dma_wait3A_305 = tpu.memref_slice %arg4[%dma_wait3A_303, %dma_wait3A_304] : memref<100000x64xf32, #tpu.memory_space<hbm>> -> memref<100000x64xf32, #tpu.memory_space<hbm>>
      tpu.wait_indirect_dma semaphore(%arg9 : memref<!tpu.dma_semaphore, #tpu.memory_space<semaphore_mem>>) src(%dma_wait3A_305 : memref<100000x64xf32, #tpu.memory_space<hbm>>) dst(%dma_wait3A_301 : memref<128x64xf32, #tpu.memory_space<vmem>>)
      %dma_wait3A_306 = arith.constant 1 : i32
      %dma_wait3A_307 = arith.constant 256 : i32
      %dma_wait3A_308 = arith.constant 0 : i32
      %dma_wait3A_309 = tpu.memref_slice %arg8[%dma_wait3A_306, %dma_wait3A_307, %dma_wait3A_308] : memref<2x640x64xf32, #tpu.memory_space<vmem>> -> memref<1x128x64xf32, #tpu.memory_space<vmem>>
      %dma_wait3A_310 = tpu.memref_squeeze %dma_wait3A_309 : memref<1x128x64xf32, #tpu.memory_space<vmem>> -> memref<128x64xf32, #tpu.memory_space<vmem>>
      %dma_wait3A_311 = tpu.memref_slice %arg7[%add3A_252] : memref<6400xi32, #tpu.memory_space<vmem>> -> memref<128xi32, #tpu.memory_space<vmem>>
      %dma_wait3A_312 = arith.constant 0 : i32
      %dma_wait3A_313 = arith.constant 0 : i32
      %dma_wait3A_314 = tpu.memref_slice %arg4[%dma_wait3A_312, %dma_wait3A_313] : memref<100000x64xf32, #tpu.memory_space<hbm>> -> memref<100000x64xf32, #tpu.memory_space<hbm>>
      tpu.wait_indirect_dma semaphore(%arg9 : memref<!tpu.dma_semaphore, #tpu.memory_space<semaphore_mem>>) src(%dma_wait3A_314 : memref<100000x64xf32, #tpu.memory_space<hbm>>) dst(%dma_wait3A_310 : memref<128x64xf32, #tpu.memory_space<vmem>>)
      %dma_wait3A_315 = arith.constant 1 : i32
      %dma_wait3A_316 = arith.constant 384 : i32
      %dma_wait3A_317 = arith.constant 0 : i32
      %dma_wait3A_318 = tpu.memref_slice %arg8[%dma_wait3A_315, %dma_wait3A_316, %dma_wait3A_317] : memref<2x640x64xf32, #tpu.memory_space<vmem>> -> memref<1x128x64xf32, #tpu.memory_space<vmem>>
      %dma_wait3A_319 = tpu.memref_squeeze %dma_wait3A_318 : memref<1x128x64xf32, #tpu.memory_space<vmem>> -> memref<128x64xf32, #tpu.memory_space<vmem>>
      %dma_wait3A_320 = tpu.memref_slice %arg7[%add3A_265] : memref<6400xi32, #tpu.memory_space<vmem>> -> memref<128xi32, #tpu.memory_space<vmem>>
      %dma_wait3A_321 = arith.constant 0 : i32
      %dma_wait3A_322 = arith.constant 0 : i32
      %dma_wait3A_323 = tpu.memref_slice %arg4[%dma_wait3A_321, %dma_wait3A_322] : memref<100000x64xf32, #tpu.memory_space<hbm>> -> memref<100000x64xf32, #tpu.memory_space<hbm>>
      tpu.wait_indirect_dma semaphore(%arg9 : memref<!tpu.dma_semaphore, #tpu.memory_space<semaphore_mem>>) src(%dma_wait3A_323 : memref<100000x64xf32, #tpu.memory_space<hbm>>) dst(%dma_wait3A_319 : memref<128x64xf32, #tpu.memory_space<vmem>>)
      %dma_wait3A_324 = arith.constant 1 : i32
      %dma_wait3A_325 = arith.constant 512 : i32
      %dma_wait3A_326 = arith.constant 0 : i32
      %dma_wait3A_327 = tpu.memref_slice %arg8[%dma_wait3A_324, %dma_wait3A_325, %dma_wait3A_326] : memref<2x640x64xf32, #tpu.memory_space<vmem>> -> memref<1x128x64xf32, #tpu.memory_space<vmem>>
      %dma_wait3A_328 = tpu.memref_squeeze %dma_wait3A_327 : memref<1x128x64xf32, #tpu.memory_space<vmem>> -> memref<128x64xf32, #tpu.memory_space<vmem>>
      %dma_wait3A_329 = tpu.memref_slice %arg7[%add3A_278] : memref<6400xi32, #tpu.memory_space<vmem>> -> memref<128xi32, #tpu.memory_space<vmem>>
      %dma_wait3A_330 = arith.constant 0 : i32
      %dma_wait3A_331 = arith.constant 0 : i32
      %dma_wait3A_332 = tpu.memref_slice %arg4[%dma_wait3A_330, %dma_wait3A_331] : memref<100000x64xf32, #tpu.memory_space<hbm>> -> memref<100000x64xf32, #tpu.memory_space<hbm>>
      tpu.wait_indirect_dma semaphore(%arg9 : memref<!tpu.dma_semaphore, #tpu.memory_space<semaphore_mem>>) src(%dma_wait3A_332 : memref<100000x64xf32, #tpu.memory_space<hbm>>) dst(%dma_wait3A_328 : memref<128x64xf32, #tpu.memory_space<vmem>>)
      %dma_start3A_333 = arith.constant 1 : i32
      %dma_start3A_334 = arith.constant 0 : i32
      %dma_start3A_335 = arith.constant 0 : i32
      %dma_start3A_336 = tpu.memref_slice %arg8[%dma_start3A_333, %dma_start3A_334, %dma_start3A_335] : memref<2x640x64xf32, #tpu.memory_space<vmem>> -> memref<1x640x64xf32, #tpu.memory_space<vmem>>
      %dma_start3A_337 = tpu.memref_squeeze %dma_start3A_336 : memref<1x640x64xf32, #tpu.memory_space<vmem>> -> memref<640x64xf32, #tpu.memory_space<vmem>>
      %dma_start3A_338 = arith.constant 0 : i32
      %dma_start3A_339 = tpu.memref_slice %arg6[%add3A_217, %dma_start3A_338] : memref<204800x128xf32, #tpu.memory_space<hbm>> -> memref<640x64xf32, #tpu.memory_space<hbm>>
      %dma_start3A_340 = arith.constant 0 : i32
      %dma_start3A_341 = tpu.memref_slice %arg6[%add3A_217, %dma_start3A_340] : memref<204800x128xf32, #tpu.memory_space<hbm>> -> memref<640x64xf32, #tpu.memory_space<hbm>>
      %dma_start3A_342 = arith.constant 0 : i32
      %dma_start3A_343 = arith.constant 0 : i32
      %dma_start3A_344 = tpu.memref_slice %arg8[%dma_start3A_333, %dma_start3A_342, %dma_start3A_343] : memref<2x640x64xf32, #tpu.memory_space<vmem>> -> memref<1x640x64xf32, #tpu.memory_space<vmem>>
      %dma_start3A_345 = tpu.memref_squeeze %dma_start3A_344 : memref<1x640x64xf32, #tpu.memory_space<vmem>> -> memref<640x64xf32, #tpu.memory_space<vmem>>
      tpu.enqueue_dma source(%dma_start3A_345 : memref<640x64xf32, #tpu.memory_space<vmem>>) target(%dma_start3A_341 : memref<640x64xf32, #tpu.memory_space<hbm>>) target_semaphore(%arg11 : memref<!tpu.dma_semaphore, #tpu.memory_space<semaphore_mem>>)
    }
    %scan3A_10 = arith.constant 5 : i32
    %add3A_11 = arith.constant 5120 : i32
    %add3A_12 = arith.addi %mul3A_6, %add3A_11 : i32
    %dma_wait3A = arith.constant 0 : i32
    %dma_wait3A_13 = arith.constant 0 : i32
    %dma_wait3A_14 = arith.constant 0 : i32
    %dma_wait3A_15 = tpu.memref_slice %arg8[%dma_wait3A, %dma_wait3A_13, %dma_wait3A_14] : memref<2x640x64xf32, #tpu.memory_space<vmem>> -> memref<1x640x64xf32, #tpu.memory_space<vmem>>
    %dma_wait3A_16 = tpu.memref_squeeze %dma_wait3A_15 : memref<1x640x64xf32, #tpu.memory_space<vmem>> -> memref<640x64xf32, #tpu.memory_space<vmem>>
    %dma_wait3A_17 = arith.constant 0 : i32
    %dma_wait3A_18 = tpu.memref_slice %arg6[%add3A_12, %dma_wait3A_17] : memref<204800x128xf32, #tpu.memory_space<hbm>> -> memref<640x64xf32, #tpu.memory_space<hbm>>
    %dma_wait3A_19 = arith.constant 0 : i32
    %dma_wait3A_20 = tpu.memref_slice %arg6[%add3A_12, %dma_wait3A_19] : memref<204800x128xf32, #tpu.memory_space<hbm>> -> memref<640x64xf32, #tpu.memory_space<hbm>>
    %dma_wait3A_21 = arith.constant 0 : i32
    %dma_wait3A_22 = arith.constant 0 : i32
    %dma_wait3A_23 = tpu.memref_slice %arg8[%dma_wait3A, %dma_wait3A_21, %dma_wait3A_22] : memref<2x640x64xf32, #tpu.memory_space<vmem>> -> memref<1x640x64xf32, #tpu.memory_space<vmem>>
    %dma_wait3A_24 = tpu.memref_squeeze %dma_wait3A_23 : memref<1x640x64xf32, #tpu.memory_space<vmem>> -> memref<640x64xf32, #tpu.memory_space<vmem>>
    tpu.wait_dma2 semaphore(%arg10 : memref<!tpu.dma_semaphore, #tpu.memory_space<semaphore_mem>>) src(%dma_wait3A_24 : memref<640x64xf32, #tpu.memory_space<vmem>>) dst(%dma_wait3A_20 : memref<640x64xf32, #tpu.memory_space<hbm>>)
    %add3A_25 = arith.constant 5760 : i32
    %add3A_26 = arith.addi %mul3A_6, %add3A_25 : i32
    %dma_wait3A_27 = arith.constant 1 : i32
    %dma_wait3A_28 = arith.constant 0 : i32
    %dma_wait3A_29 = arith.constant 0 : i32
    %dma_wait3A_30 = tpu.memref_slice %arg8[%dma_wait3A_27, %dma_wait3A_28, %dma_wait3A_29] : memref<2x640x64xf32, #tpu.memory_space<vmem>> -> memref<1x640x64xf32, #tpu.memory_space<vmem>>
    %dma_wait3A_31 = tpu.memref_squeeze %dma_wait3A_30 : memref<1x640x64xf32, #tpu.memory_space<vmem>> -> memref<640x64xf32, #tpu.memory_space<vmem>>
    %dma_wait3A_32 = arith.constant 0 : i32
    %dma_wait3A_33 = tpu.memref_slice %arg6[%add3A_26, %dma_wait3A_32] : memref<204800x128xf32, #tpu.memory_space<hbm>> -> memref<640x64xf32, #tpu.memory_space<hbm>>
    %dma_wait3A_34 = arith.constant 0 : i32
    %dma_wait3A_35 = tpu.memref_slice %arg6[%add3A_26, %dma_wait3A_34] : memref<204800x128xf32, #tpu.memory_space<hbm>> -> memref<640x64xf32, #tpu.memory_space<hbm>>
    %dma_wait3A_36 = arith.constant 0 : i32
    %dma_wait3A_37 = arith.constant 0 : i32
    %dma_wait3A_38 = tpu.memref_slice %arg8[%dma_wait3A_27, %dma_wait3A_36, %dma_wait3A_37] : memref<2x640x64xf32, #tpu.memory_space<vmem>> -> memref<1x640x64xf32, #tpu.memory_space<vmem>>
    %dma_wait3A_39 = tpu.memref_squeeze %dma_wait3A_38 : memref<1x640x64xf32, #tpu.memory_space<vmem>> -> memref<640x64xf32, #tpu.memory_space<vmem>>
    tpu.wait_dma2 semaphore(%arg11 : memref<!tpu.dma_semaphore, #tpu.memory_space<semaphore_mem>>) src(%dma_wait3A_39 : memref<640x64xf32, #tpu.memory_space<vmem>>) dst(%dma_wait3A_35 : memref<640x64xf32, #tpu.memory_space<hbm>>)
    "tpu.region"() ({
      %run_scoped3A = tpu.sem_alloc : memref<!tpu.dma_semaphore, #tpu.memory_space<semaphore_mem>>
      %dma_start3A = tpu.memref_slice %arg3[%add3A_4] : memref<204800xi32, #tpu.memory_space<hbm>> -> memref<6400xi32, #tpu.memory_space<hbm>>
      %dma_start3A_75 = tpu.memref_slice %arg3[%add3A_4] : memref<204800xi32, #tpu.memory_space<hbm>> -> memref<6400xi32, #tpu.memory_space<hbm>>
      tpu.enqueue_dma source(%dma_start3A_75 : memref<6400xi32, #tpu.memory_space<hbm>>) target(%arg7 : memref<6400xi32, #tpu.memory_space<vmem>>) target_semaphore(%run_scoped3A : memref<!tpu.dma_semaphore, #tpu.memory_space<semaphore_mem>>)
      %dma_wait3A_76 = tpu.memref_slice %arg3[%add3A_4] : memref<204800xi32, #tpu.memory_space<hbm>> -> memref<6400xi32, #tpu.memory_space<hbm>>
      %dma_wait3A_77 = tpu.memref_slice %arg3[%add3A_4] : memref<204800xi32, #tpu.memory_space<hbm>> -> memref<6400xi32, #tpu.memory_space<hbm>>
      tpu.wait_dma2 semaphore(%run_scoped3A : memref<!tpu.dma_semaphore, #tpu.memory_space<semaphore_mem>>) src(%dma_wait3A_77 : memref<6400xi32, #tpu.memory_space<hbm>>) dst(%arg7 : memref<6400xi32, #tpu.memory_space<vmem>>)
      tpu.yield
    }) : () -> ()
    %scan3A_40 = arith.constant 0 : i32
    %scan3A_41 = arith.constant 5 : i32
    %scan3A_42 = arith.addi %scan3A_40, %scan3A_41 : i32
    %scan3A_43 = arith.constant 1 : i32
    scf.for %scan3A_75 = %scan3A_40 to %scan3A_42 step %scan3A_43  : i32 {
      %mul3A_76 = arith.constant 1 : i32
      %mul3A_77 = arith.muli %scan3A_75, %mul3A_76 : i32
      %add3A_78 = arith.constant 0 : i32
      %add3A_79 = arith.addi %add3A_78, %mul3A_77 : i32
      %mul3A_80 = arith.constant 2 : i32
      %mul3A_81 = arith.muli %mul3A_80, %add3A_79 : i32
      %add3A_82 = arith.constant 0 : i32
      %add3A_83 = arith.addi %mul3A_81, %add3A_82 : i32
      %mul3A_84 = arith.constant 640 : i32
      %mul3A_85 = arith.muli %add3A_83, %mul3A_84 : i32
      %add3A_86 = arith.addi %mul3A_6, %mul3A_85 : i32
      %gt3A = arith.constant 0 : i32
      %gt3A_87 = arith.cmpi sgt, %add3A_79, %gt3A : i32
      %convert_element_type3A = arith.extui %gt3A_87 : i1 to i32
      %cond3A = arith.constant 0 : i32
      %cond3A_88 = arith.cmpi ne, %convert_element_type3A, %cond3A : i32
      scf.if %cond3A_88 {
        %dma_wait3A_346 = arith.constant 0 : i32
        %dma_wait3A_347 = arith.constant 0 : i32
        %dma_wait3A_348 = arith.constant 0 : i32
        %dma_wait3A_349 = tpu.memref_slice %arg8[%dma_wait3A_346, %dma_wait3A_347, %dma_wait3A_348] : memref<2x640x64xf32, #tpu.memory_space<vmem>> -> memref<1x640x64xf32, #tpu.memory_space<vmem>>
        %dma_wait3A_350 = tpu.memref_squeeze %dma_wait3A_349 : memref<1x640x64xf32, #tpu.memory_space<vmem>> -> memref<640x64xf32, #tpu.memory_space<vmem>>
        %dma_wait3A_351 = arith.constant 64 : i32
        %dma_wait3A_352 = tpu.memref_slice %arg6[%add3A_86, %dma_wait3A_351] : memref<204800x128xf32, #tpu.memory_space<hbm>> -> memref<640x64xf32, #tpu.memory_space<hbm>>
        %dma_wait3A_353 = arith.constant 64 : i32
        %dma_wait3A_354 = tpu.memref_slice %arg6[%add3A_86, %dma_wait3A_353] : memref<204800x128xf32, #tpu.memory_space<hbm>> -> memref<640x64xf32, #tpu.memory_space<hbm>>
        %dma_wait3A_355 = arith.constant 0 : i32
        %dma_wait3A_356 = arith.constant 0 : i32
        %dma_wait3A_357 = tpu.memref_slice %arg8[%dma_wait3A_346, %dma_wait3A_355, %dma_wait3A_356] : memref<2x640x64xf32, #tpu.memory_space<vmem>> -> memref<1x640x64xf32, #tpu.memory_space<vmem>>
        %dma_wait3A_358 = tpu.memref_squeeze %dma_wait3A_357 : memref<1x640x64xf32, #tpu.memory_space<vmem>> -> memref<640x64xf32, #tpu.memory_space<vmem>>
        tpu.wait_dma2 semaphore(%arg10 : memref<!tpu.dma_semaphore, #tpu.memory_space<semaphore_mem>>) src(%dma_wait3A_358 : memref<640x64xf32, #tpu.memory_space<vmem>>) dst(%dma_wait3A_354 : memref<640x64xf32, #tpu.memory_space<hbm>>)
      } else {
      }
      %mul3A_89 = arith.constant 640 : i32
      %mul3A_90 = arith.muli %add3A_83, %mul3A_89 : i32
      %add3A_91 = arith.constant 0 : i32
      %add3A_92 = arith.addi %mul3A_90, %add3A_91 : i32
      %dma_start3A = arith.constant 0 : i32
      %dma_start3A_93 = arith.constant 0 : i32
      %dma_start3A_94 = arith.constant 0 : i32
      %dma_start3A_95 = tpu.memref_slice %arg8[%dma_start3A, %dma_start3A_93, %dma_start3A_94] : memref<2x640x64xf32, #tpu.memory_space<vmem>> -> memref<1x128x64xf32, #tpu.memory_space<vmem>>
      %dma_start3A_96 = tpu.memref_squeeze %dma_start3A_95 : memref<1x128x64xf32, #tpu.memory_space<vmem>> -> memref<128x64xf32, #tpu.memory_space<vmem>>
      %dma_start3A_97 = tpu.memref_slice %arg7[%add3A_92] : memref<6400xi32, #tpu.memory_space<vmem>> -> memref<128xi32, #tpu.memory_space<vmem>>
      %dma_start3A_98 = arith.constant 0 : i32
      %dma_start3A_99 = arith.constant 0 : i32
      %dma_start3A_100 = tpu.memref_slice %arg5[%dma_start3A_98, %dma_start3A_99] : memref<100000x64xf32, #tpu.memory_space<hbm>> -> memref<100000x64xf32, #tpu.memory_space<hbm>>
      tpu.enqueue_indirect_dma source(%dma_start3A_100 : memref<100000x64xf32, #tpu.memory_space<hbm>>) target(%dma_start3A_96 : memref<128x64xf32, #tpu.memory_space<vmem>>) offsets(%dma_start3A_97 : memref<128xi32, #tpu.memory_space<vmem>>) semaphore(%arg9 : memref<!tpu.dma_semaphore, #tpu.memory_space<semaphore_mem>>)
      %mul3A_101 = arith.constant 640 : i32
      %mul3A_102 = arith.muli %add3A_83, %mul3A_101 : i32
      %add3A_103 = arith.constant 128 : i32
      %add3A_104 = arith.addi %mul3A_102, %add3A_103 : i32
      %dma_start3A_105 = arith.constant 0 : i32
      %dma_start3A_106 = arith.constant 128 : i32
      %dma_start3A_107 = arith.constant 0 : i32
      %dma_start3A_108 = tpu.memref_slice %arg8[%dma_start3A_105, %dma_start3A_106, %dma_start3A_107] : memref<2x640x64xf32, #tpu.memory_space<vmem>> -> memref<1x128x64xf32, #tpu.memory_space<vmem>>
      %dma_start3A_109 = tpu.memref_squeeze %dma_start3A_108 : memref<1x128x64xf32, #tpu.memory_space<vmem>> -> memref<128x64xf32, #tpu.memory_space<vmem>>
      %dma_start3A_110 = tpu.memref_slice %arg7[%add3A_104] : memref<6400xi32, #tpu.memory_space<vmem>> -> memref<128xi32, #tpu.memory_space<vmem>>
      %dma_start3A_111 = arith.constant 0 : i32
      %dma_start3A_112 = arith.constant 0 : i32
      %dma_start3A_113 = tpu.memref_slice %arg5[%dma_start3A_111, %dma_start3A_112] : memref<100000x64xf32, #tpu.memory_space<hbm>> -> memref<100000x64xf32, #tpu.memory_space<hbm>>
      tpu.enqueue_indirect_dma source(%dma_start3A_113 : memref<100000x64xf32, #tpu.memory_space<hbm>>) target(%dma_start3A_109 : memref<128x64xf32, #tpu.memory_space<vmem>>) offsets(%dma_start3A_110 : memref<128xi32, #tpu.memory_space<vmem>>) semaphore(%arg9 : memref<!tpu.dma_semaphore, #tpu.memory_space<semaphore_mem>>)
      %mul3A_114 = arith.constant 640 : i32
      %mul3A_115 = arith.muli %add3A_83, %mul3A_114 : i32
      %add3A_116 = arith.constant 256 : i32
      %add3A_117 = arith.addi %mul3A_115, %add3A_116 : i32
      %dma_start3A_118 = arith.constant 0 : i32
      %dma_start3A_119 = arith.constant 256 : i32
      %dma_start3A_120 = arith.constant 0 : i32
      %dma_start3A_121 = tpu.memref_slice %arg8[%dma_start3A_118, %dma_start3A_119, %dma_start3A_120] : memref<2x640x64xf32, #tpu.memory_space<vmem>> -> memref<1x128x64xf32, #tpu.memory_space<vmem>>
      %dma_start3A_122 = tpu.memref_squeeze %dma_start3A_121 : memref<1x128x64xf32, #tpu.memory_space<vmem>> -> memref<128x64xf32, #tpu.memory_space<vmem>>
      %dma_start3A_123 = tpu.memref_slice %arg7[%add3A_117] : memref<6400xi32, #tpu.memory_space<vmem>> -> memref<128xi32, #tpu.memory_space<vmem>>
      %dma_start3A_124 = arith.constant 0 : i32
      %dma_start3A_125 = arith.constant 0 : i32
      %dma_start3A_126 = tpu.memref_slice %arg5[%dma_start3A_124, %dma_start3A_125] : memref<100000x64xf32, #tpu.memory_space<hbm>> -> memref<100000x64xf32, #tpu.memory_space<hbm>>
      tpu.enqueue_indirect_dma source(%dma_start3A_126 : memref<100000x64xf32, #tpu.memory_space<hbm>>) target(%dma_start3A_122 : memref<128x64xf32, #tpu.memory_space<vmem>>) offsets(%dma_start3A_123 : memref<128xi32, #tpu.memory_space<vmem>>) semaphore(%arg9 : memref<!tpu.dma_semaphore, #tpu.memory_space<semaphore_mem>>)
      %mul3A_127 = arith.constant 640 : i32
      %mul3A_128 = arith.muli %add3A_83, %mul3A_127 : i32
      %add3A_129 = arith.constant 384 : i32
      %add3A_130 = arith.addi %mul3A_128, %add3A_129 : i32
      %dma_start3A_131 = arith.constant 0 : i32
      %dma_start3A_132 = arith.constant 384 : i32
      %dma_start3A_133 = arith.constant 0 : i32
      %dma_start3A_134 = tpu.memref_slice %arg8[%dma_start3A_131, %dma_start3A_132, %dma_start3A_133] : memref<2x640x64xf32, #tpu.memory_space<vmem>> -> memref<1x128x64xf32, #tpu.memory_space<vmem>>
      %dma_start3A_135 = tpu.memref_squeeze %dma_start3A_134 : memref<1x128x64xf32, #tpu.memory_space<vmem>> -> memref<128x64xf32, #tpu.memory_space<vmem>>
      %dma_start3A_136 = tpu.memref_slice %arg7[%add3A_130] : memref<6400xi32, #tpu.memory_space<vmem>> -> memref<128xi32, #tpu.memory_space<vmem>>
      %dma_start3A_137 = arith.constant 0 : i32
      %dma_start3A_138 = arith.constant 0 : i32
      %dma_start3A_139 = tpu.memref_slice %arg5[%dma_start3A_137, %dma_start3A_138] : memref<100000x64xf32, #tpu.memory_space<hbm>> -> memref<100000x64xf32, #tpu.memory_space<hbm>>
      tpu.enqueue_indirect_dma source(%dma_start3A_139 : memref<100000x64xf32, #tpu.memory_space<hbm>>) target(%dma_start3A_135 : memref<128x64xf32, #tpu.memory_space<vmem>>) offsets(%dma_start3A_136 : memref<128xi32, #tpu.memory_space<vmem>>) semaphore(%arg9 : memref<!tpu.dma_semaphore, #tpu.memory_space<semaphore_mem>>)
      %mul3A_140 = arith.constant 640 : i32
      %mul3A_141 = arith.muli %add3A_83, %mul3A_140 : i32
      %add3A_142 = arith.constant 512 : i32
      %add3A_143 = arith.addi %mul3A_141, %add3A_142 : i32
      %dma_start3A_144 = arith.constant 0 : i32
      %dma_start3A_145 = arith.constant 512 : i32
      %dma_start3A_146 = arith.constant 0 : i32
      %dma_start3A_147 = tpu.memref_slice %arg8[%dma_start3A_144, %dma_start3A_145, %dma_start3A_146] : memref<2x640x64xf32, #tpu.memory_space<vmem>> -> memref<1x128x64xf32, #tpu.memory_space<vmem>>
      %dma_start3A_148 = tpu.memref_squeeze %dma_start3A_147 : memref<1x128x64xf32, #tpu.memory_space<vmem>> -> memref<128x64xf32, #tpu.memory_space<vmem>>
      %dma_start3A_149 = tpu.memref_slice %arg7[%add3A_143] : memref<6400xi32, #tpu.memory_space<vmem>> -> memref<128xi32, #tpu.memory_space<vmem>>
      %dma_start3A_150 = arith.constant 0 : i32
      %dma_start3A_151 = arith.constant 0 : i32
      %dma_start3A_152 = tpu.memref_slice %arg5[%dma_start3A_150, %dma_start3A_151] : memref<100000x64xf32, #tpu.memory_space<hbm>> -> memref<100000x64xf32, #tpu.memory_space<hbm>>
      tpu.enqueue_indirect_dma source(%dma_start3A_152 : memref<100000x64xf32, #tpu.memory_space<hbm>>) target(%dma_start3A_148 : memref<128x64xf32, #tpu.memory_space<vmem>>) offsets(%dma_start3A_149 : memref<128xi32, #tpu.memory_space<vmem>>) semaphore(%arg9 : memref<!tpu.dma_semaphore, #tpu.memory_space<semaphore_mem>>)
      %dma_wait3A_153 = arith.constant 0 : i32
      %dma_wait3A_154 = arith.constant 0 : i32
      %dma_wait3A_155 = arith.constant 0 : i32
      %dma_wait3A_156 = tpu.memref_slice %arg8[%dma_wait3A_153, %dma_wait3A_154, %dma_wait3A_155] : memref<2x640x64xf32, #tpu.memory_space<vmem>> -> memref<1x128x64xf32, #tpu.memory_space<vmem>>
      %dma_wait3A_157 = tpu.memref_squeeze %dma_wait3A_156 : memref<1x128x64xf32, #tpu.memory_space<vmem>> -> memref<128x64xf32, #tpu.memory_space<vmem>>
      %dma_wait3A_158 = tpu.memref_slice %arg7[%add3A_92] : memref<6400xi32, #tpu.memory_space<vmem>> -> memref<128xi32, #tpu.memory_space<vmem>>
      %dma_wait3A_159 = arith.constant 0 : i32
      %dma_wait3A_160 = arith.constant 0 : i32
      %dma_wait3A_161 = tpu.memref_slice %arg5[%dma_wait3A_159, %dma_wait3A_160] : memref<100000x64xf32, #tpu.memory_space<hbm>> -> memref<100000x64xf32, #tpu.memory_space<hbm>>
      tpu.wait_indirect_dma semaphore(%arg9 : memref<!tpu.dma_semaphore, #tpu.memory_space<semaphore_mem>>) src(%dma_wait3A_161 : memref<100000x64xf32, #tpu.memory_space<hbm>>) dst(%dma_wait3A_157 : memref<128x64xf32, #tpu.memory_space<vmem>>)
      %dma_wait3A_162 = arith.constant 0 : i32
      %dma_wait3A_163 = arith.constant 128 : i32
      %dma_wait3A_164 = arith.constant 0 : i32
      %dma_wait3A_165 = tpu.memref_slice %arg8[%dma_wait3A_162, %dma_wait3A_163, %dma_wait3A_164] : memref<2x640x64xf32, #tpu.memory_space<vmem>> -> memref<1x128x64xf32, #tpu.memory_space<vmem>>
      %dma_wait3A_166 = tpu.memref_squeeze %dma_wait3A_165 : memref<1x128x64xf32, #tpu.memory_space<vmem>> -> memref<128x64xf32, #tpu.memory_space<vmem>>
      %dma_wait3A_167 = tpu.memref_slice %arg7[%add3A_104] : memref<6400xi32, #tpu.memory_space<vmem>> -> memref<128xi32, #tpu.memory_space<vmem>>
      %dma_wait3A_168 = arith.constant 0 : i32
      %dma_wait3A_169 = arith.constant 0 : i32
      %dma_wait3A_170 = tpu.memref_slice %arg5[%dma_wait3A_168, %dma_wait3A_169] : memref<100000x64xf32, #tpu.memory_space<hbm>> -> memref<100000x64xf32, #tpu.memory_space<hbm>>
      tpu.wait_indirect_dma semaphore(%arg9 : memref<!tpu.dma_semaphore, #tpu.memory_space<semaphore_mem>>) src(%dma_wait3A_170 : memref<100000x64xf32, #tpu.memory_space<hbm>>) dst(%dma_wait3A_166 : memref<128x64xf32, #tpu.memory_space<vmem>>)
      %dma_wait3A_171 = arith.constant 0 : i32
      %dma_wait3A_172 = arith.constant 256 : i32
      %dma_wait3A_173 = arith.constant 0 : i32
      %dma_wait3A_174 = tpu.memref_slice %arg8[%dma_wait3A_171, %dma_wait3A_172, %dma_wait3A_173] : memref<2x640x64xf32, #tpu.memory_space<vmem>> -> memref<1x128x64xf32, #tpu.memory_space<vmem>>
      %dma_wait3A_175 = tpu.memref_squeeze %dma_wait3A_174 : memref<1x128x64xf32, #tpu.memory_space<vmem>> -> memref<128x64xf32, #tpu.memory_space<vmem>>
      %dma_wait3A_176 = tpu.memref_slice %arg7[%add3A_117] : memref<6400xi32, #tpu.memory_space<vmem>> -> memref<128xi32, #tpu.memory_space<vmem>>
      %dma_wait3A_177 = arith.constant 0 : i32
      %dma_wait3A_178 = arith.constant 0 : i32
      %dma_wait3A_179 = tpu.memref_slice %arg5[%dma_wait3A_177, %dma_wait3A_178] : memref<100000x64xf32, #tpu.memory_space<hbm>> -> memref<100000x64xf32, #tpu.memory_space<hbm>>
      tpu.wait_indirect_dma semaphore(%arg9 : memref<!tpu.dma_semaphore, #tpu.memory_space<semaphore_mem>>) src(%dma_wait3A_179 : memref<100000x64xf32, #tpu.memory_space<hbm>>) dst(%dma_wait3A_175 : memref<128x64xf32, #tpu.memory_space<vmem>>)
      %dma_wait3A_180 = arith.constant 0 : i32
      %dma_wait3A_181 = arith.constant 384 : i32
      %dma_wait3A_182 = arith.constant 0 : i32
      %dma_wait3A_183 = tpu.memref_slice %arg8[%dma_wait3A_180, %dma_wait3A_181, %dma_wait3A_182] : memref<2x640x64xf32, #tpu.memory_space<vmem>> -> memref<1x128x64xf32, #tpu.memory_space<vmem>>
      %dma_wait3A_184 = tpu.memref_squeeze %dma_wait3A_183 : memref<1x128x64xf32, #tpu.memory_space<vmem>> -> memref<128x64xf32, #tpu.memory_space<vmem>>
      %dma_wait3A_185 = tpu.memref_slice %arg7[%add3A_130] : memref<6400xi32, #tpu.memory_space<vmem>> -> memref<128xi32, #tpu.memory_space<vmem>>
      %dma_wait3A_186 = arith.constant 0 : i32
      %dma_wait3A_187 = arith.constant 0 : i32
      %dma_wait3A_188 = tpu.memref_slice %arg5[%dma_wait3A_186, %dma_wait3A_187] : memref<100000x64xf32, #tpu.memory_space<hbm>> -> memref<100000x64xf32, #tpu.memory_space<hbm>>
      tpu.wait_indirect_dma semaphore(%arg9 : memref<!tpu.dma_semaphore, #tpu.memory_space<semaphore_mem>>) src(%dma_wait3A_188 : memref<100000x64xf32, #tpu.memory_space<hbm>>) dst(%dma_wait3A_184 : memref<128x64xf32, #tpu.memory_space<vmem>>)
      %dma_wait3A_189 = arith.constant 0 : i32
      %dma_wait3A_190 = arith.constant 512 : i32
      %dma_wait3A_191 = arith.constant 0 : i32
      %dma_wait3A_192 = tpu.memref_slice %arg8[%dma_wait3A_189, %dma_wait3A_190, %dma_wait3A_191] : memref<2x640x64xf32, #tpu.memory_space<vmem>> -> memref<1x128x64xf32, #tpu.memory_space<vmem>>
      %dma_wait3A_193 = tpu.memref_squeeze %dma_wait3A_192 : memref<1x128x64xf32, #tpu.memory_space<vmem>> -> memref<128x64xf32, #tpu.memory_space<vmem>>
      %dma_wait3A_194 = tpu.memref_slice %arg7[%add3A_143] : memref<6400xi32, #tpu.memory_space<vmem>> -> memref<128xi32, #tpu.memory_space<vmem>>
      %dma_wait3A_195 = arith.constant 0 : i32
      %dma_wait3A_196 = arith.constant 0 : i32
      %dma_wait3A_197 = tpu.memref_slice %arg5[%dma_wait3A_195, %dma_wait3A_196] : memref<100000x64xf32, #tpu.memory_space<hbm>> -> memref<100000x64xf32, #tpu.memory_space<hbm>>
      tpu.wait_indirect_dma semaphore(%arg9 : memref<!tpu.dma_semaphore, #tpu.memory_space<semaphore_mem>>) src(%dma_wait3A_197 : memref<100000x64xf32, #tpu.memory_space<hbm>>) dst(%dma_wait3A_193 : memref<128x64xf32, #tpu.memory_space<vmem>>)
      %dma_start3A_198 = arith.constant 0 : i32
      %dma_start3A_199 = arith.constant 0 : i32
      %dma_start3A_200 = arith.constant 0 : i32
      %dma_start3A_201 = tpu.memref_slice %arg8[%dma_start3A_198, %dma_start3A_199, %dma_start3A_200] : memref<2x640x64xf32, #tpu.memory_space<vmem>> -> memref<1x640x64xf32, #tpu.memory_space<vmem>>
      %dma_start3A_202 = tpu.memref_squeeze %dma_start3A_201 : memref<1x640x64xf32, #tpu.memory_space<vmem>> -> memref<640x64xf32, #tpu.memory_space<vmem>>
      %dma_start3A_203 = arith.constant 64 : i32
      %dma_start3A_204 = tpu.memref_slice %arg6[%add3A_86, %dma_start3A_203] : memref<204800x128xf32, #tpu.memory_space<hbm>> -> memref<640x64xf32, #tpu.memory_space<hbm>>
      %dma_start3A_205 = arith.constant 64 : i32
      %dma_start3A_206 = tpu.memref_slice %arg6[%add3A_86, %dma_start3A_205] : memref<204800x128xf32, #tpu.memory_space<hbm>> -> memref<640x64xf32, #tpu.memory_space<hbm>>
      %dma_start3A_207 = arith.constant 0 : i32
      %dma_start3A_208 = arith.constant 0 : i32
      %dma_start3A_209 = tpu.memref_slice %arg8[%dma_start3A_198, %dma_start3A_207, %dma_start3A_208] : memref<2x640x64xf32, #tpu.memory_space<vmem>> -> memref<1x640x64xf32, #tpu.memory_space<vmem>>
      %dma_start3A_210 = tpu.memref_squeeze %dma_start3A_209 : memref<1x640x64xf32, #tpu.memory_space<vmem>> -> memref<640x64xf32, #tpu.memory_space<vmem>>
      tpu.enqueue_dma source(%dma_start3A_210 : memref<640x64xf32, #tpu.memory_space<vmem>>) target(%dma_start3A_206 : memref<640x64xf32, #tpu.memory_space<hbm>>) target_semaphore(%arg10 : memref<!tpu.dma_semaphore, #tpu.memory_space<semaphore_mem>>)
      %mul3A_211 = arith.constant 2 : i32
      %mul3A_212 = arith.muli %mul3A_211, %add3A_79 : i32
      %add3A_213 = arith.constant 1 : i32
      %add3A_214 = arith.addi %mul3A_212, %add3A_213 : i32
      %mul3A_215 = arith.constant 640 : i32
      %mul3A_216 = arith.muli %add3A_214, %mul3A_215 : i32
      %add3A_217 = arith.addi %mul3A_6, %mul3A_216 : i32
      %gt3A_218 = arith.constant 0 : i32
      %gt3A_219 = arith.cmpi sgt, %add3A_79, %gt3A_218 : i32
      %convert_element_type3A_220 = arith.extui %gt3A_219 : i1 to i32
      %cond3A_221 = arith.constant 0 : i32
      %cond3A_222 = arith.cmpi ne, %convert_element_type3A_220, %cond3A_221 : i32
      scf.if %cond3A_222 {
        %dma_wait3A_346 = arith.constant 1 : i32
        %dma_wait3A_347 = arith.constant 0 : i32
        %dma_wait3A_348 = arith.constant 0 : i32
        %dma_wait3A_349 = tpu.memref_slice %arg8[%dma_wait3A_346, %dma_wait3A_347, %dma_wait3A_348] : memref<2x640x64xf32, #tpu.memory_space<vmem>> -> memref<1x640x64xf32, #tpu.memory_space<vmem>>
        %dma_wait3A_350 = tpu.memref_squeeze %dma_wait3A_349 : memref<1x640x64xf32, #tpu.memory_space<vmem>> -> memref<640x64xf32, #tpu.memory_space<vmem>>
        %dma_wait3A_351 = arith.constant 64 : i32
        %dma_wait3A_352 = tpu.memref_slice %arg6[%add3A_217, %dma_wait3A_351] : memref<204800x128xf32, #tpu.memory_space<hbm>> -> memref<640x64xf32, #tpu.memory_space<hbm>>
        %dma_wait3A_353 = arith.constant 64 : i32
        %dma_wait3A_354 = tpu.memref_slice %arg6[%add3A_217, %dma_wait3A_353] : memref<204800x128xf32, #tpu.memory_space<hbm>> -> memref<640x64xf32, #tpu.memory_space<hbm>>
        %dma_wait3A_355 = arith.constant 0 : i32
        %dma_wait3A_356 = arith.constant 0 : i32
        %dma_wait3A_357 = tpu.memref_slice %arg8[%dma_wait3A_346, %dma_wait3A_355, %dma_wait3A_356] : memref<2x640x64xf32, #tpu.memory_space<vmem>> -> memref<1x640x64xf32, #tpu.memory_space<vmem>>
        %dma_wait3A_358 = tpu.memref_squeeze %dma_wait3A_357 : memref<1x640x64xf32, #tpu.memory_space<vmem>> -> memref<640x64xf32, #tpu.memory_space<vmem>>
        tpu.wait_dma2 semaphore(%arg11 : memref<!tpu.dma_semaphore, #tpu.memory_space<semaphore_mem>>) src(%dma_wait3A_358 : memref<640x64xf32, #tpu.memory_space<vmem>>) dst(%dma_wait3A_354 : memref<640x64xf32, #tpu.memory_space<hbm>>)
      } else {
      }
      %mul3A_223 = arith.constant 640 : i32
      %mul3A_224 = arith.muli %add3A_214, %mul3A_223 : i32
      %add3A_225 = arith.constant 0 : i32
      %add3A_226 = arith.addi %mul3A_224, %add3A_225 : i32
      %dma_start3A_227 = arith.constant 1 : i32
      %dma_start3A_228 = arith.constant 0 : i32
      %dma_start3A_229 = arith.constant 0 : i32
      %dma_start3A_230 = tpu.memref_slice %arg8[%dma_start3A_227, %dma_start3A_228, %dma_start3A_229] : memref<2x640x64xf32, #tpu.memory_space<vmem>> -> memref<1x128x64xf32, #tpu.memory_space<vmem>>
      %dma_start3A_231 = tpu.memref_squeeze %dma_start3A_230 : memref<1x128x64xf32, #tpu.memory_space<vmem>> -> memref<128x64xf32, #tpu.memory_space<vmem>>
      %dma_start3A_232 = tpu.memref_slice %arg7[%add3A_226] : memref<6400xi32, #tpu.memory_space<vmem>> -> memref<128xi32, #tpu.memory_space<vmem>>
      %dma_start3A_233 = arith.constant 0 : i32
      %dma_start3A_234 = arith.constant 0 : i32
      %dma_start3A_235 = tpu.memref_slice %arg5[%dma_start3A_233, %dma_start3A_234] : memref<100000x64xf32, #tpu.memory_space<hbm>> -> memref<100000x64xf32, #tpu.memory_space<hbm>>
      tpu.enqueue_indirect_dma source(%dma_start3A_235 : memref<100000x64xf32, #tpu.memory_space<hbm>>) target(%dma_start3A_231 : memref<128x64xf32, #tpu.memory_space<vmem>>) offsets(%dma_start3A_232 : memref<128xi32, #tpu.memory_space<vmem>>) semaphore(%arg9 : memref<!tpu.dma_semaphore, #tpu.memory_space<semaphore_mem>>)
      %mul3A_236 = arith.constant 640 : i32
      %mul3A_237 = arith.muli %add3A_214, %mul3A_236 : i32
      %add3A_238 = arith.constant 128 : i32
      %add3A_239 = arith.addi %mul3A_237, %add3A_238 : i32
      %dma_start3A_240 = arith.constant 1 : i32
      %dma_start3A_241 = arith.constant 128 : i32
      %dma_start3A_242 = arith.constant 0 : i32
      %dma_start3A_243 = tpu.memref_slice %arg8[%dma_start3A_240, %dma_start3A_241, %dma_start3A_242] : memref<2x640x64xf32, #tpu.memory_space<vmem>> -> memref<1x128x64xf32, #tpu.memory_space<vmem>>
      %dma_start3A_244 = tpu.memref_squeeze %dma_start3A_243 : memref<1x128x64xf32, #tpu.memory_space<vmem>> -> memref<128x64xf32, #tpu.memory_space<vmem>>
      %dma_start3A_245 = tpu.memref_slice %arg7[%add3A_239] : memref<6400xi32, #tpu.memory_space<vmem>> -> memref<128xi32, #tpu.memory_space<vmem>>
      %dma_start3A_246 = arith.constant 0 : i32
      %dma_start3A_247 = arith.constant 0 : i32
      %dma_start3A_248 = tpu.memref_slice %arg5[%dma_start3A_246, %dma_start3A_247] : memref<100000x64xf32, #tpu.memory_space<hbm>> -> memref<100000x64xf32, #tpu.memory_space<hbm>>
      tpu.enqueue_indirect_dma source(%dma_start3A_248 : memref<100000x64xf32, #tpu.memory_space<hbm>>) target(%dma_start3A_244 : memref<128x64xf32, #tpu.memory_space<vmem>>) offsets(%dma_start3A_245 : memref<128xi32, #tpu.memory_space<vmem>>) semaphore(%arg9 : memref<!tpu.dma_semaphore, #tpu.memory_space<semaphore_mem>>)
      %mul3A_249 = arith.constant 640 : i32
      %mul3A_250 = arith.muli %add3A_214, %mul3A_249 : i32
      %add3A_251 = arith.constant 256 : i32
      %add3A_252 = arith.addi %mul3A_250, %add3A_251 : i32
      %dma_start3A_253 = arith.constant 1 : i32
      %dma_start3A_254 = arith.constant 256 : i32
      %dma_start3A_255 = arith.constant 0 : i32
      %dma_start3A_256 = tpu.memref_slice %arg8[%dma_start3A_253, %dma_start3A_254, %dma_start3A_255] : memref<2x640x64xf32, #tpu.memory_space<vmem>> -> memref<1x128x64xf32, #tpu.memory_space<vmem>>
      %dma_start3A_257 = tpu.memref_squeeze %dma_start3A_256 : memref<1x128x64xf32, #tpu.memory_space<vmem>> -> memref<128x64xf32, #tpu.memory_space<vmem>>
      %dma_start3A_258 = tpu.memref_slice %arg7[%add3A_252] : memref<6400xi32, #tpu.memory_space<vmem>> -> memref<128xi32, #tpu.memory_space<vmem>>
      %dma_start3A_259 = arith.constant 0 : i32
      %dma_start3A_260 = arith.constant 0 : i32
      %dma_start3A_261 = tpu.memref_slice %arg5[%dma_start3A_259, %dma_start3A_260] : memref<100000x64xf32, #tpu.memory_space<hbm>> -> memref<100000x64xf32, #tpu.memory_space<hbm>>
      tpu.enqueue_indirect_dma source(%dma_start3A_261 : memref<100000x64xf32, #tpu.memory_space<hbm>>) target(%dma_start3A_257 : memref<128x64xf32, #tpu.memory_space<vmem>>) offsets(%dma_start3A_258 : memref<128xi32, #tpu.memory_space<vmem>>) semaphore(%arg9 : memref<!tpu.dma_semaphore, #tpu.memory_space<semaphore_mem>>)
      %mul3A_262 = arith.constant 640 : i32
      %mul3A_263 = arith.muli %add3A_214, %mul3A_262 : i32
      %add3A_264 = arith.constant 384 : i32
      %add3A_265 = arith.addi %mul3A_263, %add3A_264 : i32
      %dma_start3A_266 = arith.constant 1 : i32
      %dma_start3A_267 = arith.constant 384 : i32
      %dma_start3A_268 = arith.constant 0 : i32
      %dma_start3A_269 = tpu.memref_slice %arg8[%dma_start3A_266, %dma_start3A_267, %dma_start3A_268] : memref<2x640x64xf32, #tpu.memory_space<vmem>> -> memref<1x128x64xf32, #tpu.memory_space<vmem>>
      %dma_start3A_270 = tpu.memref_squeeze %dma_start3A_269 : memref<1x128x64xf32, #tpu.memory_space<vmem>> -> memref<128x64xf32, #tpu.memory_space<vmem>>
      %dma_start3A_271 = tpu.memref_slice %arg7[%add3A_265] : memref<6400xi32, #tpu.memory_space<vmem>> -> memref<128xi32, #tpu.memory_space<vmem>>
      %dma_start3A_272 = arith.constant 0 : i32
      %dma_start3A_273 = arith.constant 0 : i32
      %dma_start3A_274 = tpu.memref_slice %arg5[%dma_start3A_272, %dma_start3A_273] : memref<100000x64xf32, #tpu.memory_space<hbm>> -> memref<100000x64xf32, #tpu.memory_space<hbm>>
      tpu.enqueue_indirect_dma source(%dma_start3A_274 : memref<100000x64xf32, #tpu.memory_space<hbm>>) target(%dma_start3A_270 : memref<128x64xf32, #tpu.memory_space<vmem>>) offsets(%dma_start3A_271 : memref<128xi32, #tpu.memory_space<vmem>>) semaphore(%arg9 : memref<!tpu.dma_semaphore, #tpu.memory_space<semaphore_mem>>)
      %mul3A_275 = arith.constant 640 : i32
      %mul3A_276 = arith.muli %add3A_214, %mul3A_275 : i32
      %add3A_277 = arith.constant 512 : i32
      %add3A_278 = arith.addi %mul3A_276, %add3A_277 : i32
      %dma_start3A_279 = arith.constant 1 : i32
      %dma_start3A_280 = arith.constant 512 : i32
      %dma_start3A_281 = arith.constant 0 : i32
      %dma_start3A_282 = tpu.memref_slice %arg8[%dma_start3A_279, %dma_start3A_280, %dma_start3A_281] : memref<2x640x64xf32, #tpu.memory_space<vmem>> -> memref<1x128x64xf32, #tpu.memory_space<vmem>>
      %dma_start3A_283 = tpu.memref_squeeze %dma_start3A_282 : memref<1x128x64xf32, #tpu.memory_space<vmem>> -> memref<128x64xf32, #tpu.memory_space<vmem>>
      %dma_start3A_284 = tpu.memref_slice %arg7[%add3A_278] : memref<6400xi32, #tpu.memory_space<vmem>> -> memref<128xi32, #tpu.memory_space<vmem>>
      %dma_start3A_285 = arith.constant 0 : i32
      %dma_start3A_286 = arith.constant 0 : i32
      %dma_start3A_287 = tpu.memref_slice %arg5[%dma_start3A_285, %dma_start3A_286] : memref<100000x64xf32, #tpu.memory_space<hbm>> -> memref<100000x64xf32, #tpu.memory_space<hbm>>
      tpu.enqueue_indirect_dma source(%dma_start3A_287 : memref<100000x64xf32, #tpu.memory_space<hbm>>) target(%dma_start3A_283 : memref<128x64xf32, #tpu.memory_space<vmem>>) offsets(%dma_start3A_284 : memref<128xi32, #tpu.memory_space<vmem>>) semaphore(%arg9 : memref<!tpu.dma_semaphore, #tpu.memory_space<semaphore_mem>>)
      %dma_wait3A_288 = arith.constant 1 : i32
      %dma_wait3A_289 = arith.constant 0 : i32
      %dma_wait3A_290 = arith.constant 0 : i32
      %dma_wait3A_291 = tpu.memref_slice %arg8[%dma_wait3A_288, %dma_wait3A_289, %dma_wait3A_290] : memref<2x640x64xf32, #tpu.memory_space<vmem>> -> memref<1x128x64xf32, #tpu.memory_space<vmem>>
      %dma_wait3A_292 = tpu.memref_squeeze %dma_wait3A_291 : memref<1x128x64xf32, #tpu.memory_space<vmem>> -> memref<128x64xf32, #tpu.memory_space<vmem>>
      %dma_wait3A_293 = tpu.memref_slice %arg7[%add3A_226] : memref<6400xi32, #tpu.memory_space<vmem>> -> memref<128xi32, #tpu.memory_space<vmem>>
      %dma_wait3A_294 = arith.constant 0 : i32
      %dma_wait3A_295 = arith.constant 0 : i32
      %dma_wait3A_296 = tpu.memref_slice %arg5[%dma_wait3A_294, %dma_wait3A_295] : memref<100000x64xf32, #tpu.memory_space<hbm>> -> memref<100000x64xf32, #tpu.memory_space<hbm>>
      tpu.wait_indirect_dma semaphore(%arg9 : memref<!tpu.dma_semaphore, #tpu.memory_space<semaphore_mem>>) src(%dma_wait3A_296 : memref<100000x64xf32, #tpu.memory_space<hbm>>) dst(%dma_wait3A_292 : memref<128x64xf32, #tpu.memory_space<vmem>>)
      %dma_wait3A_297 = arith.constant 1 : i32
      %dma_wait3A_298 = arith.constant 128 : i32
      %dma_wait3A_299 = arith.constant 0 : i32
      %dma_wait3A_300 = tpu.memref_slice %arg8[%dma_wait3A_297, %dma_wait3A_298, %dma_wait3A_299] : memref<2x640x64xf32, #tpu.memory_space<vmem>> -> memref<1x128x64xf32, #tpu.memory_space<vmem>>
      %dma_wait3A_301 = tpu.memref_squeeze %dma_wait3A_300 : memref<1x128x64xf32, #tpu.memory_space<vmem>> -> memref<128x64xf32, #tpu.memory_space<vmem>>
      %dma_wait3A_302 = tpu.memref_slice %arg7[%add3A_239] : memref<6400xi32, #tpu.memory_space<vmem>> -> memref<128xi32, #tpu.memory_space<vmem>>
      %dma_wait3A_303 = arith.constant 0 : i32
      %dma_wait3A_304 = arith.constant 0 : i32
      %dma_wait3A_305 = tpu.memref_slice %arg5[%dma_wait3A_303, %dma_wait3A_304] : memref<100000x64xf32, #tpu.memory_space<hbm>> -> memref<100000x64xf32, #tpu.memory_space<hbm>>
      tpu.wait_indirect_dma semaphore(%arg9 : memref<!tpu.dma_semaphore, #tpu.memory_space<semaphore_mem>>) src(%dma_wait3A_305 : memref<100000x64xf32, #tpu.memory_space<hbm>>) dst(%dma_wait3A_301 : memref<128x64xf32, #tpu.memory_space<vmem>>)
      %dma_wait3A_306 = arith.constant 1 : i32
      %dma_wait3A_307 = arith.constant 256 : i32
      %dma_wait3A_308 = arith.constant 0 : i32
      %dma_wait3A_309 = tpu.memref_slice %arg8[%dma_wait3A_306, %dma_wait3A_307, %dma_wait3A_308] : memref<2x640x64xf32, #tpu.memory_space<vmem>> -> memref<1x128x64xf32, #tpu.memory_space<vmem>>
      %dma_wait3A_310 = tpu.memref_squeeze %dma_wait3A_309 : memref<1x128x64xf32, #tpu.memory_space<vmem>> -> memref<128x64xf32, #tpu.memory_space<vmem>>
      %dma_wait3A_311 = tpu.memref_slice %arg7[%add3A_252] : memref<6400xi32, #tpu.memory_space<vmem>> -> memref<128xi32, #tpu.memory_space<vmem>>
      %dma_wait3A_312 = arith.constant 0 : i32
      %dma_wait3A_313 = arith.constant 0 : i32
      %dma_wait3A_314 = tpu.memref_slice %arg5[%dma_wait3A_312, %dma_wait3A_313] : memref<100000x64xf32, #tpu.memory_space<hbm>> -> memref<100000x64xf32, #tpu.memory_space<hbm>>
      tpu.wait_indirect_dma semaphore(%arg9 : memref<!tpu.dma_semaphore, #tpu.memory_space<semaphore_mem>>) src(%dma_wait3A_314 : memref<100000x64xf32, #tpu.memory_space<hbm>>) dst(%dma_wait3A_310 : memref<128x64xf32, #tpu.memory_space<vmem>>)
      %dma_wait3A_315 = arith.constant 1 : i32
      %dma_wait3A_316 = arith.constant 384 : i32
      %dma_wait3A_317 = arith.constant 0 : i32
      %dma_wait3A_318 = tpu.memref_slice %arg8[%dma_wait3A_315, %dma_wait3A_316, %dma_wait3A_317] : memref<2x640x64xf32, #tpu.memory_space<vmem>> -> memref<1x128x64xf32, #tpu.memory_space<vmem>>
      %dma_wait3A_319 = tpu.memref_squeeze %dma_wait3A_318 : memref<1x128x64xf32, #tpu.memory_space<vmem>> -> memref<128x64xf32, #tpu.memory_space<vmem>>
      %dma_wait3A_320 = tpu.memref_slice %arg7[%add3A_265] : memref<6400xi32, #tpu.memory_space<vmem>> -> memref<128xi32, #tpu.memory_space<vmem>>
      %dma_wait3A_321 = arith.constant 0 : i32
      %dma_wait3A_322 = arith.constant 0 : i32
      %dma_wait3A_323 = tpu.memref_slice %arg5[%dma_wait3A_321, %dma_wait3A_322] : memref<100000x64xf32, #tpu.memory_space<hbm>> -> memref<100000x64xf32, #tpu.memory_space<hbm>>
      tpu.wait_indirect_dma semaphore(%arg9 : memref<!tpu.dma_semaphore, #tpu.memory_space<semaphore_mem>>) src(%dma_wait3A_323 : memref<100000x64xf32, #tpu.memory_space<hbm>>) dst(%dma_wait3A_319 : memref<128x64xf32, #tpu.memory_space<vmem>>)
      %dma_wait3A_324 = arith.constant 1 : i32
      %dma_wait3A_325 = arith.constant 512 : i32
      %dma_wait3A_326 = arith.constant 0 : i32
      %dma_wait3A_327 = tpu.memref_slice %arg8[%dma_wait3A_324, %dma_wait3A_325, %dma_wait3A_326] : memref<2x640x64xf32, #tpu.memory_space<vmem>> -> memref<1x128x64xf32, #tpu.memory_space<vmem>>
      %dma_wait3A_328 = tpu.memref_squeeze %dma_wait3A_327 : memref<1x128x64xf32, #tpu.memory_space<vmem>> -> memref<128x64xf32, #tpu.memory_space<vmem>>
      %dma_wait3A_329 = tpu.memref_slice %arg7[%add3A_278] : memref<6400xi32, #tpu.memory_space<vmem>> -> memref<128xi32, #tpu.memory_space<vmem>>
      %dma_wait3A_330 = arith.constant 0 : i32
      %dma_wait3A_331 = arith.constant 0 : i32
      %dma_wait3A_332 = tpu.memref_slice %arg5[%dma_wait3A_330, %dma_wait3A_331] : memref<100000x64xf32, #tpu.memory_space<hbm>> -> memref<100000x64xf32, #tpu.memory_space<hbm>>
      tpu.wait_indirect_dma semaphore(%arg9 : memref<!tpu.dma_semaphore, #tpu.memory_space<semaphore_mem>>) src(%dma_wait3A_332 : memref<100000x64xf32, #tpu.memory_space<hbm>>) dst(%dma_wait3A_328 : memref<128x64xf32, #tpu.memory_space<vmem>>)
      %dma_start3A_333 = arith.constant 1 : i32
      %dma_start3A_334 = arith.constant 0 : i32
      %dma_start3A_335 = arith.constant 0 : i32
      %dma_start3A_336 = tpu.memref_slice %arg8[%dma_start3A_333, %dma_start3A_334, %dma_start3A_335] : memref<2x640x64xf32, #tpu.memory_space<vmem>> -> memref<1x640x64xf32, #tpu.memory_space<vmem>>
      %dma_start3A_337 = tpu.memref_squeeze %dma_start3A_336 : memref<1x640x64xf32, #tpu.memory_space<vmem>> -> memref<640x64xf32, #tpu.memory_space<vmem>>
      %dma_start3A_338 = arith.constant 64 : i32
      %dma_start3A_339 = tpu.memref_slice %arg6[%add3A_217, %dma_start3A_338] : memref<204800x128xf32, #tpu.memory_space<hbm>> -> memref<640x64xf32, #tpu.memory_space<hbm>>
      %dma_start3A_340 = arith.constant 64 : i32
      %dma_start3A_341 = tpu.memref_slice %arg6[%add3A_217, %dma_start3A_340] : memref<204800x128xf32, #tpu.memory_space<hbm>> -> memref<640x64xf32, #tpu.memory_space<hbm>>
      %dma_start3A_342 = arith.constant 0 : i32
      %dma_start3A_343 = arith.constant 0 : i32
      %dma_start3A_344 = tpu.memref_slice %arg8[%dma_start3A_333, %dma_start3A_342, %dma_start3A_343] : memref<2x640x64xf32, #tpu.memory_space<vmem>> -> memref<1x640x64xf32, #tpu.memory_space<vmem>>
      %dma_start3A_345 = tpu.memref_squeeze %dma_start3A_344 : memref<1x640x64xf32, #tpu.memory_space<vmem>> -> memref<640x64xf32, #tpu.memory_space<vmem>>
      tpu.enqueue_dma source(%dma_start3A_345 : memref<640x64xf32, #tpu.memory_space<vmem>>) target(%dma_start3A_341 : memref<640x64xf32, #tpu.memory_space<hbm>>) target_semaphore(%arg11 : memref<!tpu.dma_semaphore, #tpu.memory_space<semaphore_mem>>)
    }
    %scan3A_44 = arith.constant 5 : i32
    %add3A_45 = arith.constant 5120 : i32
    %add3A_46 = arith.addi %mul3A_6, %add3A_45 : i32
    %dma_wait3A_47 = arith.constant 0 : i32
    %dma_wait3A_48 = arith.constant 0 : i32
    %dma_wait3A_49 = arith.constant 0 : i32
    %dma_wait3A_50 = tpu.memref_slice %arg8[%dma_wait3A_47, %dma_wait3A_48, %dma_wait3A_49] : memref<2x640x64xf32, #tpu.memory_space<vmem>> -> memref<1x640x64xf32, #tpu.memory_space<vmem>>
    %dma_wait3A_51 = tpu.memref_squeeze %dma_wait3A_50 : memref<1x640x64xf32, #tpu.memory_space<vmem>> -> memref<640x64xf32, #tpu.memory_space<vmem>>
    %dma_wait3A_52 = arith.constant 64 : i32
    %dma_wait3A_53 = tpu.memref_slice %arg6[%add3A_46, %dma_wait3A_52] : memref<204800x128xf32, #tpu.memory_space<hbm>> -> memref<640x64xf32, #tpu.memory_space<hbm>>
    %dma_wait3A_54 = arith.constant 64 : i32
    %dma_wait3A_55 = tpu.memref_slice %arg6[%add3A_46, %dma_wait3A_54] : memref<204800x128xf32, #tpu.memory_space<hbm>> -> memref<640x64xf32, #tpu.memory_space<hbm>>
    %dma_wait3A_56 = arith.constant 0 : i32
    %dma_wait3A_57 = arith.constant 0 : i32
    %dma_wait3A_58 = tpu.memref_slice %arg8[%dma_wait3A_47, %dma_wait3A_56, %dma_wait3A_57] : memref<2x640x64xf32, #tpu.memory_space<vmem>> -> memref<1x640x64xf32, #tpu.memory_space<vmem>>
    %dma_wait3A_59 = tpu.memref_squeeze %dma_wait3A_58 : memref<1x640x64xf32, #tpu.memory_space<vmem>> -> memref<640x64xf32, #tpu.memory_space<vmem>>
    tpu.wait_dma2 semaphore(%arg10 : memref<!tpu.dma_semaphore, #tpu.memory_space<semaphore_mem>>) src(%dma_wait3A_59 : memref<640x64xf32, #tpu.memory_space<vmem>>) dst(%dma_wait3A_55 : memref<640x64xf32, #tpu.memory_space<hbm>>)
    %add3A_60 = arith.constant 5760 : i32
    %add3A_61 = arith.addi %mul3A_6, %add3A_60 : i32
    %dma_wait3A_62 = arith.constant 1 : i32
    %dma_wait3A_63 = arith.constant 0 : i32
    %dma_wait3A_64 = arith.constant 0 : i32
    %dma_wait3A_65 = tpu.memref_slice %arg8[%dma_wait3A_62, %dma_wait3A_63, %dma_wait3A_64] : memref<2x640x64xf32, #tpu.memory_space<vmem>> -> memref<1x640x64xf32, #tpu.memory_space<vmem>>
    %dma_wait3A_66 = tpu.memref_squeeze %dma_wait3A_65 : memref<1x640x64xf32, #tpu.memory_space<vmem>> -> memref<640x64xf32, #tpu.memory_space<vmem>>
    %dma_wait3A_67 = arith.constant 64 : i32
    %dma_wait3A_68 = tpu.memref_slice %arg6[%add3A_61, %dma_wait3A_67] : memref<204800x128xf32, #tpu.memory_space<hbm>> -> memref<640x64xf32, #tpu.memory_space<hbm>>
    %dma_wait3A_69 = arith.constant 64 : i32
    %dma_wait3A_70 = tpu.memref_slice %arg6[%add3A_61, %dma_wait3A_69] : memref<204800x128xf32, #tpu.memory_space<hbm>> -> memref<640x64xf32, #tpu.memory_space<hbm>>
    %dma_wait3A_71 = arith.constant 0 : i32
    %dma_wait3A_72 = arith.constant 0 : i32
    %dma_wait3A_73 = tpu.memref_slice %arg8[%dma_wait3A_62, %dma_wait3A_71, %dma_wait3A_72] : memref<2x640x64xf32, #tpu.memory_space<vmem>> -> memref<1x640x64xf32, #tpu.memory_space<vmem>>
    %dma_wait3A_74 = tpu.memref_squeeze %dma_wait3A_73 : memref<1x640x64xf32, #tpu.memory_space<vmem>> -> memref<640x64xf32, #tpu.memory_space<vmem>>
    tpu.wait_dma2 semaphore(%arg11 : memref<!tpu.dma_semaphore, #tpu.memory_space<semaphore_mem>>) src(%dma_wait3A_74 : memref<640x64xf32, #tpu.memory_space<vmem>>) dst(%dma_wait3A_70 : memref<640x64xf32, #tpu.memory_space<hbm>>)
    return
  }
}

#map = affine_map<(d0, d1) -> (0)>
#map1 = affine_map<(d0, d1) -> (0, 0)>
module attributes {stable_mosaic.version = 14 : i64} {
  func.func @body(%arg0: i32, %arg1: i32, %arg2: memref<204800xi32, #tpu.memory_space<hbm>>, %arg3: memref<100000x64xf32, #tpu.memory_space<hbm>>, %arg4: memref<204800x128xf32, #tpu.memory_space<hbm>>, %arg5: memref<6400xi32, #tpu.memory_space<vmem>>, %arg6: memref<2x640x64xf32, #tpu.memory_space<vmem>>, %arg7: memref<!tpu.dma_semaphore, #tpu.memory_space<semaphore_mem>>, %arg8: memref<!tpu.dma_semaphore, #tpu.memory_space<semaphore_mem>>, %arg9: memref<!tpu.dma_semaphore, #tpu.memory_space<semaphore_mem>>) attributes {dimension_semantics = [#tpu.dimension_semantics<core_parallel>, #tpu.dimension_semantics<subcore_parallel>], iteration_bounds = array<i64: 2, 16>, scalar_prefetch = 0 : i64, scratch_operands = 5 : i64, tpu.core_type = #tpu.core_type<sc_vector_subcore>, window_params = [{transform_indices = #map}, {transform_indices = #map1}, {transform_indices = #map1}]} {
    %mul3A = arith.constant 2 : i32
    %mul3A_0 = arith.muli %arg1, %mul3A : i32
    %add3A = arith.addi %mul3A_0, %arg0 : i32
    %mul3A_1 = arith.constant 6400 : i32
    %mul3A_2 = arith.muli %add3A, %mul3A_1 : i32
    %add3A_3 = arith.constant 0 : i32
    %add3A_4 = arith.addi %add3A_3, %mul3A_2 : i32
    %mul3A_5 = arith.constant 6400 : i32
    %mul3A_6 = arith.muli %add3A, %mul3A_5 : i32
    "tpu.region"() ({
      %run_scoped3A = tpu.sem_alloc : memref<!tpu.dma_semaphore, #tpu.memory_space<semaphore_mem>>
      %dma_start3A = tpu.memref_slice %arg2[%add3A_4] : memref<204800xi32, #tpu.memory_space<hbm>> -> memref<6400xi32, #tpu.memory_space<hbm>>
      %dma_start3A_40 = tpu.memref_slice %arg2[%add3A_4] : memref<204800xi32, #tpu.memory_space<hbm>> -> memref<6400xi32, #tpu.memory_space<hbm>>
      tpu.enqueue_dma source(%dma_start3A_40 : memref<6400xi32, #tpu.memory_space<hbm>>) target(%arg5 : memref<6400xi32, #tpu.memory_space<vmem>>) target_semaphore(%run_scoped3A : memref<!tpu.dma_semaphore, #tpu.memory_space<semaphore_mem>>)
      %dma_wait3A_41 = tpu.memref_slice %arg2[%add3A_4] : memref<204800xi32, #tpu.memory_space<hbm>> -> memref<6400xi32, #tpu.memory_space<hbm>>
      %dma_wait3A_42 = tpu.memref_slice %arg2[%add3A_4] : memref<204800xi32, #tpu.memory_space<hbm>> -> memref<6400xi32, #tpu.memory_space<hbm>>
      tpu.wait_dma2 semaphore(%run_scoped3A : memref<!tpu.dma_semaphore, #tpu.memory_space<semaphore_mem>>) src(%dma_wait3A_42 : memref<6400xi32, #tpu.memory_space<hbm>>) dst(%arg5 : memref<6400xi32, #tpu.memory_space<vmem>>)
      tpu.yield
    }) : () -> ()
    %scan3A = arith.constant 0 : i32
    %scan3A_7 = arith.constant 5 : i32
    %scan3A_8 = arith.addi %scan3A, %scan3A_7 : i32
    %scan3A_9 = arith.constant 1 : i32
    scf.for %scan3A_40 = %scan3A to %scan3A_8 step %scan3A_9  : i32 {
      %mul3A_41 = arith.constant 1 : i32
      %mul3A_42 = arith.muli %scan3A_40, %mul3A_41 : i32
      %add3A_43 = arith.constant 0 : i32
      %add3A_44 = arith.addi %add3A_43, %mul3A_42 : i32
      %mul3A_45 = arith.constant 2 : i32
      %mul3A_46 = arith.muli %mul3A_45, %add3A_44 : i32
      %add3A_47 = arith.constant 0 : i32
      %add3A_48 = arith.addi %mul3A_46, %add3A_47 : i32
      %mul3A_49 = arith.constant 640 : i32
      %mul3A_50 = arith.muli %add3A_48, %mul3A_49 : i32
      %add3A_51 = arith.addi %mul3A_6, %mul3A_50 : i32
      %gt3A = arith.constant 0 : i32
      %gt3A_52 = arith.cmpi sgt, %add3A_44, %gt3A : i32
      %convert_element_type3A = arith.extui %gt3A_52 : i1 to i32
      %cond3A = arith.constant 0 : i32
      %cond3A_53 = arith.cmpi ne, %convert_element_type3A, %cond3A : i32
      scf.if %cond3A_53 {
        %dma_wait3A_311 = arith.constant 0 : i32
        %dma_wait3A_312 = arith.constant 0 : i32
        %dma_wait3A_313 = arith.constant 0 : i32
        %dma_wait3A_314 = tpu.memref_slice %arg6[%dma_wait3A_311, %dma_wait3A_312, %dma_wait3A_313] : memref<2x640x64xf32, #tpu.memory_space<vmem>> -> memref<1x640x64xf32, #tpu.memory_space<vmem>>
        %dma_wait3A_315 = tpu.memref_squeeze %dma_wait3A_314 : memref<1x640x64xf32, #tpu.memory_space<vmem>> -> memref<640x64xf32, #tpu.memory_space<vmem>>
        %dma_wait3A_316 = arith.constant 0 : i32
        %dma_wait3A_317 = tpu.memref_slice %arg4[%add3A_51, %dma_wait3A_316] : memref<204800x128xf32, #tpu.memory_space<hbm>> -> memref<640x64xf32, #tpu.memory_space<hbm>>
        %dma_wait3A_318 = arith.constant 0 : i32
        %dma_wait3A_319 = tpu.memref_slice %arg4[%add3A_51, %dma_wait3A_318] : memref<204800x128xf32, #tpu.memory_space<hbm>> -> memref<640x64xf32, #tpu.memory_space<hbm>>
        %dma_wait3A_320 = arith.constant 0 : i32
        %dma_wait3A_321 = arith.constant 0 : i32
        %dma_wait3A_322 = tpu.memref_slice %arg6[%dma_wait3A_311, %dma_wait3A_320, %dma_wait3A_321] : memref<2x640x64xf32, #tpu.memory_space<vmem>> -> memref<1x640x64xf32, #tpu.memory_space<vmem>>
        %dma_wait3A_323 = tpu.memref_squeeze %dma_wait3A_322 : memref<1x640x64xf32, #tpu.memory_space<vmem>> -> memref<640x64xf32, #tpu.memory_space<vmem>>
        tpu.wait_dma2 semaphore(%arg8 : memref<!tpu.dma_semaphore, #tpu.memory_space<semaphore_mem>>) src(%dma_wait3A_323 : memref<640x64xf32, #tpu.memory_space<vmem>>) dst(%dma_wait3A_319 : memref<640x64xf32, #tpu.memory_space<hbm>>)
      } else {
      }
      %mul3A_54 = arith.constant 640 : i32
      %mul3A_55 = arith.muli %add3A_48, %mul3A_54 : i32
      %add3A_56 = arith.constant 0 : i32
      %add3A_57 = arith.addi %mul3A_55, %add3A_56 : i32
      %dma_start3A = arith.constant 0 : i32
      %dma_start3A_58 = arith.constant 0 : i32
      %dma_start3A_59 = arith.constant 0 : i32
      %dma_start3A_60 = tpu.memref_slice %arg6[%dma_start3A, %dma_start3A_58, %dma_start3A_59] : memref<2x640x64xf32, #tpu.memory_space<vmem>> -> memref<1x128x64xf32, #tpu.memory_space<vmem>>
      %dma_start3A_61 = tpu.memref_squeeze %dma_start3A_60 : memref<1x128x64xf32, #tpu.memory_space<vmem>> -> memref<128x64xf32, #tpu.memory_space<vmem>>
      %dma_start3A_62 = tpu.memref_slice %arg5[%add3A_57] : memref<6400xi32, #tpu.memory_space<vmem>> -> memref<128xi32, #tpu.memory_space<vmem>>
      %dma_start3A_63 = arith.constant 0 : i32
      %dma_start3A_64 = arith.constant 0 : i32
      %dma_start3A_65 = tpu.memref_slice %arg3[%dma_start3A_63, %dma_start3A_64] : memref<100000x64xf32, #tpu.memory_space<hbm>> -> memref<100000x64xf32, #tpu.memory_space<hbm>>
      tpu.enqueue_indirect_dma source(%dma_start3A_65 : memref<100000x64xf32, #tpu.memory_space<hbm>>) target(%dma_start3A_61 : memref<128x64xf32, #tpu.memory_space<vmem>>) offsets(%dma_start3A_62 : memref<128xi32, #tpu.memory_space<vmem>>) semaphore(%arg7 : memref<!tpu.dma_semaphore, #tpu.memory_space<semaphore_mem>>)
      %mul3A_66 = arith.constant 640 : i32
      %mul3A_67 = arith.muli %add3A_48, %mul3A_66 : i32
      %add3A_68 = arith.constant 128 : i32
      %add3A_69 = arith.addi %mul3A_67, %add3A_68 : i32
      %dma_start3A_70 = arith.constant 0 : i32
      %dma_start3A_71 = arith.constant 128 : i32
      %dma_start3A_72 = arith.constant 0 : i32
      %dma_start3A_73 = tpu.memref_slice %arg6[%dma_start3A_70, %dma_start3A_71, %dma_start3A_72] : memref<2x640x64xf32, #tpu.memory_space<vmem>> -> memref<1x128x64xf32, #tpu.memory_space<vmem>>
      %dma_start3A_74 = tpu.memref_squeeze %dma_start3A_73 : memref<1x128x64xf32, #tpu.memory_space<vmem>> -> memref<128x64xf32, #tpu.memory_space<vmem>>
      %dma_start3A_75 = tpu.memref_slice %arg5[%add3A_69] : memref<6400xi32, #tpu.memory_space<vmem>> -> memref<128xi32, #tpu.memory_space<vmem>>
      %dma_start3A_76 = arith.constant 0 : i32
      %dma_start3A_77 = arith.constant 0 : i32
      %dma_start3A_78 = tpu.memref_slice %arg3[%dma_start3A_76, %dma_start3A_77] : memref<100000x64xf32, #tpu.memory_space<hbm>> -> memref<100000x64xf32, #tpu.memory_space<hbm>>
      tpu.enqueue_indirect_dma source(%dma_start3A_78 : memref<100000x64xf32, #tpu.memory_space<hbm>>) target(%dma_start3A_74 : memref<128x64xf32, #tpu.memory_space<vmem>>) offsets(%dma_start3A_75 : memref<128xi32, #tpu.memory_space<vmem>>) semaphore(%arg7 : memref<!tpu.dma_semaphore, #tpu.memory_space<semaphore_mem>>)
      %mul3A_79 = arith.constant 640 : i32
      %mul3A_80 = arith.muli %add3A_48, %mul3A_79 : i32
      %add3A_81 = arith.constant 256 : i32
      %add3A_82 = arith.addi %mul3A_80, %add3A_81 : i32
      %dma_start3A_83 = arith.constant 0 : i32
      %dma_start3A_84 = arith.constant 256 : i32
      %dma_start3A_85 = arith.constant 0 : i32
      %dma_start3A_86 = tpu.memref_slice %arg6[%dma_start3A_83, %dma_start3A_84, %dma_start3A_85] : memref<2x640x64xf32, #tpu.memory_space<vmem>> -> memref<1x128x64xf32, #tpu.memory_space<vmem>>
      %dma_start3A_87 = tpu.memref_squeeze %dma_start3A_86 : memref<1x128x64xf32, #tpu.memory_space<vmem>> -> memref<128x64xf32, #tpu.memory_space<vmem>>
      %dma_start3A_88 = tpu.memref_slice %arg5[%add3A_82] : memref<6400xi32, #tpu.memory_space<vmem>> -> memref<128xi32, #tpu.memory_space<vmem>>
      %dma_start3A_89 = arith.constant 0 : i32
      %dma_start3A_90 = arith.constant 0 : i32
      %dma_start3A_91 = tpu.memref_slice %arg3[%dma_start3A_89, %dma_start3A_90] : memref<100000x64xf32, #tpu.memory_space<hbm>> -> memref<100000x64xf32, #tpu.memory_space<hbm>>
      tpu.enqueue_indirect_dma source(%dma_start3A_91 : memref<100000x64xf32, #tpu.memory_space<hbm>>) target(%dma_start3A_87 : memref<128x64xf32, #tpu.memory_space<vmem>>) offsets(%dma_start3A_88 : memref<128xi32, #tpu.memory_space<vmem>>) semaphore(%arg7 : memref<!tpu.dma_semaphore, #tpu.memory_space<semaphore_mem>>)
      %mul3A_92 = arith.constant 640 : i32
      %mul3A_93 = arith.muli %add3A_48, %mul3A_92 : i32
      %add3A_94 = arith.constant 384 : i32
      %add3A_95 = arith.addi %mul3A_93, %add3A_94 : i32
      %dma_start3A_96 = arith.constant 0 : i32
      %dma_start3A_97 = arith.constant 384 : i32
      %dma_start3A_98 = arith.constant 0 : i32
      %dma_start3A_99 = tpu.memref_slice %arg6[%dma_start3A_96, %dma_start3A_97, %dma_start3A_98] : memref<2x640x64xf32, #tpu.memory_space<vmem>> -> memref<1x128x64xf32, #tpu.memory_space<vmem>>
      %dma_start3A_100 = tpu.memref_squeeze %dma_start3A_99 : memref<1x128x64xf32, #tpu.memory_space<vmem>> -> memref<128x64xf32, #tpu.memory_space<vmem>>
      %dma_start3A_101 = tpu.memref_slice %arg5[%add3A_95] : memref<6400xi32, #tpu.memory_space<vmem>> -> memref<128xi32, #tpu.memory_space<vmem>>
      %dma_start3A_102 = arith.constant 0 : i32
      %dma_start3A_103 = arith.constant 0 : i32
      %dma_start3A_104 = tpu.memref_slice %arg3[%dma_start3A_102, %dma_start3A_103] : memref<100000x64xf32, #tpu.memory_space<hbm>> -> memref<100000x64xf32, #tpu.memory_space<hbm>>
      tpu.enqueue_indirect_dma source(%dma_start3A_104 : memref<100000x64xf32, #tpu.memory_space<hbm>>) target(%dma_start3A_100 : memref<128x64xf32, #tpu.memory_space<vmem>>) offsets(%dma_start3A_101 : memref<128xi32, #tpu.memory_space<vmem>>) semaphore(%arg7 : memref<!tpu.dma_semaphore, #tpu.memory_space<semaphore_mem>>)
      %mul3A_105 = arith.constant 640 : i32
      %mul3A_106 = arith.muli %add3A_48, %mul3A_105 : i32
      %add3A_107 = arith.constant 512 : i32
      %add3A_108 = arith.addi %mul3A_106, %add3A_107 : i32
      %dma_start3A_109 = arith.constant 0 : i32
      %dma_start3A_110 = arith.constant 512 : i32
      %dma_start3A_111 = arith.constant 0 : i32
      %dma_start3A_112 = tpu.memref_slice %arg6[%dma_start3A_109, %dma_start3A_110, %dma_start3A_111] : memref<2x640x64xf32, #tpu.memory_space<vmem>> -> memref<1x128x64xf32, #tpu.memory_space<vmem>>
      %dma_start3A_113 = tpu.memref_squeeze %dma_start3A_112 : memref<1x128x64xf32, #tpu.memory_space<vmem>> -> memref<128x64xf32, #tpu.memory_space<vmem>>
      %dma_start3A_114 = tpu.memref_slice %arg5[%add3A_108] : memref<6400xi32, #tpu.memory_space<vmem>> -> memref<128xi32, #tpu.memory_space<vmem>>
      %dma_start3A_115 = arith.constant 0 : i32
      %dma_start3A_116 = arith.constant 0 : i32
      %dma_start3A_117 = tpu.memref_slice %arg3[%dma_start3A_115, %dma_start3A_116] : memref<100000x64xf32, #tpu.memory_space<hbm>> -> memref<100000x64xf32, #tpu.memory_space<hbm>>
      tpu.enqueue_indirect_dma source(%dma_start3A_117 : memref<100000x64xf32, #tpu.memory_space<hbm>>) target(%dma_start3A_113 : memref<128x64xf32, #tpu.memory_space<vmem>>) offsets(%dma_start3A_114 : memref<128xi32, #tpu.memory_space<vmem>>) semaphore(%arg7 : memref<!tpu.dma_semaphore, #tpu.memory_space<semaphore_mem>>)
      %dma_wait3A_118 = arith.constant 0 : i32
      %dma_wait3A_119 = arith.constant 0 : i32
      %dma_wait3A_120 = arith.constant 0 : i32
      %dma_wait3A_121 = tpu.memref_slice %arg6[%dma_wait3A_118, %dma_wait3A_119, %dma_wait3A_120] : memref<2x640x64xf32, #tpu.memory_space<vmem>> -> memref<1x128x64xf32, #tpu.memory_space<vmem>>
      %dma_wait3A_122 = tpu.memref_squeeze %dma_wait3A_121 : memref<1x128x64xf32, #tpu.memory_space<vmem>> -> memref<128x64xf32, #tpu.memory_space<vmem>>
      %dma_wait3A_123 = tpu.memref_slice %arg5[%add3A_57] : memref<6400xi32, #tpu.memory_space<vmem>> -> memref<128xi32, #tpu.memory_space<vmem>>
      %dma_wait3A_124 = arith.constant 0 : i32
      %dma_wait3A_125 = arith.constant 0 : i32
      %dma_wait3A_126 = tpu.memref_slice %arg3[%dma_wait3A_124, %dma_wait3A_125] : memref<100000x64xf32, #tpu.memory_space<hbm>> -> memref<100000x64xf32, #tpu.memory_space<hbm>>
      tpu.wait_indirect_dma semaphore(%arg7 : memref<!tpu.dma_semaphore, #tpu.memory_space<semaphore_mem>>) src(%dma_wait3A_126 : memref<100000x64xf32, #tpu.memory_space<hbm>>) dst(%dma_wait3A_122 : memref<128x64xf32, #tpu.memory_space<vmem>>)
      %dma_wait3A_127 = arith.constant 0 : i32
      %dma_wait3A_128 = arith.constant 128 : i32
      %dma_wait3A_129 = arith.constant 0 : i32
      %dma_wait3A_130 = tpu.memref_slice %arg6[%dma_wait3A_127, %dma_wait3A_128, %dma_wait3A_129] : memref<2x640x64xf32, #tpu.memory_space<vmem>> -> memref<1x128x64xf32, #tpu.memory_space<vmem>>
      %dma_wait3A_131 = tpu.memref_squeeze %dma_wait3A_130 : memref<1x128x64xf32, #tpu.memory_space<vmem>> -> memref<128x64xf32, #tpu.memory_space<vmem>>
      %dma_wait3A_132 = tpu.memref_slice %arg5[%add3A_69] : memref<6400xi32, #tpu.memory_space<vmem>> -> memref<128xi32, #tpu.memory_space<vmem>>
      %dma_wait3A_133 = arith.constant 0 : i32
      %dma_wait3A_134 = arith.constant 0 : i32
      %dma_wait3A_135 = tpu.memref_slice %arg3[%dma_wait3A_133, %dma_wait3A_134] : memref<100000x64xf32, #tpu.memory_space<hbm>> -> memref<100000x64xf32, #tpu.memory_space<hbm>>
      tpu.wait_indirect_dma semaphore(%arg7 : memref<!tpu.dma_semaphore, #tpu.memory_space<semaphore_mem>>) src(%dma_wait3A_135 : memref<100000x64xf32, #tpu.memory_space<hbm>>) dst(%dma_wait3A_131 : memref<128x64xf32, #tpu.memory_space<vmem>>)
      %dma_wait3A_136 = arith.constant 0 : i32
      %dma_wait3A_137 = arith.constant 256 : i32
      %dma_wait3A_138 = arith.constant 0 : i32
      %dma_wait3A_139 = tpu.memref_slice %arg6[%dma_wait3A_136, %dma_wait3A_137, %dma_wait3A_138] : memref<2x640x64xf32, #tpu.memory_space<vmem>> -> memref<1x128x64xf32, #tpu.memory_space<vmem>>
      %dma_wait3A_140 = tpu.memref_squeeze %dma_wait3A_139 : memref<1x128x64xf32, #tpu.memory_space<vmem>> -> memref<128x64xf32, #tpu.memory_space<vmem>>
      %dma_wait3A_141 = tpu.memref_slice %arg5[%add3A_82] : memref<6400xi32, #tpu.memory_space<vmem>> -> memref<128xi32, #tpu.memory_space<vmem>>
      %dma_wait3A_142 = arith.constant 0 : i32
      %dma_wait3A_143 = arith.constant 0 : i32
      %dma_wait3A_144 = tpu.memref_slice %arg3[%dma_wait3A_142, %dma_wait3A_143] : memref<100000x64xf32, #tpu.memory_space<hbm>> -> memref<100000x64xf32, #tpu.memory_space<hbm>>
      tpu.wait_indirect_dma semaphore(%arg7 : memref<!tpu.dma_semaphore, #tpu.memory_space<semaphore_mem>>) src(%dma_wait3A_144 : memref<100000x64xf32, #tpu.memory_space<hbm>>) dst(%dma_wait3A_140 : memref<128x64xf32, #tpu.memory_space<vmem>>)
      %dma_wait3A_145 = arith.constant 0 : i32
      %dma_wait3A_146 = arith.constant 384 : i32
      %dma_wait3A_147 = arith.constant 0 : i32
      %dma_wait3A_148 = tpu.memref_slice %arg6[%dma_wait3A_145, %dma_wait3A_146, %dma_wait3A_147] : memref<2x640x64xf32, #tpu.memory_space<vmem>> -> memref<1x128x64xf32, #tpu.memory_space<vmem>>
      %dma_wait3A_149 = tpu.memref_squeeze %dma_wait3A_148 : memref<1x128x64xf32, #tpu.memory_space<vmem>> -> memref<128x64xf32, #tpu.memory_space<vmem>>
      %dma_wait3A_150 = tpu.memref_slice %arg5[%add3A_95] : memref<6400xi32, #tpu.memory_space<vmem>> -> memref<128xi32, #tpu.memory_space<vmem>>
      %dma_wait3A_151 = arith.constant 0 : i32
      %dma_wait3A_152 = arith.constant 0 : i32
      %dma_wait3A_153 = tpu.memref_slice %arg3[%dma_wait3A_151, %dma_wait3A_152] : memref<100000x64xf32, #tpu.memory_space<hbm>> -> memref<100000x64xf32, #tpu.memory_space<hbm>>
      tpu.wait_indirect_dma semaphore(%arg7 : memref<!tpu.dma_semaphore, #tpu.memory_space<semaphore_mem>>) src(%dma_wait3A_153 : memref<100000x64xf32, #tpu.memory_space<hbm>>) dst(%dma_wait3A_149 : memref<128x64xf32, #tpu.memory_space<vmem>>)
      %dma_wait3A_154 = arith.constant 0 : i32
      %dma_wait3A_155 = arith.constant 512 : i32
      %dma_wait3A_156 = arith.constant 0 : i32
      %dma_wait3A_157 = tpu.memref_slice %arg6[%dma_wait3A_154, %dma_wait3A_155, %dma_wait3A_156] : memref<2x640x64xf32, #tpu.memory_space<vmem>> -> memref<1x128x64xf32, #tpu.memory_space<vmem>>
      %dma_wait3A_158 = tpu.memref_squeeze %dma_wait3A_157 : memref<1x128x64xf32, #tpu.memory_space<vmem>> -> memref<128x64xf32, #tpu.memory_space<vmem>>
      %dma_wait3A_159 = tpu.memref_slice %arg5[%add3A_108] : memref<6400xi32, #tpu.memory_space<vmem>> -> memref<128xi32, #tpu.memory_space<vmem>>
      %dma_wait3A_160 = arith.constant 0 : i32
      %dma_wait3A_161 = arith.constant 0 : i32
      %dma_wait3A_162 = tpu.memref_slice %arg3[%dma_wait3A_160, %dma_wait3A_161] : memref<100000x64xf32, #tpu.memory_space<hbm>> -> memref<100000x64xf32, #tpu.memory_space<hbm>>
      tpu.wait_indirect_dma semaphore(%arg7 : memref<!tpu.dma_semaphore, #tpu.memory_space<semaphore_mem>>) src(%dma_wait3A_162 : memref<100000x64xf32, #tpu.memory_space<hbm>>) dst(%dma_wait3A_158 : memref<128x64xf32, #tpu.memory_space<vmem>>)
      %dma_start3A_163 = arith.constant 0 : i32
      %dma_start3A_164 = arith.constant 0 : i32
      %dma_start3A_165 = arith.constant 0 : i32
      %dma_start3A_166 = tpu.memref_slice %arg6[%dma_start3A_163, %dma_start3A_164, %dma_start3A_165] : memref<2x640x64xf32, #tpu.memory_space<vmem>> -> memref<1x640x64xf32, #tpu.memory_space<vmem>>
      %dma_start3A_167 = tpu.memref_squeeze %dma_start3A_166 : memref<1x640x64xf32, #tpu.memory_space<vmem>> -> memref<640x64xf32, #tpu.memory_space<vmem>>
      %dma_start3A_168 = arith.constant 0 : i32
      %dma_start3A_169 = tpu.memref_slice %arg4[%add3A_51, %dma_start3A_168] : memref<204800x128xf32, #tpu.memory_space<hbm>> -> memref<640x64xf32, #tpu.memory_space<hbm>>
      %dma_start3A_170 = arith.constant 0 : i32
      %dma_start3A_171 = tpu.memref_slice %arg4[%add3A_51, %dma_start3A_170] : memref<204800x128xf32, #tpu.memory_space<hbm>> -> memref<640x64xf32, #tpu.memory_space<hbm>>
      %dma_start3A_172 = arith.constant 0 : i32
      %dma_start3A_173 = arith.constant 0 : i32
      %dma_start3A_174 = tpu.memref_slice %arg6[%dma_start3A_163, %dma_start3A_172, %dma_start3A_173] : memref<2x640x64xf32, #tpu.memory_space<vmem>> -> memref<1x640x64xf32, #tpu.memory_space<vmem>>
      %dma_start3A_175 = tpu.memref_squeeze %dma_start3A_174 : memref<1x640x64xf32, #tpu.memory_space<vmem>> -> memref<640x64xf32, #tpu.memory_space<vmem>>
      tpu.enqueue_dma source(%dma_start3A_175 : memref<640x64xf32, #tpu.memory_space<vmem>>) target(%dma_start3A_171 : memref<640x64xf32, #tpu.memory_space<hbm>>) target_semaphore(%arg8 : memref<!tpu.dma_semaphore, #tpu.memory_space<semaphore_mem>>)
      %mul3A_176 = arith.constant 2 : i32
      %mul3A_177 = arith.muli %mul3A_176, %add3A_44 : i32
      %add3A_178 = arith.constant 1 : i32
      %add3A_179 = arith.addi %mul3A_177, %add3A_178 : i32
      %mul3A_180 = arith.constant 640 : i32
      %mul3A_181 = arith.muli %add3A_179, %mul3A_180 : i32
      %add3A_182 = arith.addi %mul3A_6, %mul3A_181 : i32
      %gt3A_183 = arith.constant 0 : i32
      %gt3A_184 = arith.cmpi sgt, %add3A_44, %gt3A_183 : i32
      %convert_element_type3A_185 = arith.extui %gt3A_184 : i1 to i32
      %cond3A_186 = arith.constant 0 : i32
      %cond3A_187 = arith.cmpi ne, %convert_element_type3A_185, %cond3A_186 : i32
      scf.if %cond3A_187 {
        %dma_wait3A_311 = arith.constant 1 : i32
        %dma_wait3A_312 = arith.constant 0 : i32
        %dma_wait3A_313 = arith.constant 0 : i32
        %dma_wait3A_314 = tpu.memref_slice %arg6[%dma_wait3A_311, %dma_wait3A_312, %dma_wait3A_313] : memref<2x640x64xf32, #tpu.memory_space<vmem>> -> memref<1x640x64xf32, #tpu.memory_space<vmem>>
        %dma_wait3A_315 = tpu.memref_squeeze %dma_wait3A_314 : memref<1x640x64xf32, #tpu.memory_space<vmem>> -> memref<640x64xf32, #tpu.memory_space<vmem>>
        %dma_wait3A_316 = arith.constant 0 : i32
        %dma_wait3A_317 = tpu.memref_slice %arg4[%add3A_182, %dma_wait3A_316] : memref<204800x128xf32, #tpu.memory_space<hbm>> -> memref<640x64xf32, #tpu.memory_space<hbm>>
        %dma_wait3A_318 = arith.constant 0 : i32
        %dma_wait3A_319 = tpu.memref_slice %arg4[%add3A_182, %dma_wait3A_318] : memref<204800x128xf32, #tpu.memory_space<hbm>> -> memref<640x64xf32, #tpu.memory_space<hbm>>
        %dma_wait3A_320 = arith.constant 0 : i32
        %dma_wait3A_321 = arith.constant 0 : i32
        %dma_wait3A_322 = tpu.memref_slice %arg6[%dma_wait3A_311, %dma_wait3A_320, %dma_wait3A_321] : memref<2x640x64xf32, #tpu.memory_space<vmem>> -> memref<1x640x64xf32, #tpu.memory_space<vmem>>
        %dma_wait3A_323 = tpu.memref_squeeze %dma_wait3A_322 : memref<1x640x64xf32, #tpu.memory_space<vmem>> -> memref<640x64xf32, #tpu.memory_space<vmem>>
        tpu.wait_dma2 semaphore(%arg9 : memref<!tpu.dma_semaphore, #tpu.memory_space<semaphore_mem>>) src(%dma_wait3A_323 : memref<640x64xf32, #tpu.memory_space<vmem>>) dst(%dma_wait3A_319 : memref<640x64xf32, #tpu.memory_space<hbm>>)
      } else {
      }
      %mul3A_188 = arith.constant 640 : i32
      %mul3A_189 = arith.muli %add3A_179, %mul3A_188 : i32
      %add3A_190 = arith.constant 0 : i32
      %add3A_191 = arith.addi %mul3A_189, %add3A_190 : i32
      %dma_start3A_192 = arith.constant 1 : i32
      %dma_start3A_193 = arith.constant 0 : i32
      %dma_start3A_194 = arith.constant 0 : i32
      %dma_start3A_195 = tpu.memref_slice %arg6[%dma_start3A_192, %dma_start3A_193, %dma_start3A_194] : memref<2x640x64xf32, #tpu.memory_space<vmem>> -> memref<1x128x64xf32, #tpu.memory_space<vmem>>
      %dma_start3A_196 = tpu.memref_squeeze %dma_start3A_195 : memref<1x128x64xf32, #tpu.memory_space<vmem>> -> memref<128x64xf32, #tpu.memory_space<vmem>>
      %dma_start3A_197 = tpu.memref_slice %arg5[%add3A_191] : memref<6400xi32, #tpu.memory_space<vmem>> -> memref<128xi32, #tpu.memory_space<vmem>>
      %dma_start3A_198 = arith.constant 0 : i32
      %dma_start3A_199 = arith.constant 0 : i32
      %dma_start3A_200 = tpu.memref_slice %arg3[%dma_start3A_198, %dma_start3A_199] : memref<100000x64xf32, #tpu.memory_space<hbm>> -> memref<100000x64xf32, #tpu.memory_space<hbm>>
      tpu.enqueue_indirect_dma source(%dma_start3A_200 : memref<100000x64xf32, #tpu.memory_space<hbm>>) target(%dma_start3A_196 : memref<128x64xf32, #tpu.memory_space<vmem>>) offsets(%dma_start3A_197 : memref<128xi32, #tpu.memory_space<vmem>>) semaphore(%arg7 : memref<!tpu.dma_semaphore, #tpu.memory_space<semaphore_mem>>)
      %mul3A_201 = arith.constant 640 : i32
      %mul3A_202 = arith.muli %add3A_179, %mul3A_201 : i32
      %add3A_203 = arith.constant 128 : i32
      %add3A_204 = arith.addi %mul3A_202, %add3A_203 : i32
      %dma_start3A_205 = arith.constant 1 : i32
      %dma_start3A_206 = arith.constant 128 : i32
      %dma_start3A_207 = arith.constant 0 : i32
      %dma_start3A_208 = tpu.memref_slice %arg6[%dma_start3A_205, %dma_start3A_206, %dma_start3A_207] : memref<2x640x64xf32, #tpu.memory_space<vmem>> -> memref<1x128x64xf32, #tpu.memory_space<vmem>>
      %dma_start3A_209 = tpu.memref_squeeze %dma_start3A_208 : memref<1x128x64xf32, #tpu.memory_space<vmem>> -> memref<128x64xf32, #tpu.memory_space<vmem>>
      %dma_start3A_210 = tpu.memref_slice %arg5[%add3A_204] : memref<6400xi32, #tpu.memory_space<vmem>> -> memref<128xi32, #tpu.memory_space<vmem>>
      %dma_start3A_211 = arith.constant 0 : i32
      %dma_start3A_212 = arith.constant 0 : i32
      %dma_start3A_213 = tpu.memref_slice %arg3[%dma_start3A_211, %dma_start3A_212] : memref<100000x64xf32, #tpu.memory_space<hbm>> -> memref<100000x64xf32, #tpu.memory_space<hbm>>
      tpu.enqueue_indirect_dma source(%dma_start3A_213 : memref<100000x64xf32, #tpu.memory_space<hbm>>) target(%dma_start3A_209 : memref<128x64xf32, #tpu.memory_space<vmem>>) offsets(%dma_start3A_210 : memref<128xi32, #tpu.memory_space<vmem>>) semaphore(%arg7 : memref<!tpu.dma_semaphore, #tpu.memory_space<semaphore_mem>>)
      %mul3A_214 = arith.constant 640 : i32
      %mul3A_215 = arith.muli %add3A_179, %mul3A_214 : i32
      %add3A_216 = arith.constant 256 : i32
      %add3A_217 = arith.addi %mul3A_215, %add3A_216 : i32
      %dma_start3A_218 = arith.constant 1 : i32
      %dma_start3A_219 = arith.constant 256 : i32
      %dma_start3A_220 = arith.constant 0 : i32
      %dma_start3A_221 = tpu.memref_slice %arg6[%dma_start3A_218, %dma_start3A_219, %dma_start3A_220] : memref<2x640x64xf32, #tpu.memory_space<vmem>> -> memref<1x128x64xf32, #tpu.memory_space<vmem>>
      %dma_start3A_222 = tpu.memref_squeeze %dma_start3A_221 : memref<1x128x64xf32, #tpu.memory_space<vmem>> -> memref<128x64xf32, #tpu.memory_space<vmem>>
      %dma_start3A_223 = tpu.memref_slice %arg5[%add3A_217] : memref<6400xi32, #tpu.memory_space<vmem>> -> memref<128xi32, #tpu.memory_space<vmem>>
      %dma_start3A_224 = arith.constant 0 : i32
      %dma_start3A_225 = arith.constant 0 : i32
      %dma_start3A_226 = tpu.memref_slice %arg3[%dma_start3A_224, %dma_start3A_225] : memref<100000x64xf32, #tpu.memory_space<hbm>> -> memref<100000x64xf32, #tpu.memory_space<hbm>>
      tpu.enqueue_indirect_dma source(%dma_start3A_226 : memref<100000x64xf32, #tpu.memory_space<hbm>>) target(%dma_start3A_222 : memref<128x64xf32, #tpu.memory_space<vmem>>) offsets(%dma_start3A_223 : memref<128xi32, #tpu.memory_space<vmem>>) semaphore(%arg7 : memref<!tpu.dma_semaphore, #tpu.memory_space<semaphore_mem>>)
      %mul3A_227 = arith.constant 640 : i32
      %mul3A_228 = arith.muli %add3A_179, %mul3A_227 : i32
      %add3A_229 = arith.constant 384 : i32
      %add3A_230 = arith.addi %mul3A_228, %add3A_229 : i32
      %dma_start3A_231 = arith.constant 1 : i32
      %dma_start3A_232 = arith.constant 384 : i32
      %dma_start3A_233 = arith.constant 0 : i32
      %dma_start3A_234 = tpu.memref_slice %arg6[%dma_start3A_231, %dma_start3A_232, %dma_start3A_233] : memref<2x640x64xf32, #tpu.memory_space<vmem>> -> memref<1x128x64xf32, #tpu.memory_space<vmem>>
      %dma_start3A_235 = tpu.memref_squeeze %dma_start3A_234 : memref<1x128x64xf32, #tpu.memory_space<vmem>> -> memref<128x64xf32, #tpu.memory_space<vmem>>
      %dma_start3A_236 = tpu.memref_slice %arg5[%add3A_230] : memref<6400xi32, #tpu.memory_space<vmem>> -> memref<128xi32, #tpu.memory_space<vmem>>
      %dma_start3A_237 = arith.constant 0 : i32
      %dma_start3A_238 = arith.constant 0 : i32
      %dma_start3A_239 = tpu.memref_slice %arg3[%dma_start3A_237, %dma_start3A_238] : memref<100000x64xf32, #tpu.memory_space<hbm>> -> memref<100000x64xf32, #tpu.memory_space<hbm>>
      tpu.enqueue_indirect_dma source(%dma_start3A_239 : memref<100000x64xf32, #tpu.memory_space<hbm>>) target(%dma_start3A_235 : memref<128x64xf32, #tpu.memory_space<vmem>>) offsets(%dma_start3A_236 : memref<128xi32, #tpu.memory_space<vmem>>) semaphore(%arg7 : memref<!tpu.dma_semaphore, #tpu.memory_space<semaphore_mem>>)
      %mul3A_240 = arith.constant 640 : i32
      %mul3A_241 = arith.muli %add3A_179, %mul3A_240 : i32
      %add3A_242 = arith.constant 512 : i32
      %add3A_243 = arith.addi %mul3A_241, %add3A_242 : i32
      %dma_start3A_244 = arith.constant 1 : i32
      %dma_start3A_245 = arith.constant 512 : i32
      %dma_start3A_246 = arith.constant 0 : i32
      %dma_start3A_247 = tpu.memref_slice %arg6[%dma_start3A_244, %dma_start3A_245, %dma_start3A_246] : memref<2x640x64xf32, #tpu.memory_space<vmem>> -> memref<1x128x64xf32, #tpu.memory_space<vmem>>
      %dma_start3A_248 = tpu.memref_squeeze %dma_start3A_247 : memref<1x128x64xf32, #tpu.memory_space<vmem>> -> memref<128x64xf32, #tpu.memory_space<vmem>>
      %dma_start3A_249 = tpu.memref_slice %arg5[%add3A_243] : memref<6400xi32, #tpu.memory_space<vmem>> -> memref<128xi32, #tpu.memory_space<vmem>>
      %dma_start3A_250 = arith.constant 0 : i32
      %dma_start3A_251 = arith.constant 0 : i32
      %dma_start3A_252 = tpu.memref_slice %arg3[%dma_start3A_250, %dma_start3A_251] : memref<100000x64xf32, #tpu.memory_space<hbm>> -> memref<100000x64xf32, #tpu.memory_space<hbm>>
      tpu.enqueue_indirect_dma source(%dma_start3A_252 : memref<100000x64xf32, #tpu.memory_space<hbm>>) target(%dma_start3A_248 : memref<128x64xf32, #tpu.memory_space<vmem>>) offsets(%dma_start3A_249 : memref<128xi32, #tpu.memory_space<vmem>>) semaphore(%arg7 : memref<!tpu.dma_semaphore, #tpu.memory_space<semaphore_mem>>)
      %dma_wait3A_253 = arith.constant 1 : i32
      %dma_wait3A_254 = arith.constant 0 : i32
      %dma_wait3A_255 = arith.constant 0 : i32
      %dma_wait3A_256 = tpu.memref_slice %arg6[%dma_wait3A_253, %dma_wait3A_254, %dma_wait3A_255] : memref<2x640x64xf32, #tpu.memory_space<vmem>> -> memref<1x128x64xf32, #tpu.memory_space<vmem>>
      %dma_wait3A_257 = tpu.memref_squeeze %dma_wait3A_256 : memref<1x128x64xf32, #tpu.memory_space<vmem>> -> memref<128x64xf32, #tpu.memory_space<vmem>>
      %dma_wait3A_258 = tpu.memref_slice %arg5[%add3A_191] : memref<6400xi32, #tpu.memory_space<vmem>> -> memref<128xi32, #tpu.memory_space<vmem>>
      %dma_wait3A_259 = arith.constant 0 : i32
      %dma_wait3A_260 = arith.constant 0 : i32
      %dma_wait3A_261 = tpu.memref_slice %arg3[%dma_wait3A_259, %dma_wait3A_260] : memref<100000x64xf32, #tpu.memory_space<hbm>> -> memref<100000x64xf32, #tpu.memory_space<hbm>>
      tpu.wait_indirect_dma semaphore(%arg7 : memref<!tpu.dma_semaphore, #tpu.memory_space<semaphore_mem>>) src(%dma_wait3A_261 : memref<100000x64xf32, #tpu.memory_space<hbm>>) dst(%dma_wait3A_257 : memref<128x64xf32, #tpu.memory_space<vmem>>)
      %dma_wait3A_262 = arith.constant 1 : i32
      %dma_wait3A_263 = arith.constant 128 : i32
      %dma_wait3A_264 = arith.constant 0 : i32
      %dma_wait3A_265 = tpu.memref_slice %arg6[%dma_wait3A_262, %dma_wait3A_263, %dma_wait3A_264] : memref<2x640x64xf32, #tpu.memory_space<vmem>> -> memref<1x128x64xf32, #tpu.memory_space<vmem>>
      %dma_wait3A_266 = tpu.memref_squeeze %dma_wait3A_265 : memref<1x128x64xf32, #tpu.memory_space<vmem>> -> memref<128x64xf32, #tpu.memory_space<vmem>>
      %dma_wait3A_267 = tpu.memref_slice %arg5[%add3A_204] : memref<6400xi32, #tpu.memory_space<vmem>> -> memref<128xi32, #tpu.memory_space<vmem>>
      %dma_wait3A_268 = arith.constant 0 : i32
      %dma_wait3A_269 = arith.constant 0 : i32
      %dma_wait3A_270 = tpu.memref_slice %arg3[%dma_wait3A_268, %dma_wait3A_269] : memref<100000x64xf32, #tpu.memory_space<hbm>> -> memref<100000x64xf32, #tpu.memory_space<hbm>>
      tpu.wait_indirect_dma semaphore(%arg7 : memref<!tpu.dma_semaphore, #tpu.memory_space<semaphore_mem>>) src(%dma_wait3A_270 : memref<100000x64xf32, #tpu.memory_space<hbm>>) dst(%dma_wait3A_266 : memref<128x64xf32, #tpu.memory_space<vmem>>)
      %dma_wait3A_271 = arith.constant 1 : i32
      %dma_wait3A_272 = arith.constant 256 : i32
      %dma_wait3A_273 = arith.constant 0 : i32
      %dma_wait3A_274 = tpu.memref_slice %arg6[%dma_wait3A_271, %dma_wait3A_272, %dma_wait3A_273] : memref<2x640x64xf32, #tpu.memory_space<vmem>> -> memref<1x128x64xf32, #tpu.memory_space<vmem>>
      %dma_wait3A_275 = tpu.memref_squeeze %dma_wait3A_274 : memref<1x128x64xf32, #tpu.memory_space<vmem>> -> memref<128x64xf32, #tpu.memory_space<vmem>>
      %dma_wait3A_276 = tpu.memref_slice %arg5[%add3A_217] : memref<6400xi32, #tpu.memory_space<vmem>> -> memref<128xi32, #tpu.memory_space<vmem>>
      %dma_wait3A_277 = arith.constant 0 : i32
      %dma_wait3A_278 = arith.constant 0 : i32
      %dma_wait3A_279 = tpu.memref_slice %arg3[%dma_wait3A_277, %dma_wait3A_278] : memref<100000x64xf32, #tpu.memory_space<hbm>> -> memref<100000x64xf32, #tpu.memory_space<hbm>>
      tpu.wait_indirect_dma semaphore(%arg7 : memref<!tpu.dma_semaphore, #tpu.memory_space<semaphore_mem>>) src(%dma_wait3A_279 : memref<100000x64xf32, #tpu.memory_space<hbm>>) dst(%dma_wait3A_275 : memref<128x64xf32, #tpu.memory_space<vmem>>)
      %dma_wait3A_280 = arith.constant 1 : i32
      %dma_wait3A_281 = arith.constant 384 : i32
      %dma_wait3A_282 = arith.constant 0 : i32
      %dma_wait3A_283 = tpu.memref_slice %arg6[%dma_wait3A_280, %dma_wait3A_281, %dma_wait3A_282] : memref<2x640x64xf32, #tpu.memory_space<vmem>> -> memref<1x128x64xf32, #tpu.memory_space<vmem>>
      %dma_wait3A_284 = tpu.memref_squeeze %dma_wait3A_283 : memref<1x128x64xf32, #tpu.memory_space<vmem>> -> memref<128x64xf32, #tpu.memory_space<vmem>>
      %dma_wait3A_285 = tpu.memref_slice %arg5[%add3A_230] : memref<6400xi32, #tpu.memory_space<vmem>> -> memref<128xi32, #tpu.memory_space<vmem>>
      %dma_wait3A_286 = arith.constant 0 : i32
      %dma_wait3A_287 = arith.constant 0 : i32
      %dma_wait3A_288 = tpu.memref_slice %arg3[%dma_wait3A_286, %dma_wait3A_287] : memref<100000x64xf32, #tpu.memory_space<hbm>> -> memref<100000x64xf32, #tpu.memory_space<hbm>>
      tpu.wait_indirect_dma semaphore(%arg7 : memref<!tpu.dma_semaphore, #tpu.memory_space<semaphore_mem>>) src(%dma_wait3A_288 : memref<100000x64xf32, #tpu.memory_space<hbm>>) dst(%dma_wait3A_284 : memref<128x64xf32, #tpu.memory_space<vmem>>)
      %dma_wait3A_289 = arith.constant 1 : i32
      %dma_wait3A_290 = arith.constant 512 : i32
      %dma_wait3A_291 = arith.constant 0 : i32
      %dma_wait3A_292 = tpu.memref_slice %arg6[%dma_wait3A_289, %dma_wait3A_290, %dma_wait3A_291] : memref<2x640x64xf32, #tpu.memory_space<vmem>> -> memref<1x128x64xf32, #tpu.memory_space<vmem>>
      %dma_wait3A_293 = tpu.memref_squeeze %dma_wait3A_292 : memref<1x128x64xf32, #tpu.memory_space<vmem>> -> memref<128x64xf32, #tpu.memory_space<vmem>>
      %dma_wait3A_294 = tpu.memref_slice %arg5[%add3A_243] : memref<6400xi32, #tpu.memory_space<vmem>> -> memref<128xi32, #tpu.memory_space<vmem>>
      %dma_wait3A_295 = arith.constant 0 : i32
      %dma_wait3A_296 = arith.constant 0 : i32
      %dma_wait3A_297 = tpu.memref_slice %arg3[%dma_wait3A_295, %dma_wait3A_296] : memref<100000x64xf32, #tpu.memory_space<hbm>> -> memref<100000x64xf32, #tpu.memory_space<hbm>>
      tpu.wait_indirect_dma semaphore(%arg7 : memref<!tpu.dma_semaphore, #tpu.memory_space<semaphore_mem>>) src(%dma_wait3A_297 : memref<100000x64xf32, #tpu.memory_space<hbm>>) dst(%dma_wait3A_293 : memref<128x64xf32, #tpu.memory_space<vmem>>)
      %dma_start3A_298 = arith.constant 1 : i32
      %dma_start3A_299 = arith.constant 0 : i32
      %dma_start3A_300 = arith.constant 0 : i32
      %dma_start3A_301 = tpu.memref_slice %arg6[%dma_start3A_298, %dma_start3A_299, %dma_start3A_300] : memref<2x640x64xf32, #tpu.memory_space<vmem>> -> memref<1x640x64xf32, #tpu.memory_space<vmem>>
      %dma_start3A_302 = tpu.memref_squeeze %dma_start3A_301 : memref<1x640x64xf32, #tpu.memory_space<vmem>> -> memref<640x64xf32, #tpu.memory_space<vmem>>
      %dma_start3A_303 = arith.constant 0 : i32
      %dma_start3A_304 = tpu.memref_slice %arg4[%add3A_182, %dma_start3A_303] : memref<204800x128xf32, #tpu.memory_space<hbm>> -> memref<640x64xf32, #tpu.memory_space<hbm>>
      %dma_start3A_305 = arith.constant 0 : i32
      %dma_start3A_306 = tpu.memref_slice %arg4[%add3A_182, %dma_start3A_305] : memref<204800x128xf32, #tpu.memory_space<hbm>> -> memref<640x64xf32, #tpu.memory_space<hbm>>
      %dma_start3A_307 = arith.constant 0 : i32
      %dma_start3A_308 = arith.constant 0 : i32
      %dma_start3A_309 = tpu.memref_slice %arg6[%dma_start3A_298, %dma_start3A_307, %dma_start3A_308] : memref<2x640x64xf32, #tpu.memory_space<vmem>> -> memref<1x640x64xf32, #tpu.memory_space<vmem>>
      %dma_start3A_310 = tpu.memref_squeeze %dma_start3A_309 : memref<1x640x64xf32, #tpu.memory_space<vmem>> -> memref<640x64xf32, #tpu.memory_space<vmem>>
      tpu.enqueue_dma source(%dma_start3A_310 : memref<640x64xf32, #tpu.memory_space<vmem>>) target(%dma_start3A_306 : memref<640x64xf32, #tpu.memory_space<hbm>>) target_semaphore(%arg9 : memref<!tpu.dma_semaphore, #tpu.memory_space<semaphore_mem>>)
    }
    %scan3A_10 = arith.constant 5 : i32
    %add3A_11 = arith.constant 5120 : i32
    %add3A_12 = arith.addi %mul3A_6, %add3A_11 : i32
    %dma_wait3A = arith.constant 0 : i32
    %dma_wait3A_13 = arith.constant 0 : i32
    %dma_wait3A_14 = arith.constant 0 : i32
    %dma_wait3A_15 = tpu.memref_slice %arg6[%dma_wait3A, %dma_wait3A_13, %dma_wait3A_14] : memref<2x640x64xf32, #tpu.memory_space<vmem>> -> memref<1x640x64xf32, #tpu.memory_space<vmem>>
    %dma_wait3A_16 = tpu.memref_squeeze %dma_wait3A_15 : memref<1x640x64xf32, #tpu.memory_space<vmem>> -> memref<640x64xf32, #tpu.memory_space<vmem>>
    %dma_wait3A_17 = arith.constant 0 : i32
    %dma_wait3A_18 = tpu.memref_slice %arg4[%add3A_12, %dma_wait3A_17] : memref<204800x128xf32, #tpu.memory_space<hbm>> -> memref<640x64xf32, #tpu.memory_space<hbm>>
    %dma_wait3A_19 = arith.constant 0 : i32
    %dma_wait3A_20 = tpu.memref_slice %arg4[%add3A_12, %dma_wait3A_19] : memref<204800x128xf32, #tpu.memory_space<hbm>> -> memref<640x64xf32, #tpu.memory_space<hbm>>
    %dma_wait3A_21 = arith.constant 0 : i32
    %dma_wait3A_22 = arith.constant 0 : i32
    %dma_wait3A_23 = tpu.memref_slice %arg6[%dma_wait3A, %dma_wait3A_21, %dma_wait3A_22] : memref<2x640x64xf32, #tpu.memory_space<vmem>> -> memref<1x640x64xf32, #tpu.memory_space<vmem>>
    %dma_wait3A_24 = tpu.memref_squeeze %dma_wait3A_23 : memref<1x640x64xf32, #tpu.memory_space<vmem>> -> memref<640x64xf32, #tpu.memory_space<vmem>>
    tpu.wait_dma2 semaphore(%arg8 : memref<!tpu.dma_semaphore, #tpu.memory_space<semaphore_mem>>) src(%dma_wait3A_24 : memref<640x64xf32, #tpu.memory_space<vmem>>) dst(%dma_wait3A_20 : memref<640x64xf32, #tpu.memory_space<hbm>>)
    %add3A_25 = arith.constant 5760 : i32
    %add3A_26 = arith.addi %mul3A_6, %add3A_25 : i32
    %dma_wait3A_27 = arith.constant 1 : i32
    %dma_wait3A_28 = arith.constant 0 : i32
    %dma_wait3A_29 = arith.constant 0 : i32
    %dma_wait3A_30 = tpu.memref_slice %arg6[%dma_wait3A_27, %dma_wait3A_28, %dma_wait3A_29] : memref<2x640x64xf32, #tpu.memory_space<vmem>> -> memref<1x640x64xf32, #tpu.memory_space<vmem>>
    %dma_wait3A_31 = tpu.memref_squeeze %dma_wait3A_30 : memref<1x640x64xf32, #tpu.memory_space<vmem>> -> memref<640x64xf32, #tpu.memory_space<vmem>>
    %dma_wait3A_32 = arith.constant 0 : i32
    %dma_wait3A_33 = tpu.memref_slice %arg4[%add3A_26, %dma_wait3A_32] : memref<204800x128xf32, #tpu.memory_space<hbm>> -> memref<640x64xf32, #tpu.memory_space<hbm>>
    %dma_wait3A_34 = arith.constant 0 : i32
    %dma_wait3A_35 = tpu.memref_slice %arg4[%add3A_26, %dma_wait3A_34] : memref<204800x128xf32, #tpu.memory_space<hbm>> -> memref<640x64xf32, #tpu.memory_space<hbm>>
    %dma_wait3A_36 = arith.constant 0 : i32
    %dma_wait3A_37 = arith.constant 0 : i32
    %dma_wait3A_38 = tpu.memref_slice %arg6[%dma_wait3A_27, %dma_wait3A_36, %dma_wait3A_37] : memref<2x640x64xf32, #tpu.memory_space<vmem>> -> memref<1x640x64xf32, #tpu.memory_space<vmem>>
    %dma_wait3A_39 = tpu.memref_squeeze %dma_wait3A_38 : memref<1x640x64xf32, #tpu.memory_space<vmem>> -> memref<640x64xf32, #tpu.memory_space<vmem>>
    tpu.wait_dma2 semaphore(%arg9 : memref<!tpu.dma_semaphore, #tpu.memory_space<semaphore_mem>>) src(%dma_wait3A_39 : memref<640x64xf32, #tpu.memory_space<vmem>>) dst(%dma_wait3A_35 : memref<640x64xf32, #tpu.memory_space<hbm>>)
    return
  }
}

module attributes {stable_mosaic.version = 14 : i64} {
  func.func @body(%arg0: i32, %arg1: memref<8x1024x128xf32, #tpu.memory_space<vmem>>, %arg2: memref<8x1024x128xf32, #tpu.memory_space<vmem>>, %arg3: memref<200x1024xf32, #tpu.memory_space<vmem>>, %arg4: memref<200x1024xf32, #tpu.memory_space<vmem>>, %arg5: memref<1x1024xi32, #tpu.memory_space<vmem>>, %arg6: memref<4x16xf32, #tpu.memory_space<vmem>>, %arg7: memref<4xf32, #tpu.memory_space<smem>>, %arg8: memref<8x224x1024xf32, #tpu.memory_space<vmem>>, %arg9: memref<4xf32, #tpu.memory_space<smem>>) attributes {dimension_semantics = [#tpu.dimension_semantics<arbitrary>], iteration_bounds = array<i64: 25>, scalar_prefetch = 0 : i64, scratch_operands = 1 : i64, tpu.core_type = #tpu.core_type<tc>, window_params = [{transform_indices = @transform_0, window_bounds = array<i64: 8, 1024, 128>}, {transform_indices = @transform_1, window_bounds = array<i64: 8, 1024, 128>}, {pipeline_mode = #tpu.pipeline_mode<synchronous>, transform_indices = @transform_2, window_bounds = array<i64: 200, 1024>}, {pipeline_mode = #tpu.pipeline_mode<synchronous>, transform_indices = @transform_3, window_bounds = array<i64: 200, 1024>}, {pipeline_mode = #tpu.pipeline_mode<synchronous>, transform_indices = @transform_4, window_bounds = array<i64: 1, 1024>}, {pipeline_mode = #tpu.pipeline_mode<synchronous>, transform_indices = @transform_5, window_bounds = array<i64: 4, 16>}, {transform_indices = @transform_6, window_bounds = array<i64: 4>}, {transform_indices = @transform_7, window_bounds = array<i64: 8, 224, 1024>}]} {
    %get3A = arith.constant 0 : index
    %get3A_0 = arith.constant 0 : index
    %get3A_1 = vector.load %arg5[%get3A, %get3A_0] : memref<1x1024xi32, #tpu.memory_space<vmem>>, vector<1x1024xi32>
    %eq3A = arith.constant 0 : i32
    %eq3A_2 = arith.cmpi eq, %arg0, %eq3A : i32
    %convert_element_type3A = arith.extui %eq3A_2 : i1 to i32
    %cond3A = arith.constant 0 : i32
    %cond3A_3 = arith.cmpi ne, %convert_element_type3A, %cond3A : i32
    scf.if %cond3A_3 {
      %iota3A_88 = tpu.iota {dimensions = array<i32: 0>} : vector<200x1024xi32>
      %lt3A_89 = vector.broadcast %get3A_1 : vector<1x1024xi32> to vector<200x1024xi32>
      %lt3A_90 = arith.cmpi slt, %iota3A_88, %lt3A_89 : vector<200x1024xi32>
      %convert_element_type3A_91 = arith.extui %lt3A_90 : vector<200x1024xi1> to vector<200x1024xi32>
      %convert_element_type3A_92 = arith.sitofp %convert_element_type3A_91 : vector<200x1024xi32> to vector<200x1024xf32>
      %reduce_sum3A = vector.shape_cast %convert_element_type3A_92 : vector<200x1024xf32> to vector<1x200x1024xf32>
      %reduce_sum3A_93 = arith.constant dense<0.000000e+00> : vector<1xf32>
      %reduce_sum3A_94 = vector.multi_reduction <add>, %reduce_sum3A, %reduce_sum3A_93 [1, 2] : vector<1x200x1024xf32> to vector<1xf32>
      %reduce_sum3A_95 = vector.shape_cast %reduce_sum3A_94 : vector<1xf32> to vector<1x1x1xf32>
      %reduce_sum3A_96 = vector.extract %reduce_sum3A_95[0, 0, 0] : f32 from vector<1x1x1xf32>
      %max3A = arith.constant 1.000000e+00 : f32
      %max3A_97 = arith.maximumf %reduce_sum3A_96, %max3A : f32
      %get3A_98 = arith.constant 0 : index
      %get3A_99 = arith.constant 0 : index
      %get3A_100 = vector.load %arg3[%get3A_98, %get3A_99] : memref<200x1024xf32, #tpu.memory_space<vmem>>, vector<200x1024xf32>
      %mul3A_101 = arith.mulf %get3A_100, %convert_element_type3A_92 : vector<200x1024xf32>
      %reduce_sum3A_102 = vector.shape_cast %mul3A_101 : vector<200x1024xf32> to vector<1x200x1024xf32>
      %reduce_sum3A_103 = arith.constant dense<0.000000e+00> : vector<1xf32>
      %reduce_sum3A_104 = vector.multi_reduction <add>, %reduce_sum3A_102, %reduce_sum3A_103 [1, 2] : vector<1x200x1024xf32> to vector<1xf32>
      %reduce_sum3A_105 = vector.shape_cast %reduce_sum3A_104 : vector<1xf32> to vector<1x1x1xf32>
      %reduce_sum3A_106 = vector.extract %reduce_sum3A_105[0, 0, 0] : f32 from vector<1x1x1xf32>
      %mul3A_107 = arith.mulf %get3A_100, %get3A_100 : vector<200x1024xf32>
      %mul3A_108 = arith.mulf %mul3A_107, %convert_element_type3A_92 : vector<200x1024xf32>
      %reduce_sum3A_109 = vector.shape_cast %mul3A_108 : vector<200x1024xf32> to vector<1x200x1024xf32>
      %reduce_sum3A_110 = arith.constant dense<0.000000e+00> : vector<1xf32>
      %reduce_sum3A_111 = vector.multi_reduction <add>, %reduce_sum3A_109, %reduce_sum3A_110 [1, 2] : vector<1x200x1024xf32> to vector<1xf32>
      %reduce_sum3A_112 = vector.shape_cast %reduce_sum3A_111 : vector<1xf32> to vector<1x1x1xf32>
      %reduce_sum3A_113 = vector.extract %reduce_sum3A_112[0, 0, 0] : f32 from vector<1x1x1xf32>
      %div3A = arith.divf %reduce_sum3A_106, %max3A_97 : f32
      %div3A_114 = arith.divf %reduce_sum3A_113, %max3A_97 : f32
      %mul3A_115 = arith.mulf %div3A, %div3A : f32
      %sub3A_116 = arith.subf %div3A_114, %mul3A_115 : f32
      %max3A_117 = arith.constant 0.000000e+00 : f32
      %max3A_118 = arith.maximumf %sub3A_116, %max3A_117 : f32
      %swap3A_119 = arith.constant 0 : index
      %swap3A_120 = memref.load %arg9[%swap3A_119] : memref<4xf32, #tpu.memory_space<smem>>
      memref.store %div3A, %arg9[%swap3A_119] : memref<4xf32, #tpu.memory_space<smem>>
      %add3A_121 = arith.constant 9.99999974E-6 : f32
      %add3A_122 = arith.addf %max3A_118, %add3A_121 : f32
      %rsqrt3A = math.rsqrt %add3A_122 : f32
      %swap3A_123 = arith.constant 1 : index
      %swap3A_124 = memref.load %arg9[%swap3A_123] : memref<4xf32, #tpu.memory_space<smem>>
      memref.store %rsqrt3A, %arg9[%swap3A_123] : memref<4xf32, #tpu.memory_space<smem>>
      %get3A_125 = arith.constant 0 : index
      %get3A_126 = arith.constant 0 : index
      %get3A_127 = vector.load %arg4[%get3A_125, %get3A_126] : memref<200x1024xf32, #tpu.memory_space<vmem>>, vector<200x1024xf32>
      %mul3A_128 = arith.mulf %get3A_127, %convert_element_type3A_92 : vector<200x1024xf32>
      %reduce_sum3A_129 = vector.shape_cast %mul3A_128 : vector<200x1024xf32> to vector<1x200x1024xf32>
      %reduce_sum3A_130 = arith.constant dense<0.000000e+00> : vector<1xf32>
      %reduce_sum3A_131 = vector.multi_reduction <add>, %reduce_sum3A_129, %reduce_sum3A_130 [1, 2] : vector<1x200x1024xf32> to vector<1xf32>
      %reduce_sum3A_132 = vector.shape_cast %reduce_sum3A_131 : vector<1xf32> to vector<1x1x1xf32>
      %reduce_sum3A_133 = vector.extract %reduce_sum3A_132[0, 0, 0] : f32 from vector<1x1x1xf32>
      %mul3A_134 = arith.mulf %get3A_127, %get3A_127 : vector<200x1024xf32>
      %mul3A_135 = arith.mulf %mul3A_134, %convert_element_type3A_92 : vector<200x1024xf32>
      %reduce_sum3A_136 = vector.shape_cast %mul3A_135 : vector<200x1024xf32> to vector<1x200x1024xf32>
      %reduce_sum3A_137 = arith.constant dense<0.000000e+00> : vector<1xf32>
      %reduce_sum3A_138 = vector.multi_reduction <add>, %reduce_sum3A_136, %reduce_sum3A_137 [1, 2] : vector<1x200x1024xf32> to vector<1xf32>
      %reduce_sum3A_139 = vector.shape_cast %reduce_sum3A_138 : vector<1xf32> to vector<1x1x1xf32>
      %reduce_sum3A_140 = vector.extract %reduce_sum3A_139[0, 0, 0] : f32 from vector<1x1x1xf32>
      %div3A_141 = arith.divf %reduce_sum3A_133, %max3A_97 : f32
      %div3A_142 = arith.divf %reduce_sum3A_140, %max3A_97 : f32
      %mul3A_143 = arith.mulf %div3A_141, %div3A_141 : f32
      %sub3A_144 = arith.subf %div3A_142, %mul3A_143 : f32
      %max3A_145 = arith.constant 0.000000e+00 : f32
      %max3A_146 = arith.maximumf %sub3A_144, %max3A_145 : f32
      %swap3A_147 = arith.constant 2 : index
      %swap3A_148 = memref.load %arg9[%swap3A_147] : memref<4xf32, #tpu.memory_space<smem>>
      memref.store %div3A_141, %arg9[%swap3A_147] : memref<4xf32, #tpu.memory_space<smem>>
      %add3A_149 = arith.constant 9.99999974E-6 : f32
      %add3A_150 = arith.addf %max3A_146, %add3A_149 : f32
      %rsqrt3A_151 = math.rsqrt %add3A_150 : f32
      %swap3A_152 = arith.constant 3 : index
      %swap3A_153 = memref.load %arg9[%swap3A_152] : memref<4xf32, #tpu.memory_space<smem>>
      memref.store %rsqrt3A_151, %arg9[%swap3A_152] : memref<4xf32, #tpu.memory_space<smem>>
    } else {
    }
    %mul3A = arith.constant 8 : i32
    %mul3A_4 = arith.muli %arg0, %mul3A : i32
    %add3A = arith.constant 0 : i32
    %add3A_5 = arith.addi %mul3A_4, %add3A : i32
    %iota3A = tpu.iota {dimensions = array<i32: 0>} : vector<8x1024xi32>
    %add3A_6 = vector.broadcast %add3A_5 : i32 to vector<8x1024xi32>
    %add3A_7 = arith.addi %iota3A, %add3A_6 : vector<8x1024xi32>
    %lt3A = vector.broadcast %get3A_1 : vector<1x1024xi32> to vector<8x1024xi32>
    %lt3A_8 = arith.cmpi slt, %add3A_7, %lt3A : vector<8x1024xi32>
    %get3A_9 = arith.constant 0 : index
    %get3A_10 = arith.constant 0 : index
    %get3A_11 = arith.constant 0 : index
    %get3A_12 = vector.load %arg1[%get3A_9, %get3A_10, %get3A_11] : memref<8x1024x128xf32, #tpu.memory_space<vmem>>, vector<8x1024x128xf32>
    %transpose3A = tpu.transpose %get3A_12, [0, 2, 1] : vector<8x1024x128xf32> -> vector<8x128x1024xf32>
    %get3A_13 = arith.constant 0 : index
    %get3A_14 = arith.constant 0 : index
    %get3A_15 = arith.constant 0 : index
    %get3A_16 = vector.load %arg2[%get3A_13, %get3A_14, %get3A_15] : memref<8x1024x128xf32, #tpu.memory_space<vmem>>, vector<8x1024x128xf32>
    %transpose3A_17 = tpu.transpose %get3A_16, [0, 2, 1] : vector<8x1024x128xf32> -> vector<8x128x1024xf32>
    %slice3A = vector.extract_strided_slice %transpose3A_17 {offsets = [0, 0, 0], sizes = [8, 64, 1024], strides = [1, 1, 1]} : vector<8x128x1024xf32> to vector<8x64x1024xf32>
    %get3A_18 = arith.constant 0 : index
    %get3A_19 = memref.load %arg9[%get3A_18] : memref<4xf32, #tpu.memory_space<smem>>
    %get3A_20 = arith.constant 1 : index
    %get3A_21 = memref.load %arg9[%get3A_20] : memref<4xf32, #tpu.memory_space<smem>>
    %get3A_22 = arith.constant 0 : index
    %get3A_23 = memref.load %arg7[%get3A_22] : memref<4xf32, #tpu.memory_space<smem>>
    %get3A_24 = arith.constant 1 : index
    %get3A_25 = memref.load %arg7[%get3A_24] : memref<4xf32, #tpu.memory_space<smem>>
    %get3A_26 = arith.index_cast %add3A_5 : i32 to index
    %get3A_27 = arith.constant 0 : index
    %get3A_28 = vector.load %arg3[%get3A_26, %get3A_27] : memref<200x1024xf32, #tpu.memory_space<vmem>>, vector<8x1024xf32>
    %sub3A = vector.broadcast %get3A_19 : f32 to vector<8x1024xf32>
    %sub3A_29 = arith.subf %get3A_28, %sub3A : vector<8x1024xf32>
    %mul3A_30 = arith.mulf %get3A_21, %get3A_23 : f32
    %mul3A_31 = vector.broadcast %mul3A_30 : f32 to vector<8x1024xf32>
    %mul3A_32 = arith.mulf %sub3A_29, %mul3A_31 : vector<8x1024xf32>
    %add3A_33 = vector.broadcast %get3A_25 : f32 to vector<8x1024xf32>
    %add3A_34 = arith.addf %mul3A_32, %add3A_33 : vector<8x1024xf32>
    %select_n3A = arith.select %lt3A_8, %add3A_34, %get3A_28 : vector<8x1024xi1>, vector<8x1024xf32>
    %get3A_35 = arith.constant 0 : index
    %get3A_36 = arith.constant 0 : index
    %get3A_37 = vector.load %arg6[%get3A_35, %get3A_36] : memref<4x16xf32, #tpu.memory_space<vmem>>, vector<1x16xf32>
    %get3A_38 = vector.shape_cast %get3A_37 : vector<1x16xf32> to vector<16xf32>
    %get3A_39 = arith.constant 1 : index
    %get3A_40 = arith.constant 0 : index
    %get3A_41 = vector.load %arg6[%get3A_39, %get3A_40] : memref<4x16xf32, #tpu.memory_space<vmem>>, vector<1x16xf32>
    %get3A_42 = vector.shape_cast %get3A_41 : vector<1x16xf32> to vector<16xf32>
    %broadcast_in_dim3A = vector.shape_cast %select_n3A : vector<8x1024xf32> to vector<8x1x1024xf32>
    %broadcast_in_dim3A_43 = vector.shape_cast %get3A_38 : vector<16xf32> to vector<1x16x1xf32>
    %mul3A_44 = vector.broadcast %broadcast_in_dim3A : vector<8x1x1024xf32> to vector<8x16x1024xf32>
    %mul3A_45 = vector.broadcast %broadcast_in_dim3A_43 : vector<1x16x1xf32> to vector<8x16x1024xf32>
    %mul3A_46 = arith.mulf %mul3A_44, %mul3A_45 : vector<8x16x1024xf32>
    %broadcast_in_dim3A_47 = vector.shape_cast %get3A_42 : vector<16xf32> to vector<1x16x1xf32>
    %add3A_48 = vector.broadcast %broadcast_in_dim3A_47 : vector<1x16x1xf32> to vector<8x16x1024xf32>
    %add3A_49 = arith.addf %mul3A_46, %add3A_48 : vector<8x16x1024xf32>
    %get3A_50 = arith.constant 2 : index
    %get3A_51 = memref.load %arg9[%get3A_50] : memref<4xf32, #tpu.memory_space<smem>>
    %get3A_52 = arith.constant 3 : index
    %get3A_53 = memref.load %arg9[%get3A_52] : memref<4xf32, #tpu.memory_space<smem>>
    %get3A_54 = arith.constant 2 : index
    %get3A_55 = memref.load %arg7[%get3A_54] : memref<4xf32, #tpu.memory_space<smem>>
    %get3A_56 = arith.constant 3 : index
    %get3A_57 = memref.load %arg7[%get3A_56] : memref<4xf32, #tpu.memory_space<smem>>
    %get3A_58 = arith.index_cast %add3A_5 : i32 to index
    %get3A_59 = arith.constant 0 : index
    %get3A_60 = vector.load %arg4[%get3A_58, %get3A_59] : memref<200x1024xf32, #tpu.memory_space<vmem>>, vector<8x1024xf32>
    %sub3A_61 = vector.broadcast %get3A_51 : f32 to vector<8x1024xf32>
    %sub3A_62 = arith.subf %get3A_60, %sub3A_61 : vector<8x1024xf32>
    %mul3A_63 = arith.mulf %get3A_53, %get3A_55 : f32
    %mul3A_64 = vector.broadcast %mul3A_63 : f32 to vector<8x1024xf32>
    %mul3A_65 = arith.mulf %sub3A_62, %mul3A_64 : vector<8x1024xf32>
    %add3A_66 = vector.broadcast %get3A_57 : f32 to vector<8x1024xf32>
    %add3A_67 = arith.addf %mul3A_65, %add3A_66 : vector<8x1024xf32>
    %select_n3A_68 = arith.select %lt3A_8, %add3A_67, %get3A_60 : vector<8x1024xi1>, vector<8x1024xf32>
    %get3A_69 = arith.constant 2 : index
    %get3A_70 = arith.constant 0 : index
    %get3A_71 = vector.load %arg6[%get3A_69, %get3A_70] : memref<4x16xf32, #tpu.memory_space<vmem>>, vector<1x16xf32>
    %get3A_72 = vector.shape_cast %get3A_71 : vector<1x16xf32> to vector<16xf32>
    %get3A_73 = arith.constant 3 : index
    %get3A_74 = arith.constant 0 : index
    %get3A_75 = vector.load %arg6[%get3A_73, %get3A_74] : memref<4x16xf32, #tpu.memory_space<vmem>>, vector<1x16xf32>
    %get3A_76 = vector.shape_cast %get3A_75 : vector<1x16xf32> to vector<16xf32>
    %broadcast_in_dim3A_77 = vector.shape_cast %select_n3A_68 : vector<8x1024xf32> to vector<8x1x1024xf32>
    %broadcast_in_dim3A_78 = vector.shape_cast %get3A_72 : vector<16xf32> to vector<1x16x1xf32>
    %mul3A_79 = vector.broadcast %broadcast_in_dim3A_77 : vector<8x1x1024xf32> to vector<8x16x1024xf32>
    %mul3A_80 = vector.broadcast %broadcast_in_dim3A_78 : vector<1x16x1xf32> to vector<8x16x1024xf32>
    %mul3A_81 = arith.mulf %mul3A_79, %mul3A_80 : vector<8x16x1024xf32>
    %broadcast_in_dim3A_82 = vector.shape_cast %get3A_76 : vector<16xf32> to vector<1x16x1xf32>
    %add3A_83 = vector.broadcast %broadcast_in_dim3A_82 : vector<1x16x1xf32> to vector<8x16x1024xf32>
    %add3A_84 = arith.addf %mul3A_81, %add3A_83 : vector<8x16x1024xf32>
    %concatenate3A = tpu.concatenate %transpose3A, %slice3A, %add3A_49, %add3A_84 in 1 : vector<8x128x1024xf32>, vector<8x64x1024xf32>, vector<8x16x1024xf32>, vector<8x16x1024xf32> -> vector<8x224x1024xf32>
    %swap3A = arith.constant 0 : index
    %swap3A_85 = arith.constant 0 : index
    %swap3A_86 = arith.constant 0 : index
    %swap3A_87 = vector.load %arg8[%swap3A, %swap3A_85, %swap3A_86] : memref<8x224x1024xf32, #tpu.memory_space<vmem>>, vector<8x224x1024xf32>
    tpu.vector_store %arg8[%swap3A, %swap3A_85, %swap3A_86], %concatenate3A {strides = array<i32>} : memref<8x224x1024xf32, #tpu.memory_space<vmem>>, vector<8x224x1024xf32>,
    return
  }
  func.func @transform_0(%arg0: i32) -> (i32, i32, i32) {
    %c0_i32 = arith.constant 0 : i32
    %c0_i32_0 = arith.constant 0 : i32
    %c0_i32_1 = arith.constant 0 : i32
    return %arg0, %c0_i32, %c0_i32_0 : i32, i32, i32
  }
  func.func @transform_1(%arg0: i32) -> (i32, i32, i32) {
    %c0_i32 = arith.constant 0 : i32
    %c0_i32_0 = arith.constant 0 : i32
    %c0_i32_1 = arith.constant 0 : i32
    return %arg0, %c0_i32, %c0_i32_0 : i32, i32, i32
  }
  func.func @transform_2(%arg0: i32) -> (i32, i32) {
    %c0_i32 = arith.constant 0 : i32
    %c0_i32_0 = arith.constant 0 : i32
    %c0_i32_1 = arith.constant 0 : i32
    return %c0_i32, %c0_i32_0 : i32, i32
  }
  func.func @transform_3(%arg0: i32) -> (i32, i32) {
    %c0_i32 = arith.constant 0 : i32
    %c0_i32_0 = arith.constant 0 : i32
    %c0_i32_1 = arith.constant 0 : i32
    return %c0_i32, %c0_i32_0 : i32, i32
  }
  func.func @transform_4(%arg0: i32) -> (i32, i32) {
    %c0_i32 = arith.constant 0 : i32
    %c0_i32_0 = arith.constant 0 : i32
    %c0_i32_1 = arith.constant 0 : i32
    return %c0_i32, %c0_i32_0 : i32, i32
  }
  func.func @transform_5(%arg0: i32) -> (i32, i32) {
    %c0_i32 = arith.constant 0 : i32
    %c0_i32_0 = arith.constant 0 : i32
    %c0_i32_1 = arith.constant 0 : i32
    return %c0_i32, %c0_i32_0 : i32, i32
  }
  func.func @transform_6(%arg0: i32) -> i32 {
    %c0_i32 = arith.constant 0 : i32
    %c0_i32_0 = arith.constant 0 : i32
    return %c0_i32 : i32
  }
  func.func @transform_7(%arg0: i32) -> (i32, i32, i32) {
    %add3A = arith.constant 0 : i32
    %add3A_0 = arith.addi %arg0, %add3A : i32
    %c0_i32 = arith.constant 0 : i32
    %c0_i32_1 = arith.constant 0 : i32
    %c0_i32_2 = arith.constant 0 : i32
    return %add3A_0, %c0_i32, %c0_i32_1 : i32, i32, i32
  }
}

</mosaic_0001>

<sc_bundles>
// kernel: kernel.5.cloned.1.call-start
scs
__scs_entry_jumppad:
0x0: {  	(pc) =	sbr.rel $0x88, $3  }
0x1: {  	(tag) =	ssettag $0x0;
	lr =	simm.s32 $0x1  }
0x2: {  	[smem:$0x3F8F] =	sst lr;
	_ =	strace $0xD0000000  }
0x3: {  	_ = 	snop  }
0x4: {  	_ = 	snop  }
0x5: {  	_ = 	snop  }
0x6: {  	_ = 	snop  }
0x7: {  	_ = 	snop  }
__scs_overlays_trampoline_lowered:
0x8: {  	[smem:$0x3F9E] =	sst s0  }
0x9: {  	[smem:$0x3F9F] =	sst s1  }
0xa: {  	[smem:$0x3FA0] =	sst s2  }
0xb: {  	[smem:$0x3FA1] =	sst s3  }
0xc: {  	[smem:$0x3FA2] =	sst s4  }
0xd: {  	[smem:$0x3FA3] =	sst s5  }
0xe: {  	[smem:$0x3FA4] =	sst s6  }
0xf: {  	[smem:$0x3FA5] =	sst s7  }
0x10: {  	[smem:$0x3FA6] =	sst s8  }
0x11: {  	[smem:$0x3FA7] =	sst s9;
	s0 =	simm.s32 @!p0 $0x0  }
0x12: {  	s1 =	sld [smem:$0x3F8D];
	s0 =	simm.s32 @p0 $0x1  }
0x13: {  	[smem:$0x3FA8] =	sst s0;
	s0 =	simm.s32 @!p1 $0x0  }
0x14: {  	s2 =	sld [smem:$0x3F8C];
	s0 =	simm.s32 @p1 $0x1  }
0x15: {  	[smem:$0x3FA9] =	sst s0;
	s0 =	simm.s32 @!p2 $0x0  }
0x16: {  	s3 =	sld [smem:$0x3FDB];
	s0 =	simm.s32 @p2 $0x1  }
0x17: {  	s4 =	simm.s32 $0x1BF5;
	[smem:$0x3FAB] =	sst s0  }
0x18: {  	s0 =	sld [smem:$0x3F8E];
	_ =	swait.ge [sflag:s4], $0x0  }
0x19: {  	s7 =	sld [smem:$0x3F8F]  }
0x1a: {  	s8 =	sadd.s32 $0xFFFFE003, lr  }
0x1b: {  	s9 =	sadd.s32 $0xFFFFFEF7, lr;
	s5 =	simm.s32 $0xFFFFFFFF;
	p2 =	slt.u32 s8, $0xFFFFF086  }
0x1c: {  	p1 =	slt.u32 s9, $0xF7A;
	s5 =	simm.s32 @!p2 $0x0  }
0x1d: {  	s5 =	simm.s32 @p1 $0x1;
	p0 =	seq.s32 s7, s2  }
0x1e: {  	s7 =	smul.u32 @!p0 $0xF7A, s2;
	p2 =	seq.s32 @!p0 s5, $0x0  }
0x1f: {  	s9 =	smul.u32 $0xF7A, s1;
	s8 =	simm.s32 @!p0 $0x1BF5;
	p2 =	por !p2, p0  }
0x20: {  	[sflag:s8] =	ssyncset.s32 @!p0 $0xFFFFF086;
	s6 =	sadd.s32 @!p0 s3, s7;
	s7 =	simm.s32 @!p0 $0x108  }
0x21: {  	s3 =	sadd.s32 s3, s9;
	s6 =	sadd.s32 @!p0 $0x88, s6;
	s7 =	simm.s32 @p2 $0x1082  }
0x22: {  	[simem:s7], [sflag:s8] =	dma.local @!p0 [hbm:s6], $0xF7A  }
0x23: {  	s9 =	sor.u32 $0xD0000000, s2;
	s6 =	simm.s32 $0x108;
	_ =	swait.ge @!p0 [sflag:s8], $0x0  }
0x24: {  	s3 =	sadd.s32 $0x88, s3;
	s6 =	simm.s32 @!p1 $0x1082;
	[sflag:s4] =	ssyncset.s32 $0xFFFFF086  }
0x25: {  	[simem:s6], [sflag:s4] =	dma.local [hbm:s3], $0xF7A  }
0x26: {  	[smem:$0x3F8F] =	sst s1;
	(tag) =	ssettag s2;
	_ =	strace s9  }
0x27: {  	s1 =	sld [smem:$0x3F9F]  }
0x28: {  	s2 =	sld [smem:$0x3FA0]  }
0x29: {  	s4 =	sld [smem:$0x3FA2]  }
0x2a: {  	p0 =	seq.s32 s5, $0x0;
	s5 =	sld [smem:$0x3FA3]  }
0x2b: {  	s6 =	sld [smem:$0x3FA4]  }
0x2c: {  	s7 =	sld [smem:$0x3FA5]  }
0x2d: {  	s3 =	simm.s32 $0x108;
	s8 =	sld [smem:$0x3FA6]  }
0x2e: {  	s3 =	simm.s32 @!p0 $0x1082;
	s9 =	sld [smem:$0x3FA7]  }
0x2f: {  	lr =	sadd.s32 s0, s3;
	s0 =	sld [smem:$0x3F9E]  }
0x30: {  	s3 =	sld [smem:$0x3FA1]  }
0x31: {  	[smem:$0x3FAA] =	sst s10  }
0x32: {  	s10 =	sld [smem:$0x3FA8];
	_ =	sdelay $0x3  }
0x33: {  	p0 =	seq.s32 s10, $0x1;
	s10 =	sld [smem:$0x3FAA];
	_ =	sdelay $0x3  }
0x34: {  	[smem:$0x3FAA] =	sst s10  }
0x35: {  	s10 =	sld [smem:$0x3FA9];
	_ =	sdelay $0x3  }
0x36: {  	p1 =	seq.s32 s10, $0x1;
	s10 =	sld [smem:$0x3FAA];
	_ =	sdelay $0x3  }
0x37: {  	[smem:$0x3FAA] =	sst s10  }
0x38: {  	s10 =	sld [smem:$0x3FAB]  }
0x39: {  	_ = 	snop;
	(pc) =	sbr.ind lr, $3  }
0x3a: {  	_ = 	snop  }
0x3b: {  	_ = 	snop  }
0x3c: {  	p2 =	seq.s32 s10, $0x1;
	s10 =	sld [smem:$0x3FAA]  }
0x3d: {  	_ =	shalt  }
0x3e: {  	_ =	shalt  }
0x3f: {  	_ =	shalt  }
0x40: {  	_ =	shalt  }
0x41: {  	_ =	shalt  }
0x42: {  	_ =	shalt  }
0x43: {  	_ =	shalt  }
0x44: {  	_ =	shalt  }
0x45: {  	_ =	shalt  }
0x46: {  	_ =	shalt  }
0x47: {  	_ =	shalt  }
0x48: {  	_ =	shalt  }
0x49: {  	_ =	shalt  }
0x4a: {  	_ =	shalt  }
0x4b: {  	_ =	shalt  }
0x4c: {  	_ =	shalt  }
0x4d: {  	_ =	shalt  }
0x4e: {  	_ =	shalt  }
0x4f: {  	_ =	shalt  }
0x50: {  	_ =	shalt  }
0x51: {  	_ =	shalt  }
0x52: {  	_ =	shalt  }
0x53: {  	_ =	shalt  }
0x54: {  	_ =	shalt  }
0x55: {  	_ =	shalt  }
0x56: {  	_ =	shalt  }
0x57: {  	_ =	shalt  }
0x58: {  	_ =	shalt  }
0x59: {  	_ =	shalt  }
0x5a: {  	_ =	shalt  }
0x5b: {  	_ =	shalt  }
0x5c: {  	_ =	shalt  }
0x5d: {  	_ =	shalt  }
0x5e: {  	_ =	shalt  }
0x5f: {  	_ =	shalt  }
0x60: {  	_ =	shalt  }
0x61: {  	_ =	shalt  }
0x62: {  	_ =	shalt  }
0x63: {  	_ =	shalt  }
0x64: {  	_ =	shalt  }
0x65: {  	_ =	shalt  }
0x66: {  	_ =	shalt  }
0x67: {  	_ =	shalt  }
0x68: {  	_ =	shalt  }
0x69: {  	_ =	shalt  }
0x6a: {  	_ =	shalt  }
0x6b: {  	_ =	shalt  }
0x6c: {  	_ =	shalt  }
0x6d: {  	_ =	shalt  }
0x6e: {  	_ =	shalt  }
0x6f: {  	_ =	shalt  }
0x70: {  	_ =	shalt  }
0x71: {  	_ =	shalt  }
0x72: {  	_ =	shalt  }
0x73: {  	_ =	shalt  }
0x74: {  	_ =	shalt  }
0x75: {  	_ =	shalt  }
0x76: {  	_ =	shalt  }
0x77: {  	_ =	shalt  }
0x78: {  	_ =	shalt  }
0x79: {  	_ =	shalt  }
0x7a: {  	_ =	shalt  }
0x7b: {  	_ =	shalt  }
0x7c: {  	_ =	shalt  }
0x7d: {  	_ =	shalt  }
0x7e: {  	_ =	shalt  }
0x7f: {  	_ =	shalt  }
0x80: {  	_ =	shalt  }
0x81: {  	_ =	shalt  }
0x82: {  	_ =	shalt  }
0x83: {  	_ =	shalt  }
0x84: {  	_ =	shalt  }
0x85: {  	_ =	shalt  }
0x86: {  	_ =	shalt  }
0x87: {  	_ =	shalt  }
.Lfunc_end0:
.L_simem_size_0:
called_computation_lowered:
.L_overlay_start_0:
0x88: {  	s2 =	sld [smem:$0x3FD9]  }
0x89: {  	s3 =	sld [smem:$0x3FFE];
	_ =	sdelay $0x1  }
0x8a: {  	s1 =	srdreg.scid  }
0x8b: {  	s0 =	sand.u32 $0x1, s1  }
0x8c: {  	s14 =	sshll.u32 s0, $0xA;
	s2 =	sadd.s32 s3, s2  }
0x8d: {  	s2 =	sadd.s32 s2, s14  }
0x8e: {  	[smem:$0x3FB6] =	sst s2  }
0x8f: {  	_ = 	snop  }
0x90: {  	s2 =	sld [smem:$0x3FD0];
	_ =	sdelay $0x2  }
0x91: {  	s15 =	simm.s32 $0xB;
	s4 =	simm.s32 $0x10  }
0x92: {  	[smem:s4], [sflag:s15] =	dma.local [hbm:s2], $0x1  }
0x93: {  	_ =	swait.eq [sflag:s15], $0x1  }
0x94: {  	[sflag:s15] =	ssyncset.done $0x0  }
0x95: {  	[sflag:s15] =	ssyncadd.s32 $0xFFFFFFFF  }
0x96: {  	s16 =	sld [smem:$0x11];
	(tm) =	ssettm $0x1  }
0x97: {  	s17 =	sld [smem:$0x3FFB];
	_ =	sdelay $0x3  }
0x98: {  	_ =	strace s17  }
0x99: {  	s3 =	sld [smem:$0x3FFC];
	_ =	sdelay $0x3  }
0x9a: {  	_ =	strace s3  }
0x9b: {  	s3 =	sld [smem:$0x3FFD];
	_ =	sdelay $0x3  }
0x9c: {  	_ =	strace s3  }
0x9d: {  	_ =	strace $0x8FFFFFFF  }
0x9e: {  	s18 =	sld [smem:$0x3FDB];
	_ =	sdelay $0x1  }
0x9f: {  	s19 =	simm.s32 $_scs_section_size  }
0xa0: {  	s5 =	simm.s32 $_size__tile_overlayer_lowered;
	s6 =	simm.s32 $_tile_overlayer_lowered  }
0xa1: {  	s22 =	simm.s32 $0x1BFF;
	s21 =	sshll.u32 s6, $0x1;
	s3 =	sadd.s32 s19, s18  }
0xa2: {  	s7 =	simm.s32 $0x0;
	s20 =	sshll.u32 s5, $0x1;
	s5 =	sadd.s32 s21, s3  }
0xa3: {  	[timem:s7], [sflag:s22] =	dma.local [hbm:s5], s20  }
0xa4: {  	_ =	swait.ge [sflag:s22], s20  }
0xa5: {  	s4 =	ssub.s32 $0x0, s20;
	[sflag:s22] =	ssyncset.done $0x0  }
0xa6: {  	[sflag:s22] =	ssyncadd.s32 s4;
	_ =	sdelay $0x1  }
0xa7: {  	s23 =	simm.s32 $0x1B8B  }
0xa8: {  	_ =	swait.ge [sflag:s23], $0x1  }
0xa9: {  	[sflag:s23] =	ssyncset.done $0x0  }
0xaa: {  	s25 =	simm.s32 $0x1B8E;
	s24 =	sld [smem:$0x3FFE];
	[sflag:s23] =	ssyncadd.s32 $0xFFFFFFFF  }
0xab: {  	s26 =	simm.s32 $execute0_lowered;
	[smem:$0x3FD2] =	sst s25  }
0xac: {  	s5 =	sshll.u32 s26, $0x1;
	_ =	strace $0x80000046;
	[dreg:$0x1] =	wrdreg $0xFFFFFFFF  }
0xad: {  	s28 =	simm.s32 $_size_execute0_lowered;
	s3 =	sadd.s32 s3, s5;
	[dreg:$0x0] =	wrdreg $0x0  }
0xae: {  	s5 =	sshll.u32 s28, $0x1;
	[dreg:$0x2] =	wrdreg s3  }
0xaf: {  	[dreg:$0x3] =	wrdreg s5  }
0xb0: {  	[dreg:$0x4] =	wrdreg $0xC0  }
0xb1: {  	_ =	task [dreg:s7], $0x5FFFF  }
0xb2: {  	[dreg:$0x1] =	wrdreg $0xFFFFFFFF  }
0xb3: {  	[dreg:$0x0] =	wrdreg $0x60  }
0xb4: {  	[dreg:$0x2] =	wrdreg s16  }
0xb5: {  	[dreg:$0x3] =	wrdreg s24  }
0xb6: {  	[dreg:$0x4] =	wrdreg $0x9  }
0xb7: {  	_ =	task.clear_ibuf [dreg:s7], $0x5FFFF;
	_ =	strace $0x90000046  }
0xb8: {  	s29 =	simm.s32 $0x9;
	_ =	strace $0x80000048  }
0xb9: {  	_ =	swait.ge [sflag:s29], $0x1  }
0xba: {  	[sflag:s29] =	ssyncadd.s32 $0xFFFFFFFF  }
0xbb: {  	_ =	strace $0x90000048  }
0xbc: {  	_ =	sfence  }
0xbd: {  	s30 =	sld [smem:$0x0];
	_ =	sdelay $0x2  }
0xbe: {  	s31 =	sshll.u32 s1, $0xD;
	s1 =	sshrl.u32 s1, $0x2  }
0xbf: {  	s3 =	sand.u32 $0x4000, s31;
	s1 =	sadd.s32 s1, s30  }
0xc0: {  	s0 =	sor.u32 s3, s0;
	s1 =	sshll.u32 s1, $0x11  }
0xc1: {  	s0 =	sor.u32 s1, s0  }
0xc2: {  	s0 =	sadd.s32 $0x8F2B, s0  }
0xc3: {  	[sflag:s0] =	ssyncadd.remote.s32 $0x1  }
0xc4: {  	_ =	sfence.sel $0xFFFF  }
0xc5: {  	[dreg:$0x0] =	wrdreg $0xFFFFFFFF;
	(pc) =	sbr.abs _section_cstart, $3  }
0xc6: {  	[dreg:$0x1] =	wrdreg $0xFFFFFFFF  }
0xc7: {  	_ =	task.clear_ibuf [dreg:s7], $0x2FFFF;
	_ =	strace $0x9FFFFFFF  }
0xc8: {  	(tm) =	ssettm $0x7FFFFFFF  }
0xc9: {  	_ =	shalt  }
tec
execute0_lowered:
.L_overlay_start_1:
0x0: {  	(tag) =	ssettag $0x1  }
0x1: {  	s0 =	srdreg.scid;
	s2 =	rddreg [dreg:$0x0]  }
0x2: {  	s11 =	stileid.u32;
	s5 =	rddreg [dreg:$0x1];
	s4 =	simm.s32 $0x0  }
0x3: {  	s16 =	simm.s32 $0x4;
	s17 =	simm.s32 $0x80;
	s18 =	simm.s32 $0x1900  }
0x4: {  	s28 =	simm.s32 $0x40;
	s30 =	simm.s32 $0xB900;
	s0 =	sand.u32 $0x1, s0  }
0x5: {  	s1 =	sshll.u32 s11, $0x1;
	[smem:$0x7FF] =	sst s4;
	s19 =	smul.u32 $0x3200, s11  }
0x6: {  	s4 =	sadd.s32 $0x3C00, s5;
	s9 =	sadd.s32 $0x190C00, s5;
	s24 =	smul.u32 $0x32000, s11  }
0x7: {  	s20 =	sadd.s32 $0x190C08, s5;
	s11 =	simm.s32 $0x0;
	s21 =	smul.u32 $0x1900, s0  }
0x8: {  	s1 =	sor.u32 s0, s1;
	s8 =	ssub.s32 $0x2, s0;
	s0 =	smul.u32 $0x19000, s0  }
0x9: {  	_ =	strace $0x80000047;
	s3 =	smul.u32 $0x1900, s1;
	s10 =	sshrl.u32 s8, $0x1  }
0xa: {  	s1 =	smul.u32 $0x19000, s1;
	s8 =	ssub.s32 s8, s10;
	s10 =	simm.s32 $0x3  }
0xb: {  	s6 =	sshrl.u32 s3, $0x3;
	s3 =	sadd.s32 $0xC7200, s5;
	s22 =	smax.u32 s8, $0x1  }
0xc: {  	s23 =	sadd.s32 s9, s1;
	s25 =	sadd.s32 $0x2800, s1;
	s1 =	sadd.s32 s1, s20  }
0xd: {  	s8 =	simm.s32 $0x13900;
	s7 =	sadd.s32 s6, s5;
	[dreg:$0x5] =	wrdreg s22  }
0xe: {  	s2 =	sadd.s32 s2, s6;
	[dreg:$0x6] =	wrdreg s23;
	s5 =	sadd.s32 s21, s19  }
0xf: {  	s26 =	sadd.s32 s9, s25;
	s6 =	sadd.s32 s24, s9;
	[dreg:$0x8] =	wrdreg s1  }
0x10: {  	s19 =	simm.s32 $0x3900;
	s21 =	simm.s32 $0x5900;
	s23 =	simm.s32 $0x7900  }
0x11: {  	s1 =	simm.s32 $0xD900;
	s7 =	sadd.s32 $0x18A800, s7;
	[dreg:$0x4] =	wrdreg s2  }
0x12: {  	[dreg:$0x7] =	wrdreg s26;
	s5 =	sshll.u32 s5, $0x4;
	s0 =	sadd.s32 s0, s6  }
0x13: {  	s2 =	sadd.s32 s25, s20;
	s25 =	simm.s32 $0x9900;
	s26 =	simm.s32 $0x1  }
0x14: {  	s6 =	simm.s32 $0x11900;
	[dreg:$0x3] =	wrdreg s7;
	s31 =	sadd.s32 s9, s5  }
0x15: {  	[dreg:$0x9] =	wrdreg s2;
	s13 =	sadd.s32 $0x5000, s0;
	s15 =	sadd.s32 $0x5008, s0  }
0x16: {  	s2 =	simm.s32 $0xF900;
	s5 =	simm.s32 $0x400;
	s7 =	simm.s32 $0x480  }
0x17: {  	s9 =	simm.s32 $0x2;
	s29 =	sadd.s32 $0x7800, s31;
	s14 =	sadd.s32 $0x7808, s31  }
.LBB2_1:
0x18: {  	s0 =	simm.s32 $0x0;
	s12 =	rddreg [dreg:$0x4]  }
0x19: {  	[tilespmem:s0], [sflag:$0x4] =	stream.linear.gather [hbm4b:s12+s0], $0x1900, $0x38;
	[tilespmem:$0x15900] =	vst v63  }
0x1a: {  	_ =	swait.ge [sflag:s16], $0x1900  }
0x1b: {  	[sflag:s16] =	ssyncset.done $0x0  }
0x1c: {  	[sflag:s16] =	ssyncadd.s32 $0xFFFFE700  }
0x1d: {  	[tilespmem:s18], [sflag:$0x1] =	stream.indirect.gather [hbm4b:s3+s17], $0x40, s0, s17, $0xb8;
	[tilespmem:$0x15900] =	vst v63  }
0x1e: {  	_ = 	snop  }
0x1f: {  	[tilespmem:s19], [sflag:$0x1] =	stream.indirect.gather [hbm4b:s3+s17], $0x40, s17, s17, $0xb8;
	[tilespmem:$0x15900] =	vst v63  }
0x20: {  	s22 =	simm.s32 $0x100  }
0x21: {  	[tilespmem:s21], [sflag:$0x1] =	stream.indirect.gather [hbm4b:s3+s17], $0x40, s22, s17, $0xb8;
	[tilespmem:$0x15900] =	vst v63  }
0x22: {  	s24 =	simm.s32 $0x180  }
0x23: {  	[tilespmem:s23], [sflag:$0x1] =	stream.indirect.gather [hbm4b:s3+s17], $0x40, s24, s17, $0xb8;
	[tilespmem:$0x15900] =	vst v63  }
0x24: {  	s31 =	simm.s32 $0x200  }
0x25: {  	[tilespmem:s25], [sflag:$0x1] =	stream.indirect.gather [hbm4b:s3+s17], $0x40, s31, s17, $0xb8;
	[tilespmem:$0x15900] =	vst v63  }
0x26: {  	_ =	swait.ge [sflag:s26], $0x2000  }
0x27: {  	[sflag:s26] =	ssyncset.done $0x0  }
0x28: {  	[sflag:s26] =	ssyncadd.s32 $0xFFFFE000  }
0x29: {  	_ =	swait.ge [sflag:s26], $0x2000  }
0x2a: {  	[sflag:s26] =	ssyncset.done $0x0  }
0x2b: {  	[sflag:s26] =	ssyncadd.s32 $0xFFFFE000  }
0x2c: {  	_ =	swait.ge [sflag:s26], $0x2000  }
0x2d: {  	[sflag:s26] =	ssyncset.done $0x0  }
0x2e: {  	[sflag:s26] =	ssyncadd.s32 $0xFFFFE000  }
0x2f: {  	_ =	swait.ge [sflag:s26], $0x2000  }
0x30: {  	[sflag:s26] =	ssyncset.done $0x0  }
0x31: {  	[sflag:s26] =	ssyncadd.s32 $0xFFFFE000  }
0x32: {  	_ =	swait.ge [sflag:s26], $0x2000  }
0x33: {  	[sflag:s26] =	ssyncset.done $0x0  }
0x34: {  	s12 =	rddreg [dreg:$0x6];
	[sflag:s26] =	ssyncadd.s32 $0xFFFFE000  }
0x35: {  	[hbm4b:s12+s28] =	stream.strided.scatter [tilespmem:s18], [sflag:$0x2], $0xA000, s17, s28, $0x38;
	[tilespmem:$0x15900] =	vst v63  }
0x36: {  	s20 =	simm.s32 $0x280  }
0x37: {  	[tilespmem:s30], [sflag:$0x1] =	stream.indirect.gather [hbm4b:s3+s17], $0x40, s20, s17, $0xb8;
	[tilespmem:$0x15900] =	vst v63  }
0x38: {  	s22 =	simm.s32 $0x300  }
0x39: {  	[tilespmem:s1], [sflag:$0x1] =	stream.indirect.gather [hbm4b:s3+s17], $0x40, s22, s17, $0xb8;
	[tilespmem:$0x15900] =	vst v63  }
0x3a: {  	s24 =	simm.s32 $0x380  }
0x3b: {  	[tilespmem:s2], [sflag:$0x1] =	stream.indirect.gather [hbm4b:s3+s17], $0x40, s24, s17, $0xb8;
	[tilespmem:$0x15900] =	vst v63  }
0x3c: {  	_ = 	snop  }
0x3d: {  	[tilespmem:s6], [sflag:$0x1] =	stream.indirect.gather [hbm4b:s3+s17], $0x40, s5, s17, $0xb8;
	[tilespmem:$0x15900] =	vst v63  }
0x3e: {  	_ = 	snop  }
0x3f: {  	[tilespmem:s8], [sflag:$0x1] =	stream.indirect.gather [hbm4b:s3+s17], $0x40, s7, s17, $0xb8;
	[tilespmem:$0x15900] =	vst v63  }
0x40: {  	_ =	swait.ge [sflag:s26], $0x2000  }
0x41: {  	[sflag:s26] =	ssyncset.done $0x0  }
0x42: {  	[sflag:s26] =	ssyncadd.s32 $0xFFFFE000  }
0x43: {  	_ =	swait.ge [sflag:s26], $0x2000  }
0x44: {  	[sflag:s26] =	ssyncset.done $0x0  }
0x45: {  	[sflag:s26] =	ssyncadd.s32 $0xFFFFE000  }
0x46: {  	_ =	swait.ge [sflag:s26], $0x2000  }
0x47: {  	[sflag:s26] =	ssyncset.done $0x0  }
0x48: {  	[sflag:s26] =	ssyncadd.s32 $0xFFFFE000  }
0x49: {  	_ =	swait.ge [sflag:s26], $0x2000  }
0x4a: {  	[sflag:s26] =	ssyncset.done $0x0  }
0x4b: {  	[sflag:s26] =	ssyncadd.s32 $0xFFFFE000  }
0x4c: {  	_ =	swait.ge [sflag:s26], $0x2000  }
0x4d: {  	[sflag:s26] =	ssyncset.done $0x0  }
0x4e: {  	s31 =	rddreg [dreg:$0x7];
	[sflag:s26] =	ssyncadd.s32 $0xFFFFE000  }
0x4f: {  	[hbm4b:s31+s28] =	stream.strided.scatter [tilespmem:s30], [sflag:$0x3], $0xA000, s17, s28, $0x38;
	[tilespmem:$0x15900] =	vst v63  }
0x50: {  	_ =	swait.ge [sflag:s9], $0xA000  }
0x51: {  	[sflag:s9] =	ssyncset.done $0x0  }
0x52: {  	s0 =	simm.s32 $0x500;
	[sflag:s9] =	ssyncadd.s32 $0xFFFF6000  }
0x53: {  	[tilespmem:s18], [sflag:$0x1] =	stream.indirect.gather [hbm4b:s3+s17], $0x40, s0, s17, $0xb8;
	[tilespmem:$0x15900] =	vst v63  }
0x54: {  	s20 =	simm.s32 $0x580  }
0x55: {  	[tilespmem:s19], [sflag:$0x1] =	stream.indirect.gather [hbm4b:s3+s17], $0x40, s20, s17, $0xb8;
	[tilespmem:$0x15900] =	vst v63  }
0x56: {  	s22 =	simm.s32 $0x600  }
0x57: {  	[tilespmem:s21], [sflag:$0x1] =	stream.indirect.gather [hbm4b:s3+s17], $0x40, s22, s17, $0xb8;
	[tilespmem:$0x15900] =	vst v63  }
0x58: {  	s24 =	simm.s32 $0x680  }
0x59: {  	[tilespmem:s23], [sflag:$0x1] =	stream.indirect.gather [hbm4b:s3+s17], $0x40, s24, s17, $0xb8;
	[tilespmem:$0x15900] =	vst v63  }
0x5a: {  	s31 =	simm.s32 $0x700  }
0x5b: {  	[tilespmem:s25], [sflag:$0x1] =	stream.indirect.gather [hbm4b:s3+s17], $0x40, s31, s17, $0xb8;
	[tilespmem:$0x15900] =	vst v63  }
0x5c: {  	_ =	swait.ge [sflag:s26], $0x2000  }
0x5d: {  	[sflag:s26] =	ssyncset.done $0x0  }
0x5e: {  	[sflag:s26] =	ssyncadd.s32 $0xFFFFE000  }
0x5f: {  	_ =	swait.ge [sflag:s26], $0x2000  }
0x60: {  	[sflag:s26] =	ssyncset.done $0x0  }
0x61: {  	[sflag:s26] =	ssyncadd.s32 $0xFFFFE000  }
0x62: {  	_ =	swait.ge [sflag:s26], $0x2000  }
0x63: {  	[sflag:s26] =	ssyncset.done $0x0  }
0x64: {  	[sflag:s26] =	ssyncadd.s32 $0xFFFFE000  }
0x65: {  	_ =	swait.ge [sflag:s26], $0x2000  }
0x66: {  	[sflag:s26] =	ssyncset.done $0x0  }
0x67: {  	[sflag:s26] =	ssyncadd.s32 $0xFFFFE000  }
0x68: {  	_ =	swait.ge [sflag:s26], $0x2000  }
0x69: {  	[sflag:s26] =	ssyncset.done $0x0  }
0x6a: {  	[sflag:s26] =	ssyncadd.s32 $0xFFFFE000  }
0x6b: {  	[hbm4b:s13+s28] =	stream.strided.scatter [tilespmem:s18], [sflag:$0x2], $0xA000, s17, s28, $0x38;
	[tilespmem:$0x15900] =	vst v63  }
0x6c: {  	_ =	swait.ge [sflag:s10], $0xA000  }
0x6d: {  	[sflag:s10] =	ssyncset.done $0x0  }
0x6e: {  	s0 =	simm.s32 $0x780;
	[sflag:s10] =	ssyncadd.s32 $0xFFFF6000  }
0x6f: {  	[tilespmem:s30], [sflag:$0x1] =	stream.indirect.gather [hbm4b:s3+s17], $0x40, s0, s17, $0xb8;
	[tilespmem:$0x15900] =	vst v63  }
0x70: {  	s20 =	simm.s32 $0x800  }
0x71: {  	[tilespmem:s1], [sflag:$0x1] =	stream.indirect.gather [hbm4b:s3+s17], $0x40, s20, s17, $0xb8;
	[tilespmem:$0x15900] =	vst v63  }
0x72: {  	s22 =	simm.s32 $0x880  }
0x73: {  	[tilespmem:s2], [sflag:$0x1] =	stream.indirect.gather [hbm4b:s3+s17], $0x40, s22, s17, $0xb8;
	[tilespmem:$0x15900] =	vst v63  }
0x74: {  	s24 =	simm.s32 $0x900  }
0x75: {  	[tilespmem:s6], [sflag:$0x1] =	stream.indirect.gather [hbm4b:s3+s17], $0x40, s24, s17, $0xb8;
	[tilespmem:$0x15900] =	vst v63  }
0x76: {  	s31 =	simm.s32 $0x980  }
0x77: {  	[tilespmem:s8], [sflag:$0x1] =	stream.indirect.gather [hbm4b:s3+s17], $0x40, s31, s17, $0xb8;
	[tilespmem:$0x15900] =	vst v63  }
0x78: {  	_ =	swait.ge [sflag:s26], $0x2000  }
0x79: {  	[sflag:s26] =	ssyncset.done $0x0  }
0x7a: {  	[sflag:s26] =	ssyncadd.s32 $0xFFFFE000  }
0x7b: {  	_ =	swait.ge [sflag:s26], $0x2000  }
0x7c: {  	[sflag:s26] =	ssyncset.done $0x0  }
0x7d: {  	[sflag:s26] =	ssyncadd.s32 $0xFFFFE000  }
0x7e: {  	_ =	swait.ge [sflag:s26], $0x2000  }
0x7f: {  	[sflag:s26] =	ssyncset.done $0x0  }
0x80: {  	[sflag:s26] =	ssyncadd.s32 $0xFFFFE000  }
0x81: {  	_ =	swait.ge [sflag:s26], $0x2000  }
0x82: {  	[sflag:s26] =	ssyncset.done $0x0  }
0x83: {  	[sflag:s26] =	ssyncadd.s32 $0xFFFFE000  }
0x84: {  	_ =	swait.ge [sflag:s26], $0x2000  }
0x85: {  	s12 =	smov.u32 s29;
	s20 =	simm.s32 $0x1400;
	[sflag:s26] =	ssyncset.done $0x0  }
0x86: {  	s22 =	sadd.s32 $0x5000, s29;
	s24 =	sadd.s32 $0x5000, s13;
	[sflag:s26] =	ssyncadd.s32 $0xFFFFE000  }
.LBB2_2:
0x87: {  	[hbm4b:s12+s28] =	stream.strided.scatter [tilespmem:s30], [sflag:$0x3], $0xA000, s17, s28, $0x38;
	[tilespmem:$0x15900] =	vst v63  }
0x88: {  	s31 =	smov.u32 s20;
	s12 =	smov.u32 s22  }
0x89: {  	p0 =	sne.s32 s20, $0x3C00;
	s20 =	sadd.s32 $0x1400, s20;
	_ =	swait.ge [sflag:s9], $0xA000  }
0x8a: {  	s31 =	sshra.s32 s31, $0x2;
	[sflag:s9] =	ssyncset.done $0x0  }
0x8b: {  	s0 =	sadd.s32 $0x500, s31;
	[sflag:s9] =	ssyncadd.s32 $0xFFFF6000  }
0x8c: {  	[tilespmem:s18], [sflag:$0x1] =	stream.indirect.gather [hbm4b:s3+s17], $0x40, s0, s17, $0xb8;
	[tilespmem:$0x15900] =	vst v63  }
0x8d: {  	s0 =	sadd.s32 $0x580, s31  }
0x8e: {  	[tilespmem:s19], [sflag:$0x1] =	stream.indirect.gather [hbm4b:s3+s17], $0x40, s0, s17, $0xb8;
	[tilespmem:$0x15900] =	vst v63  }
0x8f: {  	s0 =	sadd.s32 $0x600, s31  }
0x90: {  	[tilespmem:s21], [sflag:$0x1] =	stream.indirect.gather [hbm4b:s3+s17], $0x40, s0, s17, $0xb8;
	[tilespmem:$0x15900] =	vst v63  }
0x91: {  	s0 =	sadd.s32 $0x680, s31  }
0x92: {  	[tilespmem:s23], [sflag:$0x1] =	stream.indirect.gather [hbm4b:s3+s17], $0x40, s0, s17, $0xb8;
	[tilespmem:$0x15900] =	vst v63  }
0x93: {  	s0 =	sadd.s32 $0x700, s31  }
0x94: {  	[tilespmem:s25], [sflag:$0x1] =	stream.indirect.gather [hbm4b:s3+s17], $0x40, s0, s17, $0xb8;
	[tilespmem:$0x15900] =	vst v63  }
0x95: {  	_ =	swait.ge [sflag:s26], $0x2000  }
0x96: {  	[sflag:s26] =	ssyncset.done $0x0  }
0x97: {  	[sflag:s26] =	ssyncadd.s32 $0xFFFFE000  }
0x98: {  	_ =	swait.ge [sflag:s26], $0x2000  }
0x99: {  	[sflag:s26] =	ssyncset.done $0x0  }
0x9a: {  	[sflag:s26] =	ssyncadd.s32 $0xFFFFE000  }
0x9b: {  	_ =	swait.ge [sflag:s26], $0x2000  }
0x9c: {  	[sflag:s26] =	ssyncset.done $0x0  }
0x9d: {  	[sflag:s26] =	ssyncadd.s32 $0xFFFFE000  }
0x9e: {  	_ =	swait.ge [sflag:s26], $0x2000  }
0x9f: {  	[sflag:s26] =	ssyncset.done $0x0  }
0xa0: {  	[sflag:s26] =	ssyncadd.s32 $0xFFFFE000  }
0xa1: {  	_ =	swait.ge [sflag:s26], $0x2000  }
0xa2: {  	[sflag:s26] =	ssyncset.done $0x0  }
0xa3: {  	[sflag:s26] =	ssyncadd.s32 $0xFFFFE000  }
0xa4: {  	[hbm4b:s24+s28] =	stream.strided.scatter [tilespmem:s18], [sflag:$0x2], $0xA000, s17, s28, $0x38;
	[tilespmem:$0x15900] =	vst v63  }
0xa5: {  	_ =	swait.ge [sflag:s10], $0xA000  }
0xa6: {  	[sflag:s10] =	ssyncset.done $0x0  }
0xa7: {  	s0 =	sadd.s32 $0x780, s31;
	[sflag:s10] =	ssyncadd.s32 $0xFFFF6000  }
0xa8: {  	[tilespmem:s30], [sflag:$0x1] =	stream.indirect.gather [hbm4b:s3+s17], $0x40, s0, s17, $0xb8;
	[tilespmem:$0x15900] =	vst v63  }
0xa9: {  	s0 =	sadd.s32 $0x800, s31  }
0xaa: {  	[tilespmem:s1], [sflag:$0x1] =	stream.indirect.gather [hbm4b:s3+s17], $0x40, s0, s17, $0xb8;
	[tilespmem:$0x15900] =	vst v63  }
0xab: {  	s0 =	sadd.s32 $0x880, s31  }
0xac: {  	[tilespmem:s2], [sflag:$0x1] =	stream.indirect.gather [hbm4b:s3+s17], $0x40, s0, s17, $0xb8;
	[tilespmem:$0x15900] =	vst v63  }
0xad: {  	s0 =	sadd.s32 $0x900, s31  }
0xae: {  	[tilespmem:s6], [sflag:$0x1] =	stream.indirect.gather [hbm4b:s3+s17], $0x40, s0, s17, $0xb8;
	[tilespmem:$0x15900] =	vst v63  }
0xaf: {  	s0 =	sadd.s32 $0x980, s31  }
0xb0: {  	[tilespmem:s8], [sflag:$0x1] =	stream.indirect.gather [hbm4b:s3+s17], $0x40, s0, s17, $0xb8;
	[tilespmem:$0x15900] =	vst v63  }
0xb1: {  	_ =	swait.ge [sflag:s26], $0x2000  }
0xb2: {  	[sflag:s26] =	ssyncset.done $0x0  }
0xb3: {  	[sflag:s26] =	ssyncadd.s32 $0xFFFFE000  }
0xb4: {  	_ =	swait.ge [sflag:s26], $0x2000  }
0xb5: {  	[sflag:s26] =	ssyncset.done $0x0  }
0xb6: {  	[sflag:s26] =	ssyncadd.s32 $0xFFFFE000  }
0xb7: {  	_ =	swait.ge [sflag:s26], $0x2000  }
0xb8: {  	[sflag:s26] =	ssyncset.done $0x0  }
0xb9: {  	[sflag:s26] =	ssyncadd.s32 $0xFFFFE000  }
0xba: {  	_ =	swait.ge [sflag:s26], $0x2000  }
.Ltmp0:
0xbb: {  	[sflag:s26] =	ssyncset.done $0x0;
	(pc) =	sbr.rel @p0 .LBB2_2-.Ltmp0, $4  }
0xbc: {  	[sflag:s26] =	ssyncadd.s32 $0xFFFFE000  }
0xbd: {  	_ =	swait.ge [sflag:s26], $0x2000  }
0xbe: {  	[sflag:s26] =	ssyncset.done $0x0  }
0xbf: {  	s22 =	sadd.s32 $0x5000, s22;
	s24 =	sadd.s32 $0x5000, s24;
	[sflag:s26] =	ssyncadd.s32 $0xFFFFE000  }
0xc0: {  	[hbm4b:s12+s28] =	stream.strided.scatter [tilespmem:s30], [sflag:$0x3], $0xA000, s17, s28, $0x38;
	[tilespmem:$0x15900] =	vst v63  }
0xc1: {  	_ =	swait.ge [sflag:s9], $0xA000  }
0xc2: {  	[sflag:s9] =	ssyncset.done $0x0  }
0xc3: {  	[sflag:s9] =	ssyncadd.s32 $0xFFFF6000  }
0xc4: {  	_ =	swait.ge [sflag:s10], $0xA000  }
0xc5: {  	[sflag:s10] =	ssyncset.done $0x0  }
0xc6: {  	s0 =	simm.s32 $0x0;
	s20 =	rddreg [dreg:$0x3];
	[sflag:s10] =	ssyncadd.s32 $0xFFFF6000  }
0xc7: {  	[tilespmem:s0], [sflag:$0x4] =	stream.linear.gather [hbm4b:s20+s0], $0x1900, $0x38;
	[tilespmem:$0x15900] =	vst v63  }
0xc8: {  	_ =	swait.ge [sflag:s16], $0x1900  }
0xc9: {  	[sflag:s16] =	ssyncset.done $0x0  }
0xca: {  	[sflag:s16] =	ssyncadd.s32 $0xFFFFE700  }
0xcb: {  	[tilespmem:s18], [sflag:$0x1] =	stream.indirect.gather [hbm4b:s4+s17], $0x40, s0, s17, $0xb8;
	[tilespmem:$0x15900] =	vst v63  }
0xcc: {  	_ = 	snop  }
0xcd: {  	[tilespmem:s19], [sflag:$0x1] =	stream.indirect.gather [hbm4b:s4+s17], $0x40, s17, s17, $0xb8;
	[tilespmem:$0x15900] =	vst v63  }
0xce: {  	s22 =	simm.s32 $0x100  }
0xcf: {  	[tilespmem:s21], [sflag:$0x1] =	stream.indirect.gather [hbm4b:s4+s17], $0x40, s22, s17, $0xb8;
	[tilespmem:$0x15900] =	vst v63  }
0xd0: {  	s24 =	simm.s32 $0x180  }
0xd1: {  	[tilespmem:s23], [sflag:$0x1] =	stream.indirect.gather [hbm4b:s4+s17], $0x40, s24, s17, $0xb8;
	[tilespmem:$0x15900] =	vst v63  }
0xd2: {  	s31 =	simm.s32 $0x200  }
0xd3: {  	[tilespmem:s25], [sflag:$0x1] =	stream.indirect.gather [hbm4b:s4+s17], $0x40, s31, s17, $0xb8;
	[tilespmem:$0x15900] =	vst v63  }
0xd4: {  	_ =	swait.ge [sflag:s26], $0x2000  }
0xd5: {  	[sflag:s26] =	ssyncset.done $0x0  }
0xd6: {  	[sflag:s26] =	ssyncadd.s32 $0xFFFFE000  }
0xd7: {  	_ =	swait.ge [sflag:s26], $0x2000  }
0xd8: {  	[sflag:s26] =	ssyncset.done $0x0  }
0xd9: {  	[sflag:s26] =	ssyncadd.s32 $0xFFFFE000  }
0xda: {  	_ =	swait.ge [sflag:s26], $0x2000  }
0xdb: {  	[sflag:s26] =	ssyncset.done $0x0  }
0xdc: {  	[sflag:s26] =	ssyncadd.s32 $0xFFFFE000  }
0xdd: {  	_ =	swait.ge [sflag:s26], $0x2000  }
0xde: {  	[sflag:s26] =	ssyncset.done $0x0  }
0xdf: {  	[sflag:s26] =	ssyncadd.s32 $0xFFFFE000  }
0xe0: {  	_ =	swait.ge [sflag:s26], $0x2000  }
0xe1: {  	[sflag:s26] =	ssyncset.done $0x0  }
0xe2: {  	s12 =	rddreg [dreg:$0x8];
	[sflag:s26] =	ssyncadd.s32 $0xFFFFE000  }
0xe3: {  	[hbm4b:s12+s28] =	stream.strided.scatter [tilespmem:s18], [sflag:$0x2], $0xA000, s17, s28, $0x38;
	[tilespmem:$0x15900] =	vst v63  }
0xe4: {  	s20 =	simm.s32 $0x280  }
0xe5: {  	[tilespmem:s30], [sflag:$0x1] =	stream.indirect.gather [hbm4b:s4+s17], $0x40, s20, s17, $0xb8;
	[tilespmem:$0x15900] =	vst v63  }
0xe6: {  	s22 =	simm.s32 $0x300  }
0xe7: {  	[tilespmem:s1], [sflag:$0x1] =	stream.indirect.gather [hbm4b:s4+s17], $0x40, s22, s17, $0xb8;
	[tilespmem:$0x15900] =	vst v63  }
0xe8: {  	s24 =	simm.s32 $0x380  }
0xe9: {  	[tilespmem:s2], [sflag:$0x1] =	stream.indirect.gather [hbm4b:s4+s17], $0x40, s24, s17, $0xb8;
	[tilespmem:$0x15900] =	vst v63  }
0xea: {  	_ = 	snop  }
0xeb: {  	[tilespmem:s6], [sflag:$0x1] =	stream.indirect.gather [hbm4b:s4+s17], $0x40, s5, s17, $0xb8;
	[tilespmem:$0x15900] =	vst v63  }
0xec: {  	_ = 	snop  }
0xed: {  	[tilespmem:s8], [sflag:$0x1] =	stream.indirect.gather [hbm4b:s4+s17], $0x40, s7, s17, $0xb8;
	[tilespmem:$0x15900] =	vst v63  }
0xee: {  	_ =	swait.ge [sflag:s26], $0x2000  }
0xef: {  	[sflag:s26] =	ssyncset.done $0x0  }
0xf0: {  	[sflag:s26] =	ssyncadd.s32 $0xFFFFE000  }
0xf1: {  	_ =	swait.ge [sflag:s26], $0x2000  }
0xf2: {  	[sflag:s26] =	ssyncset.done $0x0  }
0xf3: {  	[sflag:s26] =	ssyncadd.s32 $0xFFFFE000  }
0xf4: {  	_ =	swait.ge [sflag:s26], $0x2000  }
0xf5: {  	[sflag:s26] =	ssyncset.done $0x0  }
0xf6: {  	[sflag:s26] =	ssyncadd.s32 $0xFFFFE000  }
0xf7: {  	_ =	swait.ge [sflag:s26], $0x2000  }
0xf8: {  	[sflag:s26] =	ssyncset.done $0x0  }
0xf9: {  	[sflag:s26] =	ssyncadd.s32 $0xFFFFE000  }
0xfa: {  	_ =	swait.ge [sflag:s26], $0x2000  }
0xfb: {  	[sflag:s26] =	ssyncset.done $0x0  }
0xfc: {  	s31 =	rddreg [dreg:$0x9];
	[sflag:s26] =	ssyncadd.s32 $0xFFFFE000  }
0xfd: {  	[hbm4b:s31+s28] =	stream.strided.scatter [tilespmem:s30], [sflag:$0x3], $0xA000, s17, s28, $0x38;
	[tilespmem:$0x15900] =	vst v63  }
0xfe: {  	_ =	swait.ge [sflag:s9], $0xA000  }
0xff: {  	[sflag:s9] =	ssyncset.done $0x0  }
0x100: {  	s12 =	simm.s32 $0x500;
	[sflag:s9] =	ssyncadd.s32 $0xFFFF6000  }
0x101: {  	[tilespmem:s18], [sflag:$0x1] =	stream.indirect.gather [hbm4b:s4+s17], $0x40, s12, s17, $0xb8;
	[tilespmem:$0x15900] =	vst v63  }
0x102: {  	s20 =	simm.s32 $0x580  }
0x103: {  	[tilespmem:s19], [sflag:$0x1] =	stream.indirect.gather [hbm4b:s4+s17], $0x40, s20, s17, $0xb8;
	[tilespmem:$0x15900] =	vst v63  }
0x104: {  	s22 =	simm.s32 $0x600  }
0x105: {  	[tilespmem:s21], [sflag:$0x1] =	stream.indirect.gather [hbm4b:s4+s17], $0x40, s22, s17, $0xb8;
	[tilespmem:$0x15900] =	vst v63  }
0x106: {  	s24 =	simm.s32 $0x680  }
0x107: {  	[tilespmem:s23], [sflag:$0x1] =	stream.indirect.gather [hbm4b:s4+s17], $0x40, s24, s17, $0xb8;
	[tilespmem:$0x15900] =	vst v63  }
0x108: {  	s31 =	simm.s32 $0x700  }
0x109: {  	[tilespmem:s25], [sflag:$0x1] =	stream.indirect.gather [hbm4b:s4+s17], $0x40, s31, s17, $0xb8;
	[tilespmem:$0x15900] =	vst v63  }
0x10a: {  	_ =	swait.ge [sflag:s26], $0x2000  }
0x10b: {  	[sflag:s26] =	ssyncset.done $0x0  }
0x10c: {  	[sflag:s26] =	ssyncadd.s32 $0xFFFFE000  }
0x10d: {  	_ =	swait.ge [sflag:s26], $0x2000  }
0x10e: {  	[sflag:s26] =	ssyncset.done $0x0  }
0x10f: {  	[sflag:s26] =	ssyncadd.s32 $0xFFFFE000  }
0x110: {  	_ =	swait.ge [sflag:s26], $0x2000  }
0x111: {  	[sflag:s26] =	ssyncset.done $0x0  }
0x112: {  	[sflag:s26] =	ssyncadd.s32 $0xFFFFE000  }
0x113: {  	_ =	swait.ge [sflag:s26], $0x2000  }
0x114: {  	[sflag:s26] =	ssyncset.done $0x0  }
0x115: {  	[sflag:s26] =	ssyncadd.s32 $0xFFFFE000  }
0x116: {  	_ =	swait.ge [sflag:s26], $0x2000  }
0x117: {  	[sflag:s26] =	ssyncset.done $0x0  }
0x118: {  	[sflag:s26] =	ssyncadd.s32 $0xFFFFE000  }
0x119: {  	[hbm4b:s15+s28] =	stream.strided.scatter [tilespmem:s18], [sflag:$0x2], $0xA000, s17, s28, $0x38;
	[tilespmem:$0x15900] =	vst v63  }
0x11a: {  	_ =	swait.ge [sflag:s10], $0xA000  }
0x11b: {  	[sflag:s10] =	ssyncset.done $0x0  }
0x11c: {  	s12 =	simm.s32 $0x780;
	[sflag:s10] =	ssyncadd.s32 $0xFFFF6000  }
0x11d: {  	[tilespmem:s30], [sflag:$0x1] =	stream.indirect.gather [hbm4b:s4+s17], $0x40, s12, s17, $0xb8;
	[tilespmem:$0x15900] =	vst v63  }
0x11e: {  	s20 =	simm.s32 $0x800  }
0x11f: {  	[tilespmem:s1], [sflag:$0x1] =	stream.indirect.gather [hbm4b:s4+s17], $0x40, s20, s17, $0xb8;
	[tilespmem:$0x15900] =	vst v63  }
0x120: {  	s22 =	simm.s32 $0x880  }
0x121: {  	[tilespmem:s2], [sflag:$0x1] =	stream.indirect.gather [hbm4b:s4+s17], $0x40, s22, s17, $0xb8;
	[tilespmem:$0x15900] =	vst v63  }
0x122: {  	s24 =	simm.s32 $0x900  }
0x123: {  	[tilespmem:s6], [sflag:$0x1] =	stream.indirect.gather [hbm4b:s4+s17], $0x40, s24, s17, $0xb8;
	[tilespmem:$0x15900] =	vst v63  }
0x124: {  	s31 =	simm.s32 $0x980  }
0x125: {  	[tilespmem:s8], [sflag:$0x1] =	stream.indirect.gather [hbm4b:s4+s17], $0x40, s31, s17, $0xb8;
	[tilespmem:$0x15900] =	vst v63  }
0x126: {  	_ =	swait.ge [sflag:s26], $0x2000  }
0x127: {  	[sflag:s26] =	ssyncset.done $0x0  }
0x128: {  	[sflag:s26] =	ssyncadd.s32 $0xFFFFE000  }
0x129: {  	_ =	swait.ge [sflag:s26], $0x2000  }
0x12a: {  	[sflag:s26] =	ssyncset.done $0x0  }
0x12b: {  	[sflag:s26] =	ssyncadd.s32 $0xFFFFE000  }
0x12c: {  	_ =	swait.ge [sflag:s26], $0x2000  }
0x12d: {  	[sflag:s26] =	ssyncset.done $0x0  }
0x12e: {  	[sflag:s26] =	ssyncadd.s32 $0xFFFFE000  }
0x12f: {  	_ =	swait.ge [sflag:s26], $0x2000  }
0x130: {  	[sflag:s26] =	ssyncset.done $0x0  }
0x131: {  	[sflag:s26] =	ssyncadd.s32 $0xFFFFE000  }
0x132: {  	_ =	swait.ge [sflag:s26], $0x2000  }
0x133: {  	s12 =	smov.u32 s14;
	s20 =	simm.s32 $0x1400;
	[sflag:s26] =	ssyncset.done $0x0  }
0x134: {  	s22 =	sadd.s32 $0x5000, s14;
	s24 =	sadd.s32 $0x5000, s15;
	[sflag:s26] =	ssyncadd.s32 $0xFFFFE000  }
.LBB2_4:
0x135: {  	[hbm4b:s12+s28] =	stream.strided.scatter [tilespmem:s30], [sflag:$0x3], $0xA000, s17, s28, $0x38;
	[tilespmem:$0x15900] =	vst v63  }
0x136: {  	s0 =	smov.u32 s20;
	s12 =	smov.u32 s22  }
0x137: {  	p0 =	sne.s32 s20, $0x3C00;
	s20 =	sadd.s32 $0x1400, s20;
	_ =	swait.ge [sflag:s9], $0xA000  }
0x138: {  	s31 =	sshra.s32 s0, $0x2;
	[sflag:s9] =	ssyncset.done $0x0  }
0x139: {  	s0 =	sadd.s32 $0x500, s31;
	[sflag:s9] =	ssyncadd.s32 $0xFFFF6000  }
0x13a: {  	[tilespmem:s18], [sflag:$0x1] =	stream.indirect.gather [hbm4b:s4+s17], $0x40, s0, s17, $0xb8;
	[tilespmem:$0x15900] =	vst v63  }
0x13b: {  	s0 =	sadd.s32 $0x580, s31  }
0x13c: {  	[tilespmem:s19], [sflag:$0x1] =	stream.indirect.gather [hbm4b:s4+s17], $0x40, s0, s17, $0xb8;
	[tilespmem:$0x15900] =	vst v63  }
0x13d: {  	s0 =	sadd.s32 $0x600, s31  }
0x13e: {  	[tilespmem:s21], [sflag:$0x1] =	stream.indirect.gather [hbm4b:s4+s17], $0x40, s0, s17, $0xb8;
	[tilespmem:$0x15900] =	vst v63  }
0x13f: {  	s0 =	sadd.s32 $0x680, s31  }
0x140: {  	[tilespmem:s23], [sflag:$0x1] =	stream.indirect.gather [hbm4b:s4+s17], $0x40, s0, s17, $0xb8;
	[tilespmem:$0x15900] =	vst v63  }
0x141: {  	s0 =	sadd.s32 $0x700, s31  }
0x142: {  	[tilespmem:s25], [sflag:$0x1] =	stream.indirect.gather [hbm4b:s4+s17], $0x40, s0, s17, $0xb8;
	[tilespmem:$0x15900] =	vst v63  }
0x143: {  	_ =	swait.ge [sflag:s26], $0x2000  }
0x144: {  	[sflag:s26] =	ssyncset.done $0x0  }
0x145: {  	[sflag:s26] =	ssyncadd.s32 $0xFFFFE000  }
0x146: {  	_ =	swait.ge [sflag:s26], $0x2000  }
0x147: {  	[sflag:s26] =	ssyncset.done $0x0  }
0x148: {  	[sflag:s26] =	ssyncadd.s32 $0xFFFFE000  }
0x149: {  	_ =	swait.ge [sflag:s26], $0x2000  }
0x14a: {  	[sflag:s26] =	ssyncset.done $0x0  }
0x14b: {  	[sflag:s26] =	ssyncadd.s32 $0xFFFFE000  }
0x14c: {  	_ =	swait.ge [sflag:s26], $0x2000  }
0x14d: {  	[sflag:s26] =	ssyncset.done $0x0  }
0x14e: {  	[sflag:s26] =	ssyncadd.s32 $0xFFFFE000  }
0x14f: {  	_ =	swait.ge [sflag:s26], $0x2000  }
0x150: {  	[sflag:s26] =	ssyncset.done $0x0  }
0x151: {  	[sflag:s26] =	ssyncadd.s32 $0xFFFFE000  }
0x152: {  	[hbm4b:s24+s28] =	stream.strided.scatter [tilespmem:s18], [sflag:$0x2], $0xA000, s17, s28, $0x38;
	[tilespmem:$0x15900] =	vst v63  }
0x153: {  	_ =	swait.ge [sflag:s10], $0xA000  }
0x154: {  	[sflag:s10] =	ssyncset.done $0x0  }
0x155: {  	s0 =	sadd.s32 $0x780, s31;
	[sflag:s10] =	ssyncadd.s32 $0xFFFF6000  }
0x156: {  	[tilespmem:s30], [sflag:$0x1] =	stream.indirect.gather [hbm4b:s4+s17], $0x40, s0, s17, $0xb8;
	[tilespmem:$0x15900] =	vst v63  }
0x157: {  	s0 =	sadd.s32 $0x800, s31  }
0x158: {  	[tilespmem:s1], [sflag:$0x1] =	stream.indirect.gather [hbm4b:s4+s17], $0x40, s0, s17, $0xb8;
	[tilespmem:$0x15900] =	vst v63  }
0x159: {  	s0 =	sadd.s32 $0x880, s31  }
0x15a: {  	[tilespmem:s2], [sflag:$0x1] =	stream.indirect.gather [hbm4b:s4+s17], $0x40, s0, s17, $0xb8;
	[tilespmem:$0x15900] =	vst v63  }
0x15b: {  	s0 =	sadd.s32 $0x900, s31  }
0x15c: {  	[tilespmem:s6], [sflag:$0x1] =	stream.indirect.gather [hbm4b:s4+s17], $0x40, s0, s17, $0xb8;
	[tilespmem:$0x15900] =	vst v63  }
0x15d: {  	s0 =	sadd.s32 $0x980, s31  }
0x15e: {  	[tilespmem:s8], [sflag:$0x1] =	stream.indirect.gather [hbm4b:s4+s17], $0x40, s0, s17, $0xb8;
	[tilespmem:$0x15900] =	vst v63  }
0x15f: {  	_ =	swait.ge [sflag:s26], $0x2000  }
0x160: {  	[sflag:s26] =	ssyncset.done $0x0  }
0x161: {  	[sflag:s26] =	ssyncadd.s32 $0xFFFFE000  }
0x162: {  	_ =	swait.ge [sflag:s26], $0x2000  }
0x163: {  	[sflag:s26] =	ssyncset.done $0x0  }
0x164: {  	[sflag:s26] =	ssyncadd.s32 $0xFFFFE000  }
0x165: {  	_ =	swait.ge [sflag:s26], $0x2000  }
0x166: {  	[sflag:s26] =	ssyncset.done $0x0  }
0x167: {  	[sflag:s26] =	ssyncadd.s32 $0xFFFFE000  }
0x168: {  	_ =	swait.ge [sflag:s26], $0x2000  }
.Ltmp1:
0x169: {  	[sflag:s26] =	ssyncset.done $0x0;
	(pc) =	sbr.rel @p0 .LBB2_4-.Ltmp1, $4  }
0x16a: {  	[sflag:s26] =	ssyncadd.s32 $0xFFFFE000  }
0x16b: {  	_ =	swait.ge [sflag:s26], $0x2000  }
0x16c: {  	[sflag:s26] =	ssyncset.done $0x0  }
0x16d: {  	s22 =	sadd.s32 $0x5000, s22;
	s24 =	sadd.s32 $0x5000, s24;
	[sflag:s26] =	ssyncadd.s32 $0xFFFFE000  }
0x16e: {  	[hbm4b:s12+s28] =	stream.strided.scatter [tilespmem:s30], [sflag:$0x3], $0xA000, s17, s28, $0x38;
	[tilespmem:$0x15900] =	vst v63  }
0x16f: {  	_ =	swait.ge [sflag:s9], $0xA000  }
0x170: {  	[sflag:s9] =	ssyncset.done $0x0  }
0x171: {  	[sflag:s9] =	ssyncadd.s32 $0xFFFF6000  }
0x172: {  	_ =	swait.ge [sflag:s10], $0xA000  }
0x173: {  	s11 =	sadd.s32 $0x1, s11;
	s0 =	rddreg [dreg:$0x5]  }
0x174: {  	p0 =	sne.s32 s11, s0  }
.Ltmp2:
0x175: {  	_ = 	snop;
	(pc) =	sbr.rel @p0 .LBB2_1-.Ltmp2, $3  }
0x176: {  	_ =	sdelay $0x1  }
0x177: {  	[sflag:s10] =	ssyncset.done $0x0  }
0x178: {  	[sflag:s10] =	ssyncadd.s32 $0xFFFF6000  }
0x179: {  	_ =	sfence.sel $0x180000  }
0x17a: {  	[bflag:$0x0] =	sbarrier.arrive $0xFFFF  }
0x17b: {  	_ =	strace $0x90000047  }
0x17c: {  	s0 =	stileid.u32;
	[bflag:$0x2] =	sbarrier.arrive $0xFFFF  }
0x17d: {  	p0 =	sne.s32 s0, $0x0;
	s0 =	rddreg [dreg:$0x2]  }
0x17e: {  	s0 =	sadd.s32 @!p0 $0x100000, s0  }
0x17f: {  	[sflag:s0] =	ssyncadd.tile.s32 @!p0 $0x1;
	_ =	shalt  }
.Lfunc_end2:
_tile_overlayer_lowered:
.L_overlay_start_2:
0x180: {  	(tag) =	ssettag $0x2  }
0x181: {  	s0 =	rddreg [dreg:$0x0];
	s2 =	stileid.u32  }
0x182: {  	s1 =	rddreg [dreg:$0x1];
	p0 =	sne.s32 s2, $0x0  }
0x183: {  	s3 =	rddreg [dreg:$0x2];
	[bflag:$0x3] =	sbarrier.arrive $0xFFFF;
	s2 =	simm.s32 @!p0 $0x1C04  }
0x184: {  	[timem:s3], [sflag:s2] =	dma.local @!p0 [hbm:s0], s1  }
0x185: {  	s0 =	simm.s32 @!p0 $0x4  }
0x186: {  	_ =	swait.ge @!p0 [sflag:s0], s1  }
0x187: {  	s1 =	ssub.s32 @!p0 $0x0, s1;
	[sflag:s0] =	ssyncset.done @!p0 $0x0  }
0x188: {  	[sflag:s0] =	ssyncadd.s32 @!p0 s1  }
0x189: {  	[bflag:$0x3] =	sbarrier.arrive $0xFFFF  }
0x18a: {  	_ =	shalt  }

// kernel: kernel.8.cloned.1.call-start
scs
__scs_entry_jumppad:
0x0: {  	(pc) =	sbr.rel $0x88, $3  }
0x1: {  	(tag) =	ssettag $0x0;
	lr =	simm.s32 $0x1  }
0x2: {  	[smem:$0x3F8F] =	sst lr;
	_ =	strace $0xD0000000  }
0x3: {  	_ = 	snop  }
0x4: {  	_ = 	snop  }
0x5: {  	_ = 	snop  }
0x6: {  	_ = 	snop  }
0x7: {  	_ = 	snop  }
__scs_overlays_trampoline_lowered:
0x8: {  	[smem:$0x3F9E] =	sst s0  }
0x9: {  	[smem:$0x3F9F] =	sst s1  }
0xa: {  	[smem:$0x3FA0] =	sst s2  }
0xb: {  	[smem:$0x3FA1] =	sst s3  }
0xc: {  	[smem:$0x3FA2] =	sst s4  }
0xd: {  	[smem:$0x3FA3] =	sst s5  }
0xe: {  	[smem:$0x3FA4] =	sst s6  }
0xf: {  	[smem:$0x3FA5] =	sst s7  }
0x10: {  	[smem:$0x3FA6] =	sst s8  }
0x11: {  	[smem:$0x3FA7] =	sst s9;
	s0 =	simm.s32 @!p0 $0x0  }
0x12: {  	s1 =	sld [smem:$0x3F8D];
	s0 =	simm.s32 @p0 $0x1  }
0x13: {  	[smem:$0x3FA8] =	sst s0;
	s0 =	simm.s32 @!p1 $0x0  }
0x14: {  	s2 =	sld [smem:$0x3F8C];
	s0 =	simm.s32 @p1 $0x1  }
0x15: {  	[smem:$0x3FA9] =	sst s0;
	s0 =	simm.s32 @!p2 $0x0  }
0x16: {  	s3 =	sld [smem:$0x3FDB];
	s0 =	simm.s32 @p2 $0x1  }
0x17: {  	s4 =	simm.s32 $0x1BF5;
	[smem:$0x3FAB] =	sst s0  }
0x18: {  	s0 =	sld [smem:$0x3F8E];
	_ =	swait.ge [sflag:s4], $0x0  }
0x19: {  	s7 =	sld [smem:$0x3F8F]  }
0x1a: {  	s8 =	sadd.s32 $0xFFFFE003, lr  }
0x1b: {  	s9 =	sadd.s32 $0xFFFFFEF7, lr;
	s5 =	simm.s32 $0xFFFFFFFF;
	p2 =	slt.u32 s8, $0xFFFFF086  }
0x1c: {  	p1 =	slt.u32 s9, $0xF7A;
	s5 =	simm.s32 @!p2 $0x0  }
0x1d: {  	s5 =	simm.s32 @p1 $0x1;
	p0 =	seq.s32 s7, s2  }
0x1e: {  	s7 =	smul.u32 @!p0 $0xF7A, s2;
	p2 =	seq.s32 @!p0 s5, $0x0  }
0x1f: {  	s9 =	smul.u32 $0xF7A, s1;
	s8 =	simm.s32 @!p0 $0x1BF5;
	p2 =	por !p2, p0  }
0x20: {  	[sflag:s8] =	ssyncset.s32 @!p0 $0xFFFFF086;
	s6 =	sadd.s32 @!p0 s3, s7;
	s7 =	simm.s32 @!p0 $0x108  }
0x21: {  	s3 =	sadd.s32 s3, s9;
	s6 =	sadd.s32 @!p0 $0x88, s6;
	s7 =	simm.s32 @p2 $0x1082  }
0x22: {  	[simem:s7], [sflag:s8] =	dma.local @!p0 [hbm:s6], $0xF7A  }
0x23: {  	s9 =	sor.u32 $0xD0000000, s2;
	s6 =	simm.s32 $0x108;
	_ =	swait.ge @!p0 [sflag:s8], $0x0  }
0x24: {  	s3 =	sadd.s32 $0x88, s3;
	s6 =	simm.s32 @!p1 $0x1082;
	[sflag:s4] =	ssyncset.s32 $0xFFFFF086  }
0x25: {  	[simem:s6], [sflag:s4] =	dma.local [hbm:s3], $0xF7A  }
0x26: {  	[smem:$0x3F8F] =	sst s1;
	(tag) =	ssettag s2;
	_ =	strace s9  }
0x27: {  	s1 =	sld [smem:$0x3F9F]  }
0x28: {  	s2 =	sld [smem:$0x3FA0]  }
0x29: {  	s4 =	sld [smem:$0x3FA2]  }
0x2a: {  	p0 =	seq.s32 s5, $0x0;
	s5 =	sld [smem:$0x3FA3]  }
0x2b: {  	s6 =	sld [smem:$0x3FA4]  }
0x2c: {  	s7 =	sld [smem:$0x3FA5]  }
0x2d: {  	s3 =	simm.s32 $0x108;
	s8 =	sld [smem:$0x3FA6]  }
0x2e: {  	s3 =	simm.s32 @!p0 $0x1082;
	s9 =	sld [smem:$0x3FA7]  }
0x2f: {  	lr =	sadd.s32 s0, s3;
	s0 =	sld [smem:$0x3F9E]  }
0x30: {  	s3 =	sld [smem:$0x3FA1]  }
0x31: {  	[smem:$0x3FAA] =	sst s10  }
0x32: {  	s10 =	sld [smem:$0x3FA8];
	_ =	sdelay $0x3  }
0x33: {  	p0 =	seq.s32 s10, $0x1;
	s10 =	sld [smem:$0x3FAA];
	_ =	sdelay $0x3  }
0x34: {  	[smem:$0x3FAA] =	sst s10  }
0x35: {  	s10 =	sld [smem:$0x3FA9];
	_ =	sdelay $0x3  }
0x36: {  	p1 =	seq.s32 s10, $0x1;
	s10 =	sld [smem:$0x3FAA];
	_ =	sdelay $0x3  }
0x37: {  	[smem:$0x3FAA] =	sst s10  }
0x38: {  	s10 =	sld [smem:$0x3FAB]  }
0x39: {  	_ = 	snop;
	(pc) =	sbr.ind lr, $3  }
0x3a: {  	_ = 	snop  }
0x3b: {  	_ = 	snop  }
0x3c: {  	p2 =	seq.s32 s10, $0x1;
	s10 =	sld [smem:$0x3FAA]  }
0x3d: {  	_ =	shalt  }
0x3e: {  	_ =	shalt  }
0x3f: {  	_ =	shalt  }
0x40: {  	_ =	shalt  }
0x41: {  	_ =	shalt  }
0x42: {  	_ =	shalt  }
0x43: {  	_ =	shalt  }
0x44: {  	_ =	shalt  }
0x45: {  	_ =	shalt  }
0x46: {  	_ =	shalt  }
0x47: {  	_ =	shalt  }
0x48: {  	_ =	shalt  }
0x49: {  	_ =	shalt  }
0x4a: {  	_ =	shalt  }
0x4b: {  	_ =	shalt  }
0x4c: {  	_ =	shalt  }
0x4d: {  	_ =	shalt  }
0x4e: {  	_ =	shalt  }
0x4f: {  	_ =	shalt  }
0x50: {  	_ =	shalt  }
0x51: {  	_ =	shalt  }
0x52: {  	_ =	shalt  }
0x53: {  	_ =	shalt  }
0x54: {  	_ =	shalt  }
0x55: {  	_ =	shalt  }
0x56: {  	_ =	shalt  }
0x57: {  	_ =	shalt  }
0x58: {  	_ =	shalt  }
0x59: {  	_ =	shalt  }
0x5a: {  	_ =	shalt  }
0x5b: {  	_ =	shalt  }
0x5c: {  	_ =	shalt  }
0x5d: {  	_ =	shalt  }
0x5e: {  	_ =	shalt  }
0x5f: {  	_ =	shalt  }
0x60: {  	_ =	shalt  }
0x61: {  	_ =	shalt  }
0x62: {  	_ =	shalt  }
0x63: {  	_ =	shalt  }
0x64: {  	_ =	shalt  }
0x65: {  	_ =	shalt  }
0x66: {  	_ =	shalt  }
0x67: {  	_ =	shalt  }
0x68: {  	_ =	shalt  }
0x69: {  	_ =	shalt  }
0x6a: {  	_ =	shalt  }
0x6b: {  	_ =	shalt  }
0x6c: {  	_ =	shalt  }
0x6d: {  	_ =	shalt  }
0x6e: {  	_ =	shalt  }
0x6f: {  	_ =	shalt  }
0x70: {  	_ =	shalt  }
0x71: {  	_ =	shalt  }
0x72: {  	_ =	shalt  }
0x73: {  	_ =	shalt  }
0x74: {  	_ =	shalt  }
0x75: {  	_ =	shalt  }
0x76: {  	_ =	shalt  }
0x77: {  	_ =	shalt  }
0x78: {  	_ =	shalt  }
0x79: {  	_ =	shalt  }
0x7a: {  	_ =	shalt  }
0x7b: {  	_ =	shalt  }
0x7c: {  	_ =	shalt  }
0x7d: {  	_ =	shalt  }
0x7e: {  	_ =	shalt  }
0x7f: {  	_ =	shalt  }
0x80: {  	_ =	shalt  }
0x81: {  	_ =	shalt  }
0x82: {  	_ =	shalt  }
0x83: {  	_ =	shalt  }
0x84: {  	_ =	shalt  }
0x85: {  	_ =	shalt  }
0x86: {  	_ =	shalt  }
0x87: {  	_ =	shalt  }
.Lfunc_end0:
.L_simem_size_0:
called_computation.1_lowered:
.L_overlay_start_0:
0x88: {  	s2 =	sld [smem:$0x3FD9]  }
0x89: {  	s3 =	sld [smem:$0x3FFE];
	_ =	sdelay $0x1  }
0x8a: {  	s1 =	srdreg.scid  }
0x8b: {  	s0 =	sand.u32 $0x1, s1  }
0x8c: {  	s15 =	sshll.u32 s0, $0xA;
	s2 =	sadd.s32 s3, s2  }
0x8d: {  	s2 =	sadd.s32 s2, s15  }
0x8e: {  	[smem:$0x3FB6] =	sst s2  }
0x8f: {  	_ = 	snop  }
0x90: {  	s2 =	sld [smem:$0x3FD0];
	_ =	sdelay $0x2  }
0x91: {  	s16 =	simm.s32 $0xB;
	s4 =	simm.s32 $0x10  }
0x92: {  	[smem:s4], [sflag:s16] =	dma.local [hbm:s2], $0x1  }
0x93: {  	_ =	swait.eq [sflag:s16], $0x1  }
0x94: {  	[sflag:s16] =	ssyncset.done $0x0  }
0x95: {  	[sflag:s16] =	ssyncadd.s32 $0xFFFFFFFF  }
0x96: {  	s17 =	sld [smem:$0x10];
	(tm) =	ssettm $0x1  }
0x97: {  	s18 =	sld [smem:$0x3FFB];
	_ =	sdelay $0x3  }
0x98: {  	_ =	strace s18  }
0x99: {  	s2 =	sld [smem:$0x3FFC];
	_ =	sdelay $0x3  }
0x9a: {  	_ =	strace s2  }
0x9b: {  	s2 =	sld [smem:$0x3FFD];
	_ =	sdelay $0x3  }
0x9c: {  	_ =	strace s2  }
0x9d: {  	_ =	strace $0x8FFFFFFF  }
0x9e: {  	s19 =	sld [smem:$0x3FDB];
	_ =	sdelay $0x1  }
0x9f: {  	s20 =	simm.s32 $_scs_section_size  }
0xa0: {  	s5 =	simm.s32 $_size__tile_overlayer_lowered;
	s6 =	simm.s32 $_tile_overlayer_lowered  }
0xa1: {  	s7 =	simm.s32 $0x1BFF;
	s21 =	sshll.u32 s6, $0x1;
	s4 =	sadd.s32 s20, s19  }
0xa2: {  	s22 =	simm.s32 $0x0;
	s5 =	sshll.u32 s5, $0x1;
	s6 =	sadd.s32 s21, s4  }
0xa3: {  	[timem:s22], [sflag:s7] =	dma.local [hbm:s6], s5  }
0xa4: {  	_ =	swait.ge [sflag:s7], s5  }
0xa5: {  	s5 =	ssub.s32 $0x0, s5;
	[sflag:s7] =	ssyncset.done $0x0  }
0xa6: {  	[sflag:s7] =	ssyncadd.s32 s5;
	_ =	sdelay $0x1  }
0xa7: {  	s23 =	simm.s32 $0x1B8B  }
0xa8: {  	_ =	swait.ge [sflag:s23], $0x1  }
0xa9: {  	[sflag:s23] =	ssyncset.done $0x0  }
0xaa: {  	[sflag:s23] =	ssyncadd.s32 $0xFFFFFFFF  }
0xab: {  	s5 =	sld [smem:$0x0]  }
0xac: {  	s6 =	sand.u32 $0xFFFFFFFE, s1  }
0xad: {  	p0 =	sne.s32 s1, s6  }
0xae: {  	s6 =	sshll.u32 @p0 s6, $0xE  }
0xaf: {  	s6 =	sadd.s32 @p0 $0x11B8D, s6;
	s7 =	sshll.u32 @p0 s5, $0x11  }
0xb0: {  	s6 =	sor.u32 @p0 s7, s6  }
0xb1: {  	[sflag:s6] =	ssyncadd.remote.s32 @p0 $0x1;
	_ =	sdelay $0x1  }
0xb2: {  	s6 =	simm.s32 @p0 $0x1B8D  }
0xb3: {  	_ =	swait.eq @p0 [sflag:s6], $0x1  }
0xb4: {  	[sflag:s6] =	ssyncadd.s32 @p0 $0xFFFFFFFF  }
0xb5: {  	s7 =	sshll.u32 @!p0 s1, $0xE  }
0xb6: {  	s7 =	sor.u32 @!p0 $0x4000, s7;
	s6 =	simm.s32 @!p0 $0x1B8D  }
0xb7: {  	s5 =	sshll.u32 @!p0 s5, $0x11;
	s7 =	sadd.s32 @!p0 $0x11B8D, s7;
	_ =	swait.eq @!p0 [sflag:s6], $0x1  }
0xb8: {  	s5 =	sor.u32 @!p0 s5, s7;
	[sflag:s6] =	ssyncadd.s32 @!p0 $0xFFFFFFFF  }
0xb9: {  	s25 =	simm.s32 $0x1B8E;
	s24 =	sld [smem:$0x3FFE];
	[sflag:s5] =	ssyncadd.remote.s32 @!p0 $0x1  }
0xba: {  	s26 =	simm.s32 $execute0_lowered;
	[smem:$0x3FD2] =	sst s25  }
0xbb: {  	s6 =	sshll.u32 s26, $0x1;
	_ =	strace $0x80000049;
	[dreg:$0x1] =	wrdreg $0xFFFFFFFF  }
0xbc: {  	s28 =	simm.s32 $_size_execute0_lowered;
	s4 =	sadd.s32 s4, s6;
	[dreg:$0x0] =	wrdreg $0x0  }
0xbd: {  	s6 =	sshll.u32 s28, $0x1;
	[dreg:$0x2] =	wrdreg s4  }
0xbe: {  	[dreg:$0x3] =	wrdreg s6  }
0xbf: {  	[dreg:$0x4] =	wrdreg $0xC0  }
0xc0: {  	_ =	task [dreg:s22], $0x5FFFF  }
0xc1: {  	[dreg:$0x1] =	wrdreg $0xFFFFFFFF  }
0xc2: {  	[dreg:$0x0] =	wrdreg $0x60  }
0xc3: {  	[dreg:$0x2] =	wrdreg s17  }
0xc4: {  	[dreg:$0x3] =	wrdreg s24  }
0xc5: {  	[dreg:$0x4] =	wrdreg $0xA  }
0xc6: {  	_ =	task.clear_ibuf [dreg:s22], $0x5FFFF;
	_ =	strace $0x90000049  }
0xc7: {  	s29 =	simm.s32 $0xA;
	_ =	strace $0x8000004B  }
0xc8: {  	_ =	swait.ge [sflag:s29], $0x1  }
0xc9: {  	[sflag:s29] =	ssyncadd.s32 $0xFFFFFFFF  }
0xca: {  	_ =	strace $0x9000004B  }
0xcb: {  	_ =	sfence  }
0xcc: {  	s30 =	sld [smem:$0x0];
	_ =	sdelay $0x2  }
0xcd: {  	s31 =	sshll.u32 s1, $0xD;
	s1 =	sshrl.u32 s1, $0x2  }
0xce: {  	s4 =	sand.u32 $0x4000, s31;
	s1 =	sadd.s32 s1, s30  }
0xcf: {  	s0 =	sor.u32 s4, s0;
	s1 =	sshll.u32 s1, $0x11  }
0xd0: {  	s0 =	sor.u32 s1, s0  }
0xd1: {  	s0 =	sadd.s32 $0x8F2B, s0  }
0xd2: {  	[sflag:s0] =	ssyncadd.remote.s32 $0x1  }
0xd3: {  	_ =	sfence.sel $0xFFFF  }
0xd4: {  	[dreg:$0x0] =	wrdreg $0xFFFFFFFF;
	(pc) =	sbr.abs _section_cstart, $3  }
0xd5: {  	[dreg:$0x1] =	wrdreg $0xFFFFFFFF  }
0xd6: {  	_ =	task.clear_ibuf [dreg:s22], $0x2FFFF;
	_ =	strace $0x9FFFFFFF  }
0xd7: {  	(tm) =	ssettm $0x7FFFFFFF  }
tec
execute0_lowered:
.L_overlay_start_1:
0x0: {  	(tag) =	ssettag $0x1  }
0x1: {  	s0 =	rddreg [dreg:$0x0]  }
0x2: {  	s1 =	rddreg [dreg:$0x1]  }
0x3: {  	s3 =	srdreg.scid;
	s11 =	stileid.u32;
	s2 =	simm.s32 $0x0  }
0x4: {  	s12 =	simm.s32 $0x1900;
	s13 =	simm.s32 $0x3900;
	s15 =	simm.s32 $0x5900  }
0x5: {  	s17 =	simm.s32 $0x7900;
	s19 =	simm.s32 $0x9900;
	s20 =	simm.s32 $0x1  }
0x6: {  	s21 =	simm.s32 $0x40;
	s23 =	simm.s32 $0xB900;
	s28 =	simm.s32 $0xF900  }
0x7: {  	s30 =	simm.s32 $0x11900;
	s14 =	simm.s32 $0x3;
	s16 =	simm.s32 $0x0  }
0x8: {  	s6 =	sand.u32 $0x1, s3;
	s25 =	sshll.u32 s11, $0x1;
	s8 =	smul.u32 $0x3200, s11  }
0x9: {  	[smem:$0x7FF] =	sst s2;
	s3 =	sadd.s32 $0x4B0C00, s1;
	s29 =	smul.u32 $0x32000, s11  }
0xa: {  	s1 =	sadd.s32 $0x574200, s1;
	s11 =	simm.s32 $0x80;
	s10 =	smul.u32 $0x1900, s6  }
0xb: {  	s4 =	sor.u32 s6, s25;
	s26 =	ssub.s32 $0x2, s6;
	s31 =	smul.u32 $0x19000, s6  }
0xc: {  	_ =	strace $0x8000004A;
	s5 =	smul.u32 $0x1900, s4;
	s9 =	sshrl.u32 s26, $0x1  }
0xd: {  	s25 =	simm.s32 $0xD900;
	s7 =	smul.u32 $0x19000, s4;
	s9 =	ssub.s32 s26, s9  }
0xe: {  	s8 =	sadd.s32 s10, s8;
	s10 =	simm.s32 $0x4;
	s5 =	sshrl.u32 s5, $0x3  }
0xf: {  	s6 =	sadd.s32 s1, s7;
	s8 =	sshll.u32 s8, $0x4;
	s4 =	sadd.s32 s0, s5  }
0x10: {  	s5 =	smax.u32 s9, $0x1;
	s0 =	sadd.s32 s29, s1;
	s1 =	sadd.s32 s1, s8  }
0x11: {  	s7 =	sadd.s32 $0x2800, s6;
	s0 =	sadd.s32 s31, s0;
	s26 =	sadd.s32 $0x7800, s1  }
0x12: {  	s1 =	simm.s32 $0x2;
	s9 =	sadd.s32 $0x5000, s0;
	s0 =	simm.s32 $0x13900  }
.LBB2_1:
0x13: {  	[tilespmem:s2], [sflag:$0x4] =	stream.linear.gather [hbm4b:s4+s2], $0x1900, $0x38;
	[tilespmem:$0x15900] =	vst v63  }
0x14: {  	_ =	swait.ge [sflag:s10], $0x1900  }
0x15: {  	[sflag:s10] =	ssyncset.done $0x0  }
0x16: {  	[sflag:s10] =	ssyncadd.s32 $0xFFFFE700  }
0x17: {  	[tilespmem:s12], [sflag:$0x1] =	stream.indirect.gather [hbm4b:s3+s11], $0x40, s2, s11, $0xb8;
	[tilespmem:$0x15900] =	vst v63  }
0x18: {  	_ = 	snop  }
0x19: {  	[tilespmem:s13], [sflag:$0x1] =	stream.indirect.gather [hbm4b:s3+s11], $0x40, s11, s11, $0xb8;
	[tilespmem:$0x15900] =	vst v63  }
0x1a: {  	s8 =	simm.s32 $0x100  }
0x1b: {  	[tilespmem:s15], [sflag:$0x1] =	stream.indirect.gather [hbm4b:s3+s11], $0x40, s8, s11, $0xb8;
	[tilespmem:$0x15900] =	vst v63  }
0x1c: {  	s29 =	simm.s32 $0x180  }
0x1d: {  	[tilespmem:s17], [sflag:$0x1] =	stream.indirect.gather [hbm4b:s3+s11], $0x40, s29, s11, $0xb8;
	[tilespmem:$0x15900] =	vst v63  }
0x1e: {  	s31 =	simm.s32 $0x200  }
0x1f: {  	[tilespmem:s19], [sflag:$0x1] =	stream.indirect.gather [hbm4b:s3+s11], $0x40, s31, s11, $0xb8;
	[tilespmem:$0x15900] =	vst v63  }
0x20: {  	_ =	swait.ge [sflag:s20], $0x2000  }
0x21: {  	[sflag:s20] =	ssyncset.done $0x0  }
0x22: {  	[sflag:s20] =	ssyncadd.s32 $0xFFFFE000  }
0x23: {  	_ =	swait.ge [sflag:s20], $0x2000  }
0x24: {  	[sflag:s20] =	ssyncset.done $0x0  }
0x25: {  	[sflag:s20] =	ssyncadd.s32 $0xFFFFE000  }
0x26: {  	_ =	swait.ge [sflag:s20], $0x2000  }
0x27: {  	[sflag:s20] =	ssyncset.done $0x0  }
0x28: {  	[sflag:s20] =	ssyncadd.s32 $0xFFFFE000  }
0x29: {  	_ =	swait.ge [sflag:s20], $0x2000  }
0x2a: {  	[sflag:s20] =	ssyncset.done $0x0  }
0x2b: {  	[sflag:s20] =	ssyncadd.s32 $0xFFFFE000  }
0x2c: {  	_ =	swait.ge [sflag:s20], $0x2000  }
0x2d: {  	[sflag:s20] =	ssyncset.done $0x0  }
0x2e: {  	[sflag:s20] =	ssyncadd.s32 $0xFFFFE000  }
0x2f: {  	[hbm4b:s6+s21] =	stream.strided.scatter [tilespmem:s12], [sflag:$0x2], $0xA000, s11, s21, $0x38;
	[tilespmem:$0x15900] =	vst v63  }
0x30: {  	s18 =	simm.s32 $0x280  }
0x31: {  	[tilespmem:s23], [sflag:$0x1] =	stream.indirect.gather [hbm4b:s3+s11], $0x40, s18, s11, $0xb8;
	[tilespmem:$0x15900] =	vst v63  }
0x32: {  	s22 =	simm.s32 $0x300  }
0x33: {  	[tilespmem:s25], [sflag:$0x1] =	stream.indirect.gather [hbm4b:s3+s11], $0x40, s22, s11, $0xb8;
	[tilespmem:$0x15900] =	vst v63  }
0x34: {  	s24 =	simm.s32 $0x380  }
0x35: {  	[tilespmem:s28], [sflag:$0x1] =	stream.indirect.gather [hbm4b:s3+s11], $0x40, s24, s11, $0xb8;
	[tilespmem:$0x15900] =	vst v63  }
0x36: {  	s29 =	simm.s32 $0x400  }
0x37: {  	[tilespmem:s30], [sflag:$0x1] =	stream.indirect.gather [hbm4b:s3+s11], $0x40, s29, s11, $0xb8;
	[tilespmem:$0x15900] =	vst v63  }
0x38: {  	s31 =	simm.s32 $0x480  }
0x39: {  	[tilespmem:s0], [sflag:$0x1] =	stream.indirect.gather [hbm4b:s3+s11], $0x40, s31, s11, $0xb8;
	[tilespmem:$0x15900] =	vst v63  }
0x3a: {  	_ =	swait.ge [sflag:s20], $0x2000  }
0x3b: {  	[sflag:s20] =	ssyncset.done $0x0  }
0x3c: {  	[sflag:s20] =	ssyncadd.s32 $0xFFFFE000  }
0x3d: {  	_ =	swait.ge [sflag:s20], $0x2000  }
0x3e: {  	[sflag:s20] =	ssyncset.done $0x0  }
0x3f: {  	[sflag:s20] =	ssyncadd.s32 $0xFFFFE000  }
0x40: {  	_ =	swait.ge [sflag:s20], $0x2000  }
0x41: {  	[sflag:s20] =	ssyncset.done $0x0  }
0x42: {  	[sflag:s20] =	ssyncadd.s32 $0xFFFFE000  }
0x43: {  	_ =	swait.ge [sflag:s20], $0x2000  }
0x44: {  	[sflag:s20] =	ssyncset.done $0x0  }
0x45: {  	[sflag:s20] =	ssyncadd.s32 $0xFFFFE000  }
0x46: {  	_ =	swait.ge [sflag:s20], $0x2000  }
0x47: {  	[sflag:s20] =	ssyncset.done $0x0  }
0x48: {  	[sflag:s20] =	ssyncadd.s32 $0xFFFFE000  }
0x49: {  	[hbm4b:s7+s21] =	stream.strided.scatter [tilespmem:s23], [sflag:$0x3], $0xA000, s11, s21, $0x38;
	[tilespmem:$0x15900] =	vst v63  }
0x4a: {  	_ =	swait.ge [sflag:s1], $0xA000  }
0x4b: {  	[sflag:s1] =	ssyncset.done $0x0  }
0x4c: {  	s18 =	simm.s32 $0x500;
	[sflag:s1] =	ssyncadd.s32 $0xFFFF6000  }
0x4d: {  	[tilespmem:s12], [sflag:$0x1] =	stream.indirect.gather [hbm4b:s3+s11], $0x40, s18, s11, $0xb8;
	[tilespmem:$0x15900] =	vst v63  }
0x4e: {  	s22 =	simm.s32 $0x580  }
0x4f: {  	[tilespmem:s13], [sflag:$0x1] =	stream.indirect.gather [hbm4b:s3+s11], $0x40, s22, s11, $0xb8;
	[tilespmem:$0x15900] =	vst v63  }
0x50: {  	s24 =	simm.s32 $0x600  }
0x51: {  	[tilespmem:s15], [sflag:$0x1] =	stream.indirect.gather [hbm4b:s3+s11], $0x40, s24, s11, $0xb8;
	[tilespmem:$0x15900] =	vst v63  }
0x52: {  	s29 =	simm.s32 $0x680  }
0x53: {  	[tilespmem:s17], [sflag:$0x1] =	stream.indirect.gather [hbm4b:s3+s11], $0x40, s29, s11, $0xb8;
	[tilespmem:$0x15900] =	vst v63  }
0x54: {  	s31 =	simm.s32 $0x700  }
0x55: {  	[tilespmem:s19], [sflag:$0x1] =	stream.indirect.gather [hbm4b:s3+s11], $0x40, s31, s11, $0xb8;
	[tilespmem:$0x15900] =	vst v63  }
0x56: {  	_ =	swait.ge [sflag:s20], $0x2000  }
0x57: {  	[sflag:s20] =	ssyncset.done $0x0  }
0x58: {  	[sflag:s20] =	ssyncadd.s32 $0xFFFFE000  }
0x59: {  	_ =	swait.ge [sflag:s20], $0x2000  }
0x5a: {  	[sflag:s20] =	ssyncset.done $0x0  }
0x5b: {  	[sflag:s20] =	ssyncadd.s32 $0xFFFFE000  }
0x5c: {  	_ =	swait.ge [sflag:s20], $0x2000  }
0x5d: {  	[sflag:s20] =	ssyncset.done $0x0  }
0x5e: {  	[sflag:s20] =	ssyncadd.s32 $0xFFFFE000  }
0x5f: {  	_ =	swait.ge [sflag:s20], $0x2000  }
0x60: {  	[sflag:s20] =	ssyncset.done $0x0  }
0x61: {  	[sflag:s20] =	ssyncadd.s32 $0xFFFFE000  }
0x62: {  	_ =	swait.ge [sflag:s20], $0x2000  }
0x63: {  	[sflag:s20] =	ssyncset.done $0x0  }
0x64: {  	[sflag:s20] =	ssyncadd.s32 $0xFFFFE000  }
0x65: {  	[hbm4b:s9+s21] =	stream.strided.scatter [tilespmem:s12], [sflag:$0x2], $0xA000, s11, s21, $0x38;
	[tilespmem:$0x15900] =	vst v63  }
0x66: {  	_ =	swait.ge [sflag:s14], $0xA000  }
0x67: {  	[sflag:s14] =	ssyncset.done $0x0  }
0x68: {  	s18 =	simm.s32 $0x780;
	[sflag:s14] =	ssyncadd.s32 $0xFFFF6000  }
0x69: {  	[tilespmem:s23], [sflag:$0x1] =	stream.indirect.gather [hbm4b:s3+s11], $0x40, s18, s11, $0xb8;
	[tilespmem:$0x15900] =	vst v63  }
0x6a: {  	s22 =	simm.s32 $0x800  }
0x6b: {  	[tilespmem:s25], [sflag:$0x1] =	stream.indirect.gather [hbm4b:s3+s11], $0x40, s22, s11, $0xb8;
	[tilespmem:$0x15900] =	vst v63  }
0x6c: {  	s24 =	simm.s32 $0x880  }
0x6d: {  	[tilespmem:s28], [sflag:$0x1] =	stream.indirect.gather [hbm4b:s3+s11], $0x40, s24, s11, $0xb8;
	[tilespmem:$0x15900] =	vst v63  }
0x6e: {  	s29 =	simm.s32 $0x900  }
0x6f: {  	[tilespmem:s30], [sflag:$0x1] =	stream.indirect.gather [hbm4b:s3+s11], $0x40, s29, s11, $0xb8;
	[tilespmem:$0x15900] =	vst v63  }
0x70: {  	s31 =	simm.s32 $0x980  }
0x71: {  	[tilespmem:s0], [sflag:$0x1] =	stream.indirect.gather [hbm4b:s3+s11], $0x40, s31, s11, $0xb8;
	[tilespmem:$0x15900] =	vst v63  }
0x72: {  	_ =	swait.ge [sflag:s20], $0x2000  }
0x73: {  	[sflag:s20] =	ssyncset.done $0x0  }
0x74: {  	[sflag:s20] =	ssyncadd.s32 $0xFFFFE000  }
0x75: {  	_ =	swait.ge [sflag:s20], $0x2000  }
0x76: {  	[sflag:s20] =	ssyncset.done $0x0  }
0x77: {  	[sflag:s20] =	ssyncadd.s32 $0xFFFFE000  }
0x78: {  	_ =	swait.ge [sflag:s20], $0x2000  }
0x79: {  	[sflag:s20] =	ssyncset.done $0x0  }
0x7a: {  	[sflag:s20] =	ssyncadd.s32 $0xFFFFE000  }
0x7b: {  	_ =	swait.ge [sflag:s20], $0x2000  }
0x7c: {  	[sflag:s20] =	ssyncset.done $0x0  }
0x7d: {  	[sflag:s20] =	ssyncadd.s32 $0xFFFFE000  }
0x7e: {  	_ =	swait.ge [sflag:s20], $0x2000  }
0x7f: {  	s8 =	smov.u32 s26;
	s18 =	simm.s32 $0x1400;
	[sflag:s20] =	ssyncset.done $0x0  }
0x80: {  	s22 =	sadd.s32 $0x5000, s26;
	s24 =	sadd.s32 $0x5000, s9;
	[sflag:s20] =	ssyncadd.s32 $0xFFFFE000  }
.LBB2_2:
0x81: {  	[hbm4b:s8+s21] =	stream.strided.scatter [tilespmem:s23], [sflag:$0x3], $0xA000, s11, s21, $0x38;
	[tilespmem:$0x15900] =	vst v63  }
0x82: {  	s29 =	smov.u32 s18;
	s8 =	smov.u32 s22  }
0x83: {  	p0 =	sne.s32 s18, $0x3C00;
	s18 =	sadd.s32 $0x1400, s18;
	_ =	swait.ge [sflag:s1], $0xA000  }
0x84: {  	s29 =	sshra.s32 s29, $0x2;
	[sflag:s1] =	ssyncset.done $0x0  }
0x85: {  	s31 =	sadd.s32 $0x500, s29;
	[sflag:s1] =	ssyncadd.s32 $0xFFFF6000  }
0x86: {  	[tilespmem:s12], [sflag:$0x1] =	stream.indirect.gather [hbm4b:s3+s11], $0x40, s31, s11, $0xb8;
	[tilespmem:$0x15900] =	vst v63  }
0x87: {  	s31 =	sadd.s32 $0x580, s29  }
0x88: {  	[tilespmem:s13], [sflag:$0x1] =	stream.indirect.gather [hbm4b:s3+s11], $0x40, s31, s11, $0xb8;
	[tilespmem:$0x15900] =	vst v63  }
0x89: {  	s31 =	sadd.s32 $0x600, s29  }
0x8a: {  	[tilespmem:s15], [sflag:$0x1] =	stream.indirect.gather [hbm4b:s3+s11], $0x40, s31, s11, $0xb8;
	[tilespmem:$0x15900] =	vst v63  }
0x8b: {  	s31 =	sadd.s32 $0x680, s29  }
0x8c: {  	[tilespmem:s17], [sflag:$0x1] =	stream.indirect.gather [hbm4b:s3+s11], $0x40, s31, s11, $0xb8;
	[tilespmem:$0x15900] =	vst v63  }
0x8d: {  	s31 =	sadd.s32 $0x700, s29  }
0x8e: {  	[tilespmem:s19], [sflag:$0x1] =	stream.indirect.gather [hbm4b:s3+s11], $0x40, s31, s11, $0xb8;
	[tilespmem:$0x15900] =	vst v63  }
0x8f: {  	_ =	swait.ge [sflag:s20], $0x2000  }
0x90: {  	[sflag:s20] =	ssyncset.done $0x0  }
0x91: {  	[sflag:s20] =	ssyncadd.s32 $0xFFFFE000  }
0x92: {  	_ =	swait.ge [sflag:s20], $0x2000  }
0x93: {  	[sflag:s20] =	ssyncset.done $0x0  }
0x94: {  	[sflag:s20] =	ssyncadd.s32 $0xFFFFE000  }
0x95: {  	_ =	swait.ge [sflag:s20], $0x2000  }
0x96: {  	[sflag:s20] =	ssyncset.done $0x0  }
0x97: {  	[sflag:s20] =	ssyncadd.s32 $0xFFFFE000  }
0x98: {  	_ =	swait.ge [sflag:s20], $0x2000  }
0x99: {  	[sflag:s20] =	ssyncset.done $0x0  }
0x9a: {  	[sflag:s20] =	ssyncadd.s32 $0xFFFFE000  }
0x9b: {  	_ =	swait.ge [sflag:s20], $0x2000  }
0x9c: {  	[sflag:s20] =	ssyncset.done $0x0  }
0x9d: {  	[sflag:s20] =	ssyncadd.s32 $0xFFFFE000  }
0x9e: {  	[hbm4b:s24+s21] =	stream.strided.scatter [tilespmem:s12], [sflag:$0x2], $0xA000, s11, s21, $0x38;
	[tilespmem:$0x15900] =	vst v63  }
0x9f: {  	_ =	swait.ge [sflag:s14], $0xA000  }
0xa0: {  	[sflag:s14] =	ssyncset.done $0x0  }
0xa1: {  	s31 =	sadd.s32 $0x780, s29;
	[sflag:s14] =	ssyncadd.s32 $0xFFFF6000  }
0xa2: {  	[tilespmem:s23], [sflag:$0x1] =	stream.indirect.gather [hbm4b:s3+s11], $0x40, s31, s11, $0xb8;
	[tilespmem:$0x15900] =	vst v63  }
0xa3: {  	s31 =	sadd.s32 $0x800, s29  }
0xa4: {  	[tilespmem:s25], [sflag:$0x1] =	stream.indirect.gather [hbm4b:s3+s11], $0x40, s31, s11, $0xb8;
	[tilespmem:$0x15900] =	vst v63  }
0xa5: {  	s31 =	sadd.s32 $0x880, s29  }
0xa6: {  	[tilespmem:s28], [sflag:$0x1] =	stream.indirect.gather [hbm4b:s3+s11], $0x40, s31, s11, $0xb8;
	[tilespmem:$0x15900] =	vst v63  }
0xa7: {  	s31 =	sadd.s32 $0x900, s29  }
0xa8: {  	[tilespmem:s30], [sflag:$0x1] =	stream.indirect.gather [hbm4b:s3+s11], $0x40, s31, s11, $0xb8;
	[tilespmem:$0x15900] =	vst v63  }
0xa9: {  	s29 =	sadd.s32 $0x980, s29  }
0xaa: {  	[tilespmem:s0], [sflag:$0x1] =	stream.indirect.gather [hbm4b:s3+s11], $0x40, s29, s11, $0xb8;
	[tilespmem:$0x15900] =	vst v63  }
0xab: {  	_ =	swait.ge [sflag:s20], $0x2000  }
0xac: {  	[sflag:s20] =	ssyncset.done $0x0  }
0xad: {  	[sflag:s20] =	ssyncadd.s32 $0xFFFFE000  }
0xae: {  	_ =	swait.ge [sflag:s20], $0x2000  }
0xaf: {  	[sflag:s20] =	ssyncset.done $0x0  }
0xb0: {  	[sflag:s20] =	ssyncadd.s32 $0xFFFFE000  }
0xb1: {  	_ =	swait.ge [sflag:s20], $0x2000  }
0xb2: {  	[sflag:s20] =	ssyncset.done $0x0  }
0xb3: {  	[sflag:s20] =	ssyncadd.s32 $0xFFFFE000  }
0xb4: {  	_ =	swait.ge [sflag:s20], $0x2000  }
.Ltmp0:
0xb5: {  	[sflag:s20] =	ssyncset.done $0x0;
	(pc) =	sbr.rel @p0 .LBB2_2-.Ltmp0, $4  }
0xb6: {  	[sflag:s20] =	ssyncadd.s32 $0xFFFFE000  }
0xb7: {  	_ =	swait.ge [sflag:s20], $0x2000  }
0xb8: {  	[sflag:s20] =	ssyncset.done $0x0  }
0xb9: {  	s22 =	sadd.s32 $0x5000, s22;
	s24 =	sadd.s32 $0x5000, s24;
	[sflag:s20] =	ssyncadd.s32 $0xFFFFE000  }
0xba: {  	[hbm4b:s8+s21] =	stream.strided.scatter [tilespmem:s23], [sflag:$0x3], $0xA000, s11, s21, $0x38;
	[tilespmem:$0x15900] =	vst v63  }
0xbb: {  	s16 =	sadd.s32 $0x1, s16  }
0xbc: {  	_ =	swait.ge [sflag:s1], $0xA000;
	p0 =	sne.s32 s16, s5  }
.Ltmp1:
0xbd: {  	[sflag:s1] =	ssyncset.done $0x0;
	(pc) =	sbr.rel @p0 .LBB2_1-.Ltmp1, $4  }
0xbe: {  	[sflag:s1] =	ssyncadd.s32 $0xFFFF6000  }
0xbf: {  	_ =	swait.ge [sflag:s14], $0xA000  }
0xc0: {  	[sflag:s14] =	ssyncset.done $0x0  }
0xc1: {  	[sflag:s14] =	ssyncadd.s32 $0xFFFF6000  }
0xc2: {  	_ =	sfence.sel $0x180000  }
0xc3: {  	[bflag:$0x0] =	sbarrier.arrive $0xFFFF  }
0xc4: {  	_ =	strace $0x9000004A  }
0xc5: {  	s0 =	stileid.u32;
	[bflag:$0x2] =	sbarrier.arrive $0xFFFF  }
0xc6: {  	p0 =	sne.s32 s0, $0x0;
	s0 =	rddreg [dreg:$0x2]  }
0xc7: {  	s0 =	sadd.s32 @!p0 $0x100000, s0  }
0xc8: {  	[sflag:s0] =	ssyncadd.tile.s32 @!p0 $0x1;
	_ =	shalt  }
.Lfunc_end2:
_tile_overlayer_lowered:
.L_overlay_start_2:
0xc9: {  	(tag) =	ssettag $0x2  }
0xca: {  	s0 =	rddreg [dreg:$0x0];
	s2 =	stileid.u32  }
0xcb: {  	s1 =	rddreg [dreg:$0x1];
	p0 =	sne.s32 s2, $0x0  }
0xcc: {  	s3 =	rddreg [dreg:$0x2];
	[bflag:$0x3] =	sbarrier.arrive $0xFFFF;
	s2 =	simm.s32 @!p0 $0x1C04  }
0xcd: {  	[timem:s3], [sflag:s2] =	dma.local @!p0 [hbm:s0], s1  }
0xce: {  	s0 =	simm.s32 @!p0 $0x4  }
0xcf: {  	_ =	swait.ge @!p0 [sflag:s0], s1  }
0xd0: {  	s1 =	ssub.s32 @!p0 $0x0, s1;
	[sflag:s0] =	ssyncset.done @!p0 $0x0  }
0xd1: {  	[sflag:s0] =	ssyncadd.s32 @!p0 s1  }
0xd2: {  	[bflag:$0x3] =	sbarrier.arrive $0xFFFF  }
0xd3: {  	_ =	shalt  }

</sc_bundles>
